<compile_context>
chip_gen: v7x
topology: tpu7x:2x2x1
jax: 0.10.2.dev20260603
libtpu: 0.0.44.dev20260713+nightly
codegen_flags: <defaults>
</compile_context>

<pallas_src>
import functools

import jax
import jax.numpy as jnp
from jax import lax
from jax.experimental import pallas as pl
from jax.experimental.pallas import tpu as pltpu
from jax.experimental.pallas import tpu_sc as plsc

B = 16384
EMB = 32
NU = 500000
NN = 2 * NU

_NC = 2
_NS = 16
_NW = _NC * _NS
_G = 2 * B
_BPW = _G // _NW


_CH = 128
_NCH = _BPW // _CH
_LTW = 16
_SEG = 2
_BPW2 = _BPW * _SEG
_NCH2 = _BPW2 // _CH


def _sc_gather_body(mem_hbm, lt_hbm, idx2_hbm, idx_hbm, hi_hbm, rows_out,
                    lt_out, idx2_v, idx_v, hi_v, rows_v, wide_v, lt_v,
                    sem_r, sem_l):
    wid = lax.axis_index("s") * _NC + lax.axis_index("c")
    base = wid * _BPW
    pltpu.sync_copy(idx2_hbm.at[wid], idx2_v)
    pltpu.sync_copy(idx_hbm.at[wid], idx_v)
    pltpu.sync_copy(hi_hbm.at[wid], hi_v)
    copies = []
    for j in range(_NCH2):
        copies.append(pltpu.async_copy(
            mem_hbm.at[idx2_v.at[j]], rows_v.at[pl.ds(j * _CH, _CH)], sem_r))
    for j in range(_NCH):
        copies.append(pltpu.async_copy(
            lt_hbm.at[hi_v.at[j]], wide_v.at[pl.ds(j * _CH, _CH)], sem_l))
    for c in copies:
        c.wait()
    lane = lax.iota(jnp.int32, 16)
    for k in range(_BPW // 16):
        c, o = divmod(k * 16, _CH)
        ids = idx_v[c, pl.ds(o, 16)]
        vals = plsc.load_gather(wide_v, [lane + k * 16,
                                         lax.bitwise_and(ids, _LTW - 1)])
        lt_v[pl.ds(k * 16, 16)] = vals
    pltpu.sync_copy(rows_v, rows_out.at[pl.ds(base * _SEG, _BPW2)])
    pltpu.sync_copy(lt_v, lt_out.at[pl.ds(base, _BPW)])


@functools.cache
def _sc_gather():
    return pl.kernel(
        _sc_gather_body,
        out_type=(jax.ShapeDtypeStruct((_G * _SEG, _LTW), jnp.float32),
                  jax.ShapeDtypeStruct((_G,), jnp.float32)),
        mesh=plsc.VectorSubcoreMesh(core_axis_name="c", subcore_axis_name="s"),
        scratch_types=[
            pltpu.VMEM((_NCH2, _CH), jnp.int32),
            pltpu.VMEM((_NCH, _CH), jnp.int32),
            pltpu.VMEM((_NCH, _CH), jnp.int32),
            pltpu.VMEM((_BPW2, _LTW), jnp.float32),
            pltpu.VMEM((_BPW, _LTW), jnp.float32),
            pltpu.VMEM((_BPW,), jnp.float32),
            pltpu.SemaphoreType.DMA,
            pltpu.SemaphoreType.DMA,
        ],
        compiler_params=pltpu.CompilerParams(use_tc_tiling_on_sc=False,
                                             needs_layout_passes=False),
    )


_CCH = 4096
_COM = _CCH * EMB // 1024
_CGRID = (NN + _CCH - 1) // _CCH


_CQ = _CCH // 4


def _conv_body(in_ref, out_ref):
    x = in_ref[...]
    eye = (lax.broadcasted_iota(jnp.int32, (EMB, EMB), 0) ==
           lax.broadcasted_iota(jnp.int32, (EMB, EMB), 1)).astype(jnp.float32)
    t = lax.dot_general(x, eye, (((0,), (0,)), ((), ())),
                        preferred_element_type=jnp.float32)
    out_ref[...] = jnp.concatenate(
        [t[a * _CQ:(a + 1) * _CQ, :] for a in range(4)], axis=1)


@functools.cache
def _conv_call():
    return pl.pallas_call(
        _conv_body,
        grid=(_CGRID,),
        in_specs=[pl.BlockSpec((EMB, _CCH), lambda b: (0, b))],
        out_specs=pl.BlockSpec((_CQ, 128), lambda b: (b, 0)),
        out_shape=jax.ShapeDtypeStruct((_CGRID * _CQ, 128), jnp.float32),
    )


def _dense_body(ou_ref, oi_ref, lu_ref, li_ref, ts_ref, ft_ref, w_ref, b_ref,
                pr_ref, gu_ref, gi_ref):
    ou = ou_ref[...]
    oi = oi_ref[...]
    ft = ft_ref[...]
    ts = ts_ref[...]
    lu = lu_ref[...]
    li = li_ref[...]
    tw = b_ref[14]
    pu = ou * (1.0 + (ts - lu) * tw)
    pi = oi * (1.0 + (ts - li) * tw)

    def mm(x, k):
        return lax.dot_general(x, w_ref[k], (((1,), (0,)), ((), ())),
                               preferred_element_type=jnp.float32)

    def gru(xs, xp, h, wb, hb, bi, bh):
        gi_r = mm(xs, wb + 0) + mm(xp, wb + 1) + mm(ft, wb + 2) + b_ref[bi + 0]
        gi_z = mm(xs, wb + 3) + mm(xp, wb + 4) + mm(ft, wb + 5) + b_ref[bi + 1]
        gi_n = mm(xs, wb + 6) + mm(xp, wb + 7) + mm(ft, wb + 8) + b_ref[bi + 2]
        gh_r = mm(h, hb + 0) + b_ref[bh + 0]
        gh_z = mm(h, hb + 1) + b_ref[bh + 1]
        gh_n = mm(h, hb + 2) + b_ref[bh + 2]
        r = jax.nn.sigmoid(gi_r + gh_r)
        z = jax.nn.sigmoid(gi_z + gh_z)
        n = jnp.tanh(gi_n + r * gh_n)
        return (1.0 - z) * n + z * h

    nu_ = gru(pu, pi, ou, 0, 18, 0, 3)
    ni_ = gru(pi, pu, oi, 9, 21, 6, 9)
    g_u = jax.nn.sigmoid(mm(ou, 24) + mm(nu_, 25) + b_ref[12])
    gu = g_u * nu_ + (1.0 - g_u) * ou
    g_i = jax.nn.sigmoid(mm(oi, 24) + mm(ni_, 25) + b_ref[12])
    gi = g_i * ni_ + (1.0 - g_i) * oi
    pr_ref[...] = mm(gu, 26) + b_ref[13]
    gu_ref[...] = gu
    gi_ref[...] = gi


_BLK = 2048
_NB = B // _BLK


def _dense_specs():
    in_specs = [
        pl.BlockSpec((_BLK, EMB), lambda b: (b, 0)),
        pl.BlockSpec((_BLK, EMB), lambda b: (b + _NB, 0)),
        pl.BlockSpec((_BLK, 1), lambda b: (b, 0)),
        pl.BlockSpec((_BLK, 1), lambda b: (b + _NB, 0)),
        pl.BlockSpec((_BLK, 1), lambda b: (b, 0)),
        pl.BlockSpec((_BLK, EMB), lambda b: (b, 0)),
        pl.BlockSpec((27, 32, 32), lambda b: (0, 0, 0)),
        pl.BlockSpec((15, 1, 32), lambda b: (0, 0, 0)),
    ]
    out_specs = [pl.BlockSpec((_BLK, EMB), lambda b: (b, 0))] * 3
    return in_specs, out_specs


@functools.cache
def _dense_call():
    in_specs, out_specs = _dense_specs()
    return pl.pallas_call(
        _dense_body,
        grid=(_NB,),
        in_specs=in_specs,
        out_specs=out_specs,
        out_shape=[jax.ShapeDtypeStruct((B, EMB), jnp.float32)] * 3,
    )


def _pack_weights(time_w, u_Wih, u_Whh, u_bih, u_bhh, i_Wih, i_Whh, i_bih,
                  i_bhh, gate_w, gate_b, pred_w, pred_b):
    blocks = []
    for WT in (u_Wih.T, i_Wih.T):
        for g in range(3):
            for p in range(3):
                blocks.append(WT[32 * p:32 * (p + 1), 32 * g:32 * (g + 1)])
    for WhT in (u_Whh.T, i_Whh.T):
        for g in range(3):
            blocks.append(WhT[:, 32 * g:32 * (g + 1)])
    gwT = gate_w.T
    blocks.append(gwT[0:32])
    blocks.append(gwT[32:64])
    blocks.append(pred_w.T)
    wstk = jnp.stack(blocks)
    rows = []
    for bias in (u_bih, u_bhh, i_bih, i_bhh):
        for g in range(3):
            rows.append(bias[32 * g:32 * (g + 1)])
    rows.append(gate_b)
    rows.append(pred_b)
    rows.append(time_w[:, 0])
    bstk = jnp.stack(rows)[:, None, :]
    return wstk, bstk


def kernel(user_ids, item_ids, timestamps, features, query_time, memory,
           last_time, time_w, u_Wih, u_Whh, u_bih, u_bhh, i_Wih, i_Whh,
           i_bih, i_bhh, gate_w, gate_b, pred_w, pred_b):
    del query_time
    idx_all = jnp.concatenate([user_ids.astype(jnp.int32),
                               item_ids.astype(jnp.int32) + NU])
    idx3 = idx_all.reshape(_NW, _NCH, _CH)
    rho = idx_all & (_CCH - 1)
    lrow = ((idx_all >> 12) << 10) | (rho & (_CQ - 1))
    g0 = lrow * 8 + (rho >> 10) * _SEG
    idx2 = (g0[:, None]
            + jnp.arange(_SEG, dtype=jnp.int32)).reshape(_NW, _NCH2, _CH)
    mem_lin = _conv_call()(memory.T).reshape(_CGRID * _CQ * 8, _LTW)
    rows16, lt_flat = _sc_gather()(mem_lin,
                                   last_time.reshape(NN // _LTW, _LTW),
                                   idx2, idx3, idx3 >> 4)
    rows_all = rows16.reshape(_G, EMB)
    lt_all = lt_flat[:, None]
    wstk, bstk = _pack_weights(time_w, u_Wih, u_Whh, u_bih, u_bhh, i_Wih,
                               i_Whh, i_bih, i_bhh, gate_w, gate_b, pred_w,
                               pred_b)
    pred, gated_u, gated_i = _dense_call()(
        rows_all, rows_all, lt_all, lt_all, timestamps[:, None], features,
        wstk, bstk)
    return (pred, gated_u, gated_i)

# --- scband reference (transcript-rebuilt; emitter-appended) ---
"""Pipeline reference for scband-temporal-event-gnnjodie-56075093016820 (READ-ONLY COPY).

The authoritative reference and input builder live on the scoring server;
editing this copy changes nothing except your own understanding.
"""

import jax, jax.numpy as jnp
import numpy as np

B = 16384
EMB = 32
FEAT = 32
NU = 500000
NI = 500000
NN = NU + NI
MSG = 2 * EMB + FEAT


def _gru_cell(x, h, Wih, Whh, bih, bhh):
    gi = x @ Wih.T + bih
    gh = h @ Whh.T + bhh
    i_r, i_z, i_n = jnp.split(gi, 3, axis=-1)
    h_r, h_z, h_n = jnp.split(gh, 3, axis=-1)
    r = jax.nn.sigmoid(i_r + h_r)
    z = jax.nn.sigmoid(i_z + h_z)
    n = jnp.tanh(i_n + r * h_n)
    return (1.0 - z) * n + z * h


def setup_inputs(seed: int = 0):
    key = jax.random.key(seed)
    ks = jax.random.split(key, 16)
    s = 0.05
    return {
        'user_ids': jax.random.randint(ks[0], (B,), 0, NU),
        'item_ids': jax.random.randint(ks[1], (B,), 0, NI),
        'timestamps': 50.0 + 50.0 * jax.random.uniform(ks[2], (B,), dtype=jnp.float32),
        'features': jax.random.normal(ks[3], (B, FEAT), dtype=jnp.float32),
        'query_time': 100.0,
        'memory': 0.1 * jax.random.normal(ks[4], (NN, EMB), dtype=jnp.float32),
        'last_time': 50.0 * jax.random.uniform(ks[5], (NN,), dtype=jnp.float32),
        'time_w': s * jax.random.normal(ks[6], (EMB, 1), dtype=jnp.float32),
        'u_Wih': s * jax.random.normal(ks[7], (3 * EMB, MSG), dtype=jnp.float32),
        'u_Whh': s * jax.random.normal(ks[8], (3 * EMB, EMB), dtype=jnp.float32),
        'u_bih': jnp.zeros((3 * EMB,), jnp.float32),
        'u_bhh': jnp.zeros((3 * EMB,), jnp.float32),
        'i_Wih': s * jax.random.normal(ks[9], (3 * EMB, MSG), dtype=jnp.float32),
        'i_Whh': s * jax.random.normal(ks[10], (3 * EMB, EMB), dtype=jnp.float32),
        'i_bih': jnp.zeros((3 * EMB,), jnp.float32),
        'i_bhh': jnp.zeros((3 * EMB,), jnp.float32),
        'gate_w': s * jax.random.normal(ks[11], (EMB, 2 * EMB), dtype=jnp.float32),
        'gate_b': jnp.zeros((EMB,), jnp.float32),
        'pred_w': s * jax.random.normal(ks[12], (EMB, EMB), dtype=jnp.float32),
        'pred_b': jnp.zeros((EMB,), jnp.float32),
    }


def reference(user_ids, item_ids, timestamps, features, query_time, memory, last_time,
              time_w, u_Wih, u_Whh, u_bih, u_bhh, i_Wih, i_Whh, i_bih, i_bhh,
              gate_w, gate_b, pred_w, pred_b):
    # node id remap: items offset by num_users
    item_nodes = item_ids + NU
    # memory gathers (the JODIE state lookup)
    old_user = jnp.take(memory, user_ids, axis=0)
    old_item = jnp.take(memory, item_nodes, axis=0)
    last_u = jnp.take(last_time, user_ids, axis=0)
    last_i = jnp.take(last_time, item_nodes, axis=0)
    du = (timestamps - last_u)[:, None]
    di = (timestamps - last_i)[:, None]
    # time projection: emb * (1 + W_t(dt))
    proj_user = old_user * (1.0 + du @ time_w.T)
    proj_item = old_item * (1.0 + di @ time_w.T)
    dq = (query_time - last_u)[:, None]
    query_user = old_user * (1.0 + dq @ time_w.T)
    # peer message mode: each side receives the projected peer embedding
    user_msg = proj_item
    item_msg = proj_user
    upd_u = jnp.concatenate([proj_user, user_msg, features], axis=-1)
    upd_i = jnp.concatenate([proj_item, item_msg, features], axis=-1)
    # GRU memory cells
    new_u = _gru_cell(upd_u, old_user, u_Wih, u_Whh, u_bih, u_bhh)
    new_i = _gru_cell(upd_i, old_item, i_Wih, i_Whh, i_bih, i_bhh)
    # memory gate
    g_u = jax.nn.sigmoid(jnp.concatenate([old_user, new_u], axis=-1) @ gate_w.T + gate_b)
    gated_u = g_u * new_u + (1.0 - g_u) * old_user
    g_i = jax.nn.sigmoid(jnp.concatenate([old_item, new_i], axis=-1) @ gate_w.T + gate_b)
    gated_i = g_i * new_i + (1.0 - g_i) * old_item
    # predicted item embedding from updated user state
    pred = gated_u @ pred_w.T + pred_b
    return (pred, gated_u, gated_i)

if __name__ == "__main__":
    import jax
    _d = setup_inputs()
    print(jax.jit(kernel)(*tuple(_d.values())))

</pallas_src>

<mosaic_0001>
#map = affine_map<(d0, d1) -> (0, 0)>
#map1 = affine_map<(d0, d1) -> (0, 0, 0)>
#map2 = affine_map<(d0, d1) -> (0)>
module attributes {stable_mosaic.version = 14 : i64} {
  func.func @_sc_gather_body(%arg0: i32, %arg1: i32, %arg2: memref<2007040x16xf32, #tpu.memory_space<hbm>>, %arg3: memref<62500x16xf32, #tpu.memory_space<hbm>>, %arg4: memref<32x16x128xi32, #tpu.memory_space<hbm>>, %arg5: memref<32x8x128xi32, #tpu.memory_space<hbm>>, %arg6: memref<32x8x128xi32, #tpu.memory_space<hbm>>, %arg7: memref<65536x16xf32, #tpu.memory_space<hbm>>, %arg8: memref<32768xf32, #tpu.memory_space<hbm>>, %arg9: memref<16x128xi32, #tpu.memory_space<vmem>>, %arg10: memref<8x128xi32, #tpu.memory_space<vmem>>, %arg11: memref<8x128xi32, #tpu.memory_space<vmem>>, %arg12: memref<2048x16xf32, #tpu.memory_space<vmem>>, %arg13: memref<1024x16xf32, #tpu.memory_space<vmem>>, %arg14: memref<1024xf32, #tpu.memory_space<vmem>>, %arg15: memref<!tpu.dma_semaphore, #tpu.memory_space<semaphore_mem>>, %arg16: memref<!tpu.dma_semaphore, #tpu.memory_space<semaphore_mem>>) attributes {dimension_semantics = [#tpu.dimension_semantics<core_parallel>, #tpu.dimension_semantics<subcore_parallel>], iteration_bounds = array<i64: 2, 16>, scalar_prefetch = 0 : i64, scratch_operands = 8 : i64, tpu.core_type = #tpu.core_type<sc_vector_subcore>, window_params = [{transform_indices = #map}, {transform_indices = #map}, {transform_indices = #map1}, {transform_indices = #map1}, {transform_indices = #map1}, {transform_indices = #map}, {transform_indices = #map2}]} {
    %mul3A = arith.constant 2 : i32
    %mul3A_0 = arith.muli %arg1, %mul3A : i32
    %add3A = arith.addi %mul3A_0, %arg0 : i32
    %mul3A_1 = arith.constant 1024 : i32
    %mul3A_2 = arith.muli %add3A, %mul3A_1 : i32
    "tpu.region"() ({
      %run_scoped3A = tpu.sem_alloc : memref<!tpu.dma_semaphore, #tpu.memory_space<semaphore_mem>>
      %dma_start3A_1311 = arith.constant 0 : i32
      %dma_start3A_1312 = arith.constant 0 : i32
      %dma_start3A_1313 = tpu.memref_slice %arg4[%add3A, %dma_start3A_1311, %dma_start3A_1312] : memref<32x16x128xi32, #tpu.memory_space<hbm>> -> memref<1x16x128xi32, #tpu.memory_space<hbm>>
      %dma_start3A_1314 = tpu.memref_squeeze %dma_start3A_1313 : memref<1x16x128xi32, #tpu.memory_space<hbm>> -> memref<16x128xi32, #tpu.memory_space<hbm>>
      %dma_start3A_1315 = arith.constant 0 : i32
      %dma_start3A_1316 = arith.constant 0 : i32
      %dma_start3A_1317 = tpu.memref_slice %arg4[%add3A, %dma_start3A_1315, %dma_start3A_1316] : memref<32x16x128xi32, #tpu.memory_space<hbm>> -> memref<1x16x128xi32, #tpu.memory_space<hbm>>
      %dma_start3A_1318 = tpu.memref_squeeze %dma_start3A_1317 : memref<1x16x128xi32, #tpu.memory_space<hbm>> -> memref<16x128xi32, #tpu.memory_space<hbm>>
      tpu.enqueue_dma source(%dma_start3A_1318 : memref<16x128xi32, #tpu.memory_space<hbm>>) target(%arg9 : memref<16x128xi32, #tpu.memory_space<vmem>>) target_semaphore(%run_scoped3A : memref<!tpu.dma_semaphore, #tpu.memory_space<semaphore_mem>>)
      %dma_wait3A_1319 = arith.constant 0 : i32
      %dma_wait3A_1320 = arith.constant 0 : i32
      %dma_wait3A_1321 = tpu.memref_slice %arg4[%add3A, %dma_wait3A_1319, %dma_wait3A_1320] : memref<32x16x128xi32, #tpu.memory_space<hbm>> -> memref<1x16x128xi32, #tpu.memory_space<hbm>>
      %dma_wait3A_1322 = tpu.memref_squeeze %dma_wait3A_1321 : memref<1x16x128xi32, #tpu.memory_space<hbm>> -> memref<16x128xi32, #tpu.memory_space<hbm>>
      %dma_wait3A_1323 = arith.constant 0 : i32
      %dma_wait3A_1324 = arith.constant 0 : i32
      %dma_wait3A_1325 = tpu.memref_slice %arg4[%add3A, %dma_wait3A_1323, %dma_wait3A_1324] : memref<32x16x128xi32, #tpu.memory_space<hbm>> -> memref<1x16x128xi32, #tpu.memory_space<hbm>>
      %dma_wait3A_1326 = tpu.memref_squeeze %dma_wait3A_1325 : memref<1x16x128xi32, #tpu.memory_space<hbm>> -> memref<16x128xi32, #tpu.memory_space<hbm>>
      tpu.wait_dma2 semaphore(%run_scoped3A : memref<!tpu.dma_semaphore, #tpu.memory_space<semaphore_mem>>) src(%dma_wait3A_1326 : memref<16x128xi32, #tpu.memory_space<hbm>>) dst(%arg9 : memref<16x128xi32, #tpu.memory_space<vmem>>)
      tpu.yield
    }) : () -> ()
    "tpu.region"() ({
      %run_scoped3A = tpu.sem_alloc : memref<!tpu.dma_semaphore, #tpu.memory_space<semaphore_mem>>
      %dma_start3A_1311 = arith.constant 0 : i32
      %dma_start3A_1312 = arith.constant 0 : i32
      %dma_start3A_1313 = tpu.memref_slice %arg5[%add3A, %dma_start3A_1311, %dma_start3A_1312] : memref<32x8x128xi32, #tpu.memory_space<hbm>> -> memref<1x8x128xi32, #tpu.memory_space<hbm>>
      %dma_start3A_1314 = tpu.memref_squeeze %dma_start3A_1313 : memref<1x8x128xi32, #tpu.memory_space<hbm>> -> memref<8x128xi32, #tpu.memory_space<hbm>>
      %dma_start3A_1315 = arith.constant 0 : i32
      %dma_start3A_1316 = arith.constant 0 : i32
      %dma_start3A_1317 = tpu.memref_slice %arg5[%add3A, %dma_start3A_1315, %dma_start3A_1316] : memref<32x8x128xi32, #tpu.memory_space<hbm>> -> memref<1x8x128xi32, #tpu.memory_space<hbm>>
      %dma_start3A_1318 = tpu.memref_squeeze %dma_start3A_1317 : memref<1x8x128xi32, #tpu.memory_space<hbm>> -> memref<8x128xi32, #tpu.memory_space<hbm>>
      tpu.enqueue_dma source(%dma_start3A_1318 : memref<8x128xi32, #tpu.memory_space<hbm>>) target(%arg10 : memref<8x128xi32, #tpu.memory_space<vmem>>) target_semaphore(%run_scoped3A : memref<!tpu.dma_semaphore, #tpu.memory_space<semaphore_mem>>)
      %dma_wait3A_1319 = arith.constant 0 : i32
      %dma_wait3A_1320 = arith.constant 0 : i32
      %dma_wait3A_1321 = tpu.memref_slice %arg5[%add3A, %dma_wait3A_1319, %dma_wait3A_1320] : memref<32x8x128xi32, #tpu.memory_space<hbm>> -> memref<1x8x128xi32, #tpu.memory_space<hbm>>
      %dma_wait3A_1322 = tpu.memref_squeeze %dma_wait3A_1321 : memref<1x8x128xi32, #tpu.memory_space<hbm>> -> memref<8x128xi32, #tpu.memory_space<hbm>>
      %dma_wait3A_1323 = arith.constant 0 : i32
      %dma_wait3A_1324 = arith.constant 0 : i32
      %dma_wait3A_1325 = tpu.memref_slice %arg5[%add3A, %dma_wait3A_1323, %dma_wait3A_1324] : memref<32x8x128xi32, #tpu.memory_space<hbm>> -> memref<1x8x128xi32, #tpu.memory_space<hbm>>
      %dma_wait3A_1326 = tpu.memref_squeeze %dma_wait3A_1325 : memref<1x8x128xi32, #tpu.memory_space<hbm>> -> memref<8x128xi32, #tpu.memory_space<hbm>>
      tpu.wait_dma2 semaphore(%run_scoped3A : memref<!tpu.dma_semaphore, #tpu.memory_space<semaphore_mem>>) src(%dma_wait3A_1326 : memref<8x128xi32, #tpu.memory_space<hbm>>) dst(%arg10 : memref<8x128xi32, #tpu.memory_space<vmem>>)
      tpu.yield
    }) : () -> ()
    "tpu.region"() ({
      %run_scoped3A = tpu.sem_alloc : memref<!tpu.dma_semaphore, #tpu.memory_space<semaphore_mem>>
      %dma_start3A_1311 = arith.constant 0 : i32
      %dma_start3A_1312 = arith.constant 0 : i32
      %dma_start3A_1313 = tpu.memref_slice %arg6[%add3A, %dma_start3A_1311, %dma_start3A_1312] : memref<32x8x128xi32, #tpu.memory_space<hbm>> -> memref<1x8x128xi32, #tpu.memory_space<hbm>>
      %dma_start3A_1314 = tpu.memref_squeeze %dma_start3A_1313 : memref<1x8x128xi32, #tpu.memory_space<hbm>> -> memref<8x128xi32, #tpu.memory_space<hbm>>
      %dma_start3A_1315 = arith.constant 0 : i32
      %dma_start3A_1316 = arith.constant 0 : i32
      %dma_start3A_1317 = tpu.memref_slice %arg6[%add3A, %dma_start3A_1315, %dma_start3A_1316] : memref<32x8x128xi32, #tpu.memory_space<hbm>> -> memref<1x8x128xi32, #tpu.memory_space<hbm>>
      %dma_start3A_1318 = tpu.memref_squeeze %dma_start3A_1317 : memref<1x8x128xi32, #tpu.memory_space<hbm>> -> memref<8x128xi32, #tpu.memory_space<hbm>>
      tpu.enqueue_dma source(%dma_start3A_1318 : memref<8x128xi32, #tpu.memory_space<hbm>>) target(%arg11 : memref<8x128xi32, #tpu.memory_space<vmem>>) target_semaphore(%run_scoped3A : memref<!tpu.dma_semaphore, #tpu.memory_space<semaphore_mem>>)
      %dma_wait3A_1319 = arith.constant 0 : i32
      %dma_wait3A_1320 = arith.constant 0 : i32
      %dma_wait3A_1321 = tpu.memref_slice %arg6[%add3A, %dma_wait3A_1319, %dma_wait3A_1320] : memref<32x8x128xi32, #tpu.memory_space<hbm>> -> memref<1x8x128xi32, #tpu.memory_space<hbm>>
      %dma_wait3A_1322 = tpu.memref_squeeze %dma_wait3A_1321 : memref<1x8x128xi32, #tpu.memory_space<hbm>> -> memref<8x128xi32, #tpu.memory_space<hbm>>
      %dma_wait3A_1323 = arith.constant 0 : i32
      %dma_wait3A_1324 = arith.constant 0 : i32
      %dma_wait3A_1325 = tpu.memref_slice %arg6[%add3A, %dma_wait3A_1323, %dma_wait3A_1324] : memref<32x8x128xi32, #tpu.memory_space<hbm>> -> memref<1x8x128xi32, #tpu.memory_space<hbm>>
      %dma_wait3A_1326 = tpu.memref_squeeze %dma_wait3A_1325 : memref<1x8x128xi32, #tpu.memory_space<hbm>> -> memref<8x128xi32, #tpu.memory_space<hbm>>
      tpu.wait_dma2 semaphore(%run_scoped3A : memref<!tpu.dma_semaphore, #tpu.memory_space<semaphore_mem>>) src(%dma_wait3A_1326 : memref<8x128xi32, #tpu.memory_space<hbm>>) dst(%arg11 : memref<8x128xi32, #tpu.memory_space<vmem>>)
      tpu.yield
    }) : () -> ()
    %dma_start3A = arith.constant 0 : i32
    %dma_start3A_3 = arith.constant 0 : i32
    %dma_start3A_4 = arith.constant 0 : i32
    %dma_start3A_5 = tpu.memref_slice %arg12[%dma_start3A_3, %dma_start3A_4] : memref<2048x16xf32, #tpu.memory_space<vmem>> -> memref<128x16xf32, #tpu.memory_space<vmem>>
    %dma_start3A_6 = arith.constant 0 : i32
    %dma_start3A_7 = tpu.memref_slice %arg9[%dma_start3A, %dma_start3A_6] : memref<16x128xi32, #tpu.memory_space<vmem>> -> memref<1x128xi32, #tpu.memory_space<vmem>>
    %dma_start3A_8 = tpu.memref_squeeze %dma_start3A_7 : memref<1x128xi32, #tpu.memory_space<vmem>> -> memref<128xi32, #tpu.memory_space<vmem>>
    %dma_start3A_9 = arith.constant 0 : i32
    %dma_start3A_10 = arith.constant 0 : i32
    %dma_start3A_11 = tpu.memref_slice %arg2[%dma_start3A_9, %dma_start3A_10] : memref<2007040x16xf32, #tpu.memory_space<hbm>> -> memref<2007040x16xf32, #tpu.memory_space<hbm>>
    tpu.enqueue_indirect_dma source(%dma_start3A_11 : memref<2007040x16xf32, #tpu.memory_space<hbm>>) target(%dma_start3A_5 : memref<128x16xf32, #tpu.memory_space<vmem>>) offsets(%dma_start3A_8 : memref<128xi32, #tpu.memory_space<vmem>>) semaphore(%arg15 : memref<!tpu.dma_semaphore, #tpu.memory_space<semaphore_mem>>)
    %dma_start3A_12 = arith.constant 1 : i32
    %dma_start3A_13 = arith.constant 128 : i32
    %dma_start3A_14 = arith.constant 0 : i32
    %dma_start3A_15 = tpu.memref_slice %arg12[%dma_start3A_13, %dma_start3A_14] : memref<2048x16xf32, #tpu.memory_space<vmem>> -> memref<128x16xf32, #tpu.memory_space<vmem>>
    %dma_start3A_16 = arith.constant 0 : i32
    %dma_start3A_17 = tpu.memref_slice %arg9[%dma_start3A_12, %dma_start3A_16] : memref<16x128xi32, #tpu.memory_space<vmem>> -> memref<1x128xi32, #tpu.memory_space<vmem>>
    %dma_start3A_18 = tpu.memref_squeeze %dma_start3A_17 : memref<1x128xi32, #tpu.memory_space<vmem>> -> memref<128xi32, #tpu.memory_space<vmem>>
    %dma_start3A_19 = arith.constant 0 : i32
    %dma_start3A_20 = arith.constant 0 : i32
    %dma_start3A_21 = tpu.memref_slice %arg2[%dma_start3A_19, %dma_start3A_20] : memref<2007040x16xf32, #tpu.memory_space<hbm>> -> memref<2007040x16xf32, #tpu.memory_space<hbm>>
    tpu.enqueue_indirect_dma source(%dma_start3A_21 : memref<2007040x16xf32, #tpu.memory_space<hbm>>) target(%dma_start3A_15 : memref<128x16xf32, #tpu.memory_space<vmem>>) offsets(%dma_start3A_18 : memref<128xi32, #tpu.memory_space<vmem>>) semaphore(%arg15 : memref<!tpu.dma_semaphore, #tpu.memory_space<semaphore_mem>>)
    %dma_start3A_22 = arith.constant 2 : i32
    %dma_start3A_23 = arith.constant 256 : i32
    %dma_start3A_24 = arith.constant 0 : i32
    %dma_start3A_25 = tpu.memref_slice %arg12[%dma_start3A_23, %dma_start3A_24] : memref<2048x16xf32, #tpu.memory_space<vmem>> -> memref<128x16xf32, #tpu.memory_space<vmem>>
    %dma_start3A_26 = arith.constant 0 : i32
    %dma_start3A_27 = tpu.memref_slice %arg9[%dma_start3A_22, %dma_start3A_26] : memref<16x128xi32, #tpu.memory_space<vmem>> -> memref<1x128xi32, #tpu.memory_space<vmem>>
    %dma_start3A_28 = tpu.memref_squeeze %dma_start3A_27 : memref<1x128xi32, #tpu.memory_space<vmem>> -> memref<128xi32, #tpu.memory_space<vmem>>
    %dma_start3A_29 = arith.constant 0 : i32
    %dma_start3A_30 = arith.constant 0 : i32
    %dma_start3A_31 = tpu.memref_slice %arg2[%dma_start3A_29, %dma_start3A_30] : memref<2007040x16xf32, #tpu.memory_space<hbm>> -> memref<2007040x16xf32, #tpu.memory_space<hbm>>
    tpu.enqueue_indirect_dma source(%dma_start3A_31 : memref<2007040x16xf32, #tpu.memory_space<hbm>>) target(%dma_start3A_25 : memref<128x16xf32, #tpu.memory_space<vmem>>) offsets(%dma_start3A_28 : memref<128xi32, #tpu.memory_space<vmem>>) semaphore(%arg15 : memref<!tpu.dma_semaphore, #tpu.memory_space<semaphore_mem>>)
    %dma_start3A_32 = arith.constant 3 : i32
    %dma_start3A_33 = arith.constant 384 : i32
    %dma_start3A_34 = arith.constant 0 : i32
    %dma_start3A_35 = tpu.memref_slice %arg12[%dma_start3A_33, %dma_start3A_34] : memref<2048x16xf32, #tpu.memory_space<vmem>> -> memref<128x16xf32, #tpu.memory_space<vmem>>
    %dma_start3A_36 = arith.constant 0 : i32
    %dma_start3A_37 = tpu.memref_slice %arg9[%dma_start3A_32, %dma_start3A_36] : memref<16x128xi32, #tpu.memory_space<vmem>> -> memref<1x128xi32, #tpu.memory_space<vmem>>
    %dma_start3A_38 = tpu.memref_squeeze %dma_start3A_37 : memref<1x128xi32, #tpu.memory_space<vmem>> -> memref<128xi32, #tpu.memory_space<vmem>>
    %dma_start3A_39 = arith.constant 0 : i32
    %dma_start3A_40 = arith.constant 0 : i32
    %dma_start3A_41 = tpu.memref_slice %arg2[%dma_start3A_39, %dma_start3A_40] : memref<2007040x16xf32, #tpu.memory_space<hbm>> -> memref<2007040x16xf32, #tpu.memory_space<hbm>>
    tpu.enqueue_indirect_dma source(%dma_start3A_41 : memref<2007040x16xf32, #tpu.memory_space<hbm>>) target(%dma_start3A_35 : memref<128x16xf32, #tpu.memory_space<vmem>>) offsets(%dma_start3A_38 : memref<128xi32, #tpu.memory_space<vmem>>) semaphore(%arg15 : memref<!tpu.dma_semaphore, #tpu.memory_space<semaphore_mem>>)
    %dma_start3A_42 = arith.constant 4 : i32
    %dma_start3A_43 = arith.constant 512 : i32
    %dma_start3A_44 = arith.constant 0 : i32
    %dma_start3A_45 = tpu.memref_slice %arg12[%dma_start3A_43, %dma_start3A_44] : memref<2048x16xf32, #tpu.memory_space<vmem>> -> memref<128x16xf32, #tpu.memory_space<vmem>>
    %dma_start3A_46 = arith.constant 0 : i32
    %dma_start3A_47 = tpu.memref_slice %arg9[%dma_start3A_42, %dma_start3A_46] : memref<16x128xi32, #tpu.memory_space<vmem>> -> memref<1x128xi32, #tpu.memory_space<vmem>>
    %dma_start3A_48 = tpu.memref_squeeze %dma_start3A_47 : memref<1x128xi32, #tpu.memory_space<vmem>> -> memref<128xi32, #tpu.memory_space<vmem>>
    %dma_start3A_49 = arith.constant 0 : i32
    %dma_start3A_50 = arith.constant 0 : i32
    %dma_start3A_51 = tpu.memref_slice %arg2[%dma_start3A_49, %dma_start3A_50] : memref<2007040x16xf32, #tpu.memory_space<hbm>> -> memref<2007040x16xf32, #tpu.memory_space<hbm>>
    tpu.enqueue_indirect_dma source(%dma_start3A_51 : memref<2007040x16xf32, #tpu.memory_space<hbm>>) target(%dma_start3A_45 : memref<128x16xf32, #tpu.memory_space<vmem>>) offsets(%dma_start3A_48 : memref<128xi32, #tpu.memory_space<vmem>>) semaphore(%arg15 : memref<!tpu.dma_semaphore, #tpu.memory_space<semaphore_mem>>)
    %dma_start3A_52 = arith.constant 5 : i32
    %dma_start3A_53 = arith.constant 640 : i32
    %dma_start3A_54 = arith.constant 0 : i32
    %dma_start3A_55 = tpu.memref_slice %arg12[%dma_start3A_53, %dma_start3A_54] : memref<2048x16xf32, #tpu.memory_space<vmem>> -> memref<128x16xf32, #tpu.memory_space<vmem>>
    %dma_start3A_56 = arith.constant 0 : i32
    %dma_start3A_57 = tpu.memref_slice %arg9[%dma_start3A_52, %dma_start3A_56] : memref<16x128xi32, #tpu.memory_space<vmem>> -> memref<1x128xi32, #tpu.memory_space<vmem>>
    %dma_start3A_58 = tpu.memref_squeeze %dma_start3A_57 : memref<1x128xi32, #tpu.memory_space<vmem>> -> memref<128xi32, #tpu.memory_space<vmem>>
    %dma_start3A_59 = arith.constant 0 : i32
    %dma_start3A_60 = arith.constant 0 : i32
    %dma_start3A_61 = tpu.memref_slice %arg2[%dma_start3A_59, %dma_start3A_60] : memref<2007040x16xf32, #tpu.memory_space<hbm>> -> memref<2007040x16xf32, #tpu.memory_space<hbm>>
    tpu.enqueue_indirect_dma source(%dma_start3A_61 : memref<2007040x16xf32, #tpu.memory_space<hbm>>) target(%dma_start3A_55 : memref<128x16xf32, #tpu.memory_space<vmem>>) offsets(%dma_start3A_58 : memref<128xi32, #tpu.memory_space<vmem>>) semaphore(%arg15 : memref<!tpu.dma_semaphore, #tpu.memory_space<semaphore_mem>>)
    %dma_start3A_62 = arith.constant 6 : i32
    %dma_start3A_63 = arith.constant 768 : i32
    %dma_start3A_64 = arith.constant 0 : i32
    %dma_start3A_65 = tpu.memref_slice %arg12[%dma_start3A_63, %dma_start3A_64] : memref<2048x16xf32, #tpu.memory_space<vmem>> -> memref<128x16xf32, #tpu.memory_space<vmem>>
    %dma_start3A_66 = arith.constant 0 : i32
    %dma_start3A_67 = tpu.memref_slice %arg9[%dma_start3A_62, %dma_start3A_66] : memref<16x128xi32, #tpu.memory_space<vmem>> -> memref<1x128xi32, #tpu.memory_space<vmem>>
    %dma_start3A_68 = tpu.memref_squeeze %dma_start3A_67 : memref<1x128xi32, #tpu.memory_space<vmem>> -> memref<128xi32, #tpu.memory_space<vmem>>
    %dma_start3A_69 = arith.constant 0 : i32
    %dma_start3A_70 = arith.constant 0 : i32
    %dma_start3A_71 = tpu.memref_slice %arg2[%dma_start3A_69, %dma_start3A_70] : memref<2007040x16xf32, #tpu.memory_space<hbm>> -> memref<2007040x16xf32, #tpu.memory_space<hbm>>
    tpu.enqueue_indirect_dma source(%dma_start3A_71 : memref<2007040x16xf32, #tpu.memory_space<hbm>>) target(%dma_start3A_65 : memref<128x16xf32, #tpu.memory_space<vmem>>) offsets(%dma_start3A_68 : memref<128xi32, #tpu.memory_space<vmem>>) semaphore(%arg15 : memref<!tpu.dma_semaphore, #tpu.memory_space<semaphore_mem>>)
    %dma_start3A_72 = arith.constant 7 : i32
    %dma_start3A_73 = arith.constant 896 : i32
    %dma_start3A_74 = arith.constant 0 : i32
    %dma_start3A_75 = tpu.memref_slice %arg12[%dma_start3A_73, %dma_start3A_74] : memref<2048x16xf32, #tpu.memory_space<vmem>> -> memref<128x16xf32, #tpu.memory_space<vmem>>
    %dma_start3A_76 = arith.constant 0 : i32
    %dma_start3A_77 = tpu.memref_slice %arg9[%dma_start3A_72, %dma_start3A_76] : memref<16x128xi32, #tpu.memory_space<vmem>> -> memref<1x128xi32, #tpu.memory_space<vmem>>
    %dma_start3A_78 = tpu.memref_squeeze %dma_start3A_77 : memref<1x128xi32, #tpu.memory_space<vmem>> -> memref<128xi32, #tpu.memory_space<vmem>>
    %dma_start3A_79 = arith.constant 0 : i32
    %dma_start3A_80 = arith.constant 0 : i32
    %dma_start3A_81 = tpu.memref_slice %arg2[%dma_start3A_79, %dma_start3A_80] : memref<2007040x16xf32, #tpu.memory_space<hbm>> -> memref<2007040x16xf32, #tpu.memory_space<hbm>>
    tpu.enqueue_indirect_dma source(%dma_start3A_81 : memref<2007040x16xf32, #tpu.memory_space<hbm>>) target(%dma_start3A_75 : memref<128x16xf32, #tpu.memory_space<vmem>>) offsets(%dma_start3A_78 : memref<128xi32, #tpu.memory_space<vmem>>) semaphore(%arg15 : memref<!tpu.dma_semaphore, #tpu.memory_space<semaphore_mem>>)
    %dma_start3A_82 = arith.constant 8 : i32
    %dma_start3A_83 = arith.constant 1024 : i32
    %dma_start3A_84 = arith.constant 0 : i32
    %dma_start3A_85 = tpu.memref_slice %arg12[%dma_start3A_83, %dma_start3A_84] : memref<2048x16xf32, #tpu.memory_space<vmem>> -> memref<128x16xf32, #tpu.memory_space<vmem>>
    %dma_start3A_86 = arith.constant 0 : i32
    %dma_start3A_87 = tpu.memref_slice %arg9[%dma_start3A_82, %dma_start3A_86] : memref<16x128xi32, #tpu.memory_space<vmem>> -> memref<1x128xi32, #tpu.memory_space<vmem>>
    %dma_start3A_88 = tpu.memref_squeeze %dma_start3A_87 : memref<1x128xi32, #tpu.memory_space<vmem>> -> memref<128xi32, #tpu.memory_space<vmem>>
    %dma_start3A_89 = arith.constant 0 : i32
    %dma_start3A_90 = arith.constant 0 : i32
    %dma_start3A_91 = tpu.memref_slice %arg2[%dma_start3A_89, %dma_start3A_90] : memref<2007040x16xf32, #tpu.memory_space<hbm>> -> memref<2007040x16xf32, #tpu.memory_space<hbm>>
    tpu.enqueue_indirect_dma source(%dma_start3A_91 : memref<2007040x16xf32, #tpu.memory_space<hbm>>) target(%dma_start3A_85 : memref<128x16xf32, #tpu.memory_space<vmem>>) offsets(%dma_start3A_88 : memref<128xi32, #tpu.memory_space<vmem>>) semaphore(%arg15 : memref<!tpu.dma_semaphore, #tpu.memory_space<semaphore_mem>>)
    %dma_start3A_92 = arith.constant 9 : i32
    %dma_start3A_93 = arith.constant 1152 : i32
    %dma_start3A_94 = arith.constant 0 : i32
    %dma_start3A_95 = tpu.memref_slice %arg12[%dma_start3A_93, %dma_start3A_94] : memref<2048x16xf32, #tpu.memory_space<vmem>> -> memref<128x16xf32, #tpu.memory_space<vmem>>
    %dma_start3A_96 = arith.constant 0 : i32
    %dma_start3A_97 = tpu.memref_slice %arg9[%dma_start3A_92, %dma_start3A_96] : memref<16x128xi32, #tpu.memory_space<vmem>> -> memref<1x128xi32, #tpu.memory_space<vmem>>
    %dma_start3A_98 = tpu.memref_squeeze %dma_start3A_97 : memref<1x128xi32, #tpu.memory_space<vmem>> -> memref<128xi32, #tpu.memory_space<vmem>>
    %dma_start3A_99 = arith.constant 0 : i32
    %dma_start3A_100 = arith.constant 0 : i32
    %dma_start3A_101 = tpu.memref_slice %arg2[%dma_start3A_99, %dma_start3A_100] : memref<2007040x16xf32, #tpu.memory_space<hbm>> -> memref<2007040x16xf32, #tpu.memory_space<hbm>>
    tpu.enqueue_indirect_dma source(%dma_start3A_101 : memref<2007040x16xf32, #tpu.memory_space<hbm>>) target(%dma_start3A_95 : memref<128x16xf32, #tpu.memory_space<vmem>>) offsets(%dma_start3A_98 : memref<128xi32, #tpu.memory_space<vmem>>) semaphore(%arg15 : memref<!tpu.dma_semaphore, #tpu.memory_space<semaphore_mem>>)
    %dma_start3A_102 = arith.constant 10 : i32
    %dma_start3A_103 = arith.constant 1280 : i32
    %dma_start3A_104 = arith.constant 0 : i32
    %dma_start3A_105 = tpu.memref_slice %arg12[%dma_start3A_103, %dma_start3A_104] : memref<2048x16xf32, #tpu.memory_space<vmem>> -> memref<128x16xf32, #tpu.memory_space<vmem>>
    %dma_start3A_106 = arith.constant 0 : i32
    %dma_start3A_107 = tpu.memref_slice %arg9[%dma_start3A_102, %dma_start3A_106] : memref<16x128xi32, #tpu.memory_space<vmem>> -> memref<1x128xi32, #tpu.memory_space<vmem>>
    %dma_start3A_108 = tpu.memref_squeeze %dma_start3A_107 : memref<1x128xi32, #tpu.memory_space<vmem>> -> memref<128xi32, #tpu.memory_space<vmem>>
    %dma_start3A_109 = arith.constant 0 : i32
    %dma_start3A_110 = arith.constant 0 : i32
    %dma_start3A_111 = tpu.memref_slice %arg2[%dma_start3A_109, %dma_start3A_110] : memref<2007040x16xf32, #tpu.memory_space<hbm>> -> memref<2007040x16xf32, #tpu.memory_space<hbm>>
    tpu.enqueue_indirect_dma source(%dma_start3A_111 : memref<2007040x16xf32, #tpu.memory_space<hbm>>) target(%dma_start3A_105 : memref<128x16xf32, #tpu.memory_space<vmem>>) offsets(%dma_start3A_108 : memref<128xi32, #tpu.memory_space<vmem>>) semaphore(%arg15 : memref<!tpu.dma_semaphore, #tpu.memory_space<semaphore_mem>>)
    %dma_start3A_112 = arith.constant 11 : i32
    %dma_start3A_113 = arith.constant 1408 : i32
    %dma_start3A_114 = arith.constant 0 : i32
    %dma_start3A_115 = tpu.memref_slice %arg12[%dma_start3A_113, %dma_start3A_114] : memref<2048x16xf32, #tpu.memory_space<vmem>> -> memref<128x16xf32, #tpu.memory_space<vmem>>
    %dma_start3A_116 = arith.constant 0 : i32
    %dma_start3A_117 = tpu.memref_slice %arg9[%dma_start3A_112, %dma_start3A_116] : memref<16x128xi32, #tpu.memory_space<vmem>> -> memref<1x128xi32, #tpu.memory_space<vmem>>
    %dma_start3A_118 = tpu.memref_squeeze %dma_start3A_117 : memref<1x128xi32, #tpu.memory_space<vmem>> -> memref<128xi32, #tpu.memory_space<vmem>>
    %dma_start3A_119 = arith.constant 0 : i32
    %dma_start3A_120 = arith.constant 0 : i32
    %dma_start3A_121 = tpu.memref_slice %arg2[%dma_start3A_119, %dma_start3A_120] : memref<2007040x16xf32, #tpu.memory_space<hbm>> -> memref<2007040x16xf32, #tpu.memory_space<hbm>>
    tpu.enqueue_indirect_dma source(%dma_start3A_121 : memref<2007040x16xf32, #tpu.memory_space<hbm>>) target(%dma_start3A_115 : memref<128x16xf32, #tpu.memory_space<vmem>>) offsets(%dma_start3A_118 : memref<128xi32, #tpu.memory_space<vmem>>) semaphore(%arg15 : memref<!tpu.dma_semaphore, #tpu.memory_space<semaphore_mem>>)
    %dma_start3A_122 = arith.constant 12 : i32
    %dma_start3A_123 = arith.constant 1536 : i32
    %dma_start3A_124 = arith.constant 0 : i32
    %dma_start3A_125 = tpu.memref_slice %arg12[%dma_start3A_123, %dma_start3A_124] : memref<2048x16xf32, #tpu.memory_space<vmem>> -> memref<128x16xf32, #tpu.memory_space<vmem>>
    %dma_start3A_126 = arith.constant 0 : i32
    %dma_start3A_127 = tpu.memref_slice %arg9[%dma_start3A_122, %dma_start3A_126] : memref<16x128xi32, #tpu.memory_space<vmem>> -> memref<1x128xi32, #tpu.memory_space<vmem>>
    %dma_start3A_128 = tpu.memref_squeeze %dma_start3A_127 : memref<1x128xi32, #tpu.memory_space<vmem>> -> memref<128xi32, #tpu.memory_space<vmem>>
    %dma_start3A_129 = arith.constant 0 : i32
    %dma_start3A_130 = arith.constant 0 : i32
    %dma_start3A_131 = tpu.memref_slice %arg2[%dma_start3A_129, %dma_start3A_130] : memref<2007040x16xf32, #tpu.memory_space<hbm>> -> memref<2007040x16xf32, #tpu.memory_space<hbm>>
    tpu.enqueue_indirect_dma source(%dma_start3A_131 : memref<2007040x16xf32, #tpu.memory_space<hbm>>) target(%dma_start3A_125 : memref<128x16xf32, #tpu.memory_space<vmem>>) offsets(%dma_start3A_128 : memref<128xi32, #tpu.memory_space<vmem>>) semaphore(%arg15 : memref<!tpu.dma_semaphore, #tpu.memory_space<semaphore_mem>>)
    %dma_start3A_132 = arith.constant 13 : i32
    %dma_start3A_133 = arith.constant 1664 : i32
    %dma_start3A_134 = arith.constant 0 : i32
    %dma_start3A_135 = tpu.memref_slice %arg12[%dma_start3A_133, %dma_start3A_134] : memref<2048x16xf32, #tpu.memory_space<vmem>> -> memref<128x16xf32, #tpu.memory_space<vmem>>
    %dma_start3A_136 = arith.constant 0 : i32
    %dma_start3A_137 = tpu.memref_slice %arg9[%dma_start3A_132, %dma_start3A_136] : memref<16x128xi32, #tpu.memory_space<vmem>> -> memref<1x128xi32, #tpu.memory_space<vmem>>
    %dma_start3A_138 = tpu.memref_squeeze %dma_start3A_137 : memref<1x128xi32, #tpu.memory_space<vmem>> -> memref<128xi32, #tpu.memory_space<vmem>>
    %dma_start3A_139 = arith.constant 0 : i32
    %dma_start3A_140 = arith.constant 0 : i32
    %dma_start3A_141 = tpu.memref_slice %arg2[%dma_start3A_139, %dma_start3A_140] : memref<2007040x16xf32, #tpu.memory_space<hbm>> -> memref<2007040x16xf32, #tpu.memory_space<hbm>>
    tpu.enqueue_indirect_dma source(%dma_start3A_141 : memref<2007040x16xf32, #tpu.memory_space<hbm>>) target(%dma_start3A_135 : memref<128x16xf32, #tpu.memory_space<vmem>>) offsets(%dma_start3A_138 : memref<128xi32, #tpu.memory_space<vmem>>) semaphore(%arg15 : memref<!tpu.dma_semaphore, #tpu.memory_space<semaphore_mem>>)
    %dma_start3A_142 = arith.constant 14 : i32
    %dma_start3A_143 = arith.constant 1792 : i32
    %dma_start3A_144 = arith.constant 0 : i32
    %dma_start3A_145 = tpu.memref_slice %arg12[%dma_start3A_143, %dma_start3A_144] : memref<2048x16xf32, #tpu.memory_space<vmem>> -> memref<128x16xf32, #tpu.memory_space<vmem>>
    %dma_start3A_146 = arith.constant 0 : i32
    %dma_start3A_147 = tpu.memref_slice %arg9[%dma_start3A_142, %dma_start3A_146] : memref<16x128xi32, #tpu.memory_space<vmem>> -> memref<1x128xi32, #tpu.memory_space<vmem>>
    %dma_start3A_148 = tpu.memref_squeeze %dma_start3A_147 : memref<1x128xi32, #tpu.memory_space<vmem>> -> memref<128xi32, #tpu.memory_space<vmem>>
    %dma_start3A_149 = arith.constant 0 : i32
    %dma_start3A_150 = arith.constant 0 : i32
    %dma_start3A_151 = tpu.memref_slice %arg2[%dma_start3A_149, %dma_start3A_150] : memref<2007040x16xf32, #tpu.memory_space<hbm>> -> memref<2007040x16xf32, #tpu.memory_space<hbm>>
    tpu.enqueue_indirect_dma source(%dma_start3A_151 : memref<2007040x16xf32, #tpu.memory_space<hbm>>) target(%dma_start3A_145 : memref<128x16xf32, #tpu.memory_space<vmem>>) offsets(%dma_start3A_148 : memref<128xi32, #tpu.memory_space<vmem>>) semaphore(%arg15 : memref<!tpu.dma_semaphore, #tpu.memory_space<semaphore_mem>>)
    %dma_start3A_152 = arith.constant 15 : i32
    %dma_start3A_153 = arith.constant 1920 : i32
    %dma_start3A_154 = arith.constant 0 : i32
    %dma_start3A_155 = tpu.memref_slice %arg12[%dma_start3A_153, %dma_start3A_154] : memref<2048x16xf32, #tpu.memory_space<vmem>> -> memref<128x16xf32, #tpu.memory_space<vmem>>
    %dma_start3A_156 = arith.constant 0 : i32
    %dma_start3A_157 = tpu.memref_slice %arg9[%dma_start3A_152, %dma_start3A_156] : memref<16x128xi32, #tpu.memory_space<vmem>> -> memref<1x128xi32, #tpu.memory_space<vmem>>
    %dma_start3A_158 = tpu.memref_squeeze %dma_start3A_157 : memref<1x128xi32, #tpu.memory_space<vmem>> -> memref<128xi32, #tpu.memory_space<vmem>>
    %dma_start3A_159 = arith.constant 0 : i32
    %dma_start3A_160 = arith.constant 0 : i32
    %dma_start3A_161 = tpu.memref_slice %arg2[%dma_start3A_159, %dma_start3A_160] : memref<2007040x16xf32, #tpu.memory_space<hbm>> -> memref<2007040x16xf32, #tpu.memory_space<hbm>>
    tpu.enqueue_indirect_dma source(%dma_start3A_161 : memref<2007040x16xf32, #tpu.memory_space<hbm>>) target(%dma_start3A_155 : memref<128x16xf32, #tpu.memory_space<vmem>>) offsets(%dma_start3A_158 : memref<128xi32, #tpu.memory_space<vmem>>) semaphore(%arg15 : memref<!tpu.dma_semaphore, #tpu.memory_space<semaphore_mem>>)
    %dma_start3A_162 = arith.constant 0 : i32
    %dma_start3A_163 = arith.constant 0 : i32
    %dma_start3A_164 = arith.constant 0 : i32
    %dma_start3A_165 = tpu.memref_slice %arg13[%dma_start3A_163, %dma_start3A_164] : memref<1024x16xf32, #tpu.memory_space<vmem>> -> memref<128x16xf32, #tpu.memory_space<vmem>>
    %dma_start3A_166 = arith.constant 0 : i32
    %dma_start3A_167 = tpu.memref_slice %arg11[%dma_start3A_162, %dma_start3A_166] : memref<8x128xi32, #tpu.memory_space<vmem>> -> memref<1x128xi32, #tpu.memory_space<vmem>>
    %dma_start3A_168 = tpu.memref_squeeze %dma_start3A_167 : memref<1x128xi32, #tpu.memory_space<vmem>> -> memref<128xi32, #tpu.memory_space<vmem>>
    %dma_start3A_169 = arith.constant 0 : i32
    %dma_start3A_170 = arith.constant 0 : i32
    %dma_start3A_171 = tpu.memref_slice %arg3[%dma_start3A_169, %dma_start3A_170] : memref<62500x16xf32, #tpu.memory_space<hbm>> -> memref<62500x16xf32, #tpu.memory_space<hbm>>
    tpu.enqueue_indirect_dma source(%dma_start3A_171 : memref<62500x16xf32, #tpu.memory_space<hbm>>) target(%dma_start3A_165 : memref<128x16xf32, #tpu.memory_space<vmem>>) offsets(%dma_start3A_168 : memref<128xi32, #tpu.memory_space<vmem>>) semaphore(%arg16 : memref<!tpu.dma_semaphore, #tpu.memory_space<semaphore_mem>>)
    %dma_start3A_172 = arith.constant 1 : i32
    %dma_start3A_173 = arith.constant 128 : i32
    %dma_start3A_174 = arith.constant 0 : i32
    %dma_start3A_175 = tpu.memref_slice %arg13[%dma_start3A_173, %dma_start3A_174] : memref<1024x16xf32, #tpu.memory_space<vmem>> -> memref<128x16xf32, #tpu.memory_space<vmem>>
    %dma_start3A_176 = arith.constant 0 : i32
    %dma_start3A_177 = tpu.memref_slice %arg11[%dma_start3A_172, %dma_start3A_176] : memref<8x128xi32, #tpu.memory_space<vmem>> -> memref<1x128xi32, #tpu.memory_space<vmem>>
    %dma_start3A_178 = tpu.memref_squeeze %dma_start3A_177 : memref<1x128xi32, #tpu.memory_space<vmem>> -> memref<128xi32, #tpu.memory_space<vmem>>
    %dma_start3A_179 = arith.constant 0 : i32
    %dma_start3A_180 = arith.constant 0 : i32
    %dma_start3A_181 = tpu.memref_slice %arg3[%dma_start3A_179, %dma_start3A_180] : memref<62500x16xf32, #tpu.memory_space<hbm>> -> memref<62500x16xf32, #tpu.memory_space<hbm>>
    tpu.enqueue_indirect_dma source(%dma_start3A_181 : memref<62500x16xf32, #tpu.memory_space<hbm>>) target(%dma_start3A_175 : memref<128x16xf32, #tpu.memory_space<vmem>>) offsets(%dma_start3A_178 : memref<128xi32, #tpu.memory_space<vmem>>) semaphore(%arg16 : memref<!tpu.dma_semaphore, #tpu.memory_space<semaphore_mem>>)
    %dma_start3A_182 = arith.constant 2 : i32
    %dma_start3A_183 = arith.constant 256 : i32
    %dma_start3A_184 = arith.constant 0 : i32
    %dma_start3A_185 = tpu.memref_slice %arg13[%dma_start3A_183, %dma_start3A_184] : memref<1024x16xf32, #tpu.memory_space<vmem>> -> memref<128x16xf32, #tpu.memory_space<vmem>>
    %dma_start3A_186 = arith.constant 0 : i32
    %dma_start3A_187 = tpu.memref_slice %arg11[%dma_start3A_182, %dma_start3A_186] : memref<8x128xi32, #tpu.memory_space<vmem>> -> memref<1x128xi32, #tpu.memory_space<vmem>>
    %dma_start3A_188 = tpu.memref_squeeze %dma_start3A_187 : memref<1x128xi32, #tpu.memory_space<vmem>> -> memref<128xi32, #tpu.memory_space<vmem>>
    %dma_start3A_189 = arith.constant 0 : i32
    %dma_start3A_190 = arith.constant 0 : i32
    %dma_start3A_191 = tpu.memref_slice %arg3[%dma_start3A_189, %dma_start3A_190] : memref<62500x16xf32, #tpu.memory_space<hbm>> -> memref<62500x16xf32, #tpu.memory_space<hbm>>
    tpu.enqueue_indirect_dma source(%dma_start3A_191 : memref<62500x16xf32, #tpu.memory_space<hbm>>) target(%dma_start3A_185 : memref<128x16xf32, #tpu.memory_space<vmem>>) offsets(%dma_start3A_188 : memref<128xi32, #tpu.memory_space<vmem>>) semaphore(%arg16 : memref<!tpu.dma_semaphore, #tpu.memory_space<semaphore_mem>>)
    %dma_start3A_192 = arith.constant 3 : i32
    %dma_start3A_193 = arith.constant 384 : i32
    %dma_start3A_194 = arith.constant 0 : i32
    %dma_start3A_195 = tpu.memref_slice %arg13[%dma_start3A_193, %dma_start3A_194] : memref<1024x16xf32, #tpu.memory_space<vmem>> -> memref<128x16xf32, #tpu.memory_space<vmem>>
    %dma_start3A_196 = arith.constant 0 : i32
    %dma_start3A_197 = tpu.memref_slice %arg11[%dma_start3A_192, %dma_start3A_196] : memref<8x128xi32, #tpu.memory_space<vmem>> -> memref<1x128xi32, #tpu.memory_space<vmem>>
    %dma_start3A_198 = tpu.memref_squeeze %dma_start3A_197 : memref<1x128xi32, #tpu.memory_space<vmem>> -> memref<128xi32, #tpu.memory_space<vmem>>
    %dma_start3A_199 = arith.constant 0 : i32
    %dma_start3A_200 = arith.constant 0 : i32
    %dma_start3A_201 = tpu.memref_slice %arg3[%dma_start3A_199, %dma_start3A_200] : memref<62500x16xf32, #tpu.memory_space<hbm>> -> memref<62500x16xf32, #tpu.memory_space<hbm>>
    tpu.enqueue_indirect_dma source(%dma_start3A_201 : memref<62500x16xf32, #tpu.memory_space<hbm>>) target(%dma_start3A_195 : memref<128x16xf32, #tpu.memory_space<vmem>>) offsets(%dma_start3A_198 : memref<128xi32, #tpu.memory_space<vmem>>) semaphore(%arg16 : memref<!tpu.dma_semaphore, #tpu.memory_space<semaphore_mem>>)
    %dma_start3A_202 = arith.constant 4 : i32
    %dma_start3A_203 = arith.constant 512 : i32
    %dma_start3A_204 = arith.constant 0 : i32
    %dma_start3A_205 = tpu.memref_slice %arg13[%dma_start3A_203, %dma_start3A_204] : memref<1024x16xf32, #tpu.memory_space<vmem>> -> memref<128x16xf32, #tpu.memory_space<vmem>>
    %dma_start3A_206 = arith.constant 0 : i32
    %dma_start3A_207 = tpu.memref_slice %arg11[%dma_start3A_202, %dma_start3A_206] : memref<8x128xi32, #tpu.memory_space<vmem>> -> memref<1x128xi32, #tpu.memory_space<vmem>>
    %dma_start3A_208 = tpu.memref_squeeze %dma_start3A_207 : memref<1x128xi32, #tpu.memory_space<vmem>> -> memref<128xi32, #tpu.memory_space<vmem>>
    %dma_start3A_209 = arith.constant 0 : i32
    %dma_start3A_210 = arith.constant 0 : i32
    %dma_start3A_211 = tpu.memref_slice %arg3[%dma_start3A_209, %dma_start3A_210] : memref<62500x16xf32, #tpu.memory_space<hbm>> -> memref<62500x16xf32, #tpu.memory_space<hbm>>
    tpu.enqueue_indirect_dma source(%dma_start3A_211 : memref<62500x16xf32, #tpu.memory_space<hbm>>) target(%dma_start3A_205 : memref<128x16xf32, #tpu.memory_space<vmem>>) offsets(%dma_start3A_208 : memref<128xi32, #tpu.memory_space<vmem>>) semaphore(%arg16 : memref<!tpu.dma_semaphore, #tpu.memory_space<semaphore_mem>>)
    %dma_start3A_212 = arith.constant 5 : i32
    %dma_start3A_213 = arith.constant 640 : i32
    %dma_start3A_214 = arith.constant 0 : i32
    %dma_start3A_215 = tpu.memref_slice %arg13[%dma_start3A_213, %dma_start3A_214] : memref<1024x16xf32, #tpu.memory_space<vmem>> -> memref<128x16xf32, #tpu.memory_space<vmem>>
    %dma_start3A_216 = arith.constant 0 : i32
    %dma_start3A_217 = tpu.memref_slice %arg11[%dma_start3A_212, %dma_start3A_216] : memref<8x128xi32, #tpu.memory_space<vmem>> -> memref<1x128xi32, #tpu.memory_space<vmem>>
    %dma_start3A_218 = tpu.memref_squeeze %dma_start3A_217 : memref<1x128xi32, #tpu.memory_space<vmem>> -> memref<128xi32, #tpu.memory_space<vmem>>
    %dma_start3A_219 = arith.constant 0 : i32
    %dma_start3A_220 = arith.constant 0 : i32
    %dma_start3A_221 = tpu.memref_slice %arg3[%dma_start3A_219, %dma_start3A_220] : memref<62500x16xf32, #tpu.memory_space<hbm>> -> memref<62500x16xf32, #tpu.memory_space<hbm>>
    tpu.enqueue_indirect_dma source(%dma_start3A_221 : memref<62500x16xf32, #tpu.memory_space<hbm>>) target(%dma_start3A_215 : memref<128x16xf32, #tpu.memory_space<vmem>>) offsets(%dma_start3A_218 : memref<128xi32, #tpu.memory_space<vmem>>) semaphore(%arg16 : memref<!tpu.dma_semaphore, #tpu.memory_space<semaphore_mem>>)
    %dma_start3A_222 = arith.constant 6 : i32
    %dma_start3A_223 = arith.constant 768 : i32
    %dma_start3A_224 = arith.constant 0 : i32
    %dma_start3A_225 = tpu.memref_slice %arg13[%dma_start3A_223, %dma_start3A_224] : memref<1024x16xf32, #tpu.memory_space<vmem>> -> memref<128x16xf32, #tpu.memory_space<vmem>>
    %dma_start3A_226 = arith.constant 0 : i32
    %dma_start3A_227 = tpu.memref_slice %arg11[%dma_start3A_222, %dma_start3A_226] : memref<8x128xi32, #tpu.memory_space<vmem>> -> memref<1x128xi32, #tpu.memory_space<vmem>>
    %dma_start3A_228 = tpu.memref_squeeze %dma_start3A_227 : memref<1x128xi32, #tpu.memory_space<vmem>> -> memref<128xi32, #tpu.memory_space<vmem>>
    %dma_start3A_229 = arith.constant 0 : i32
    %dma_start3A_230 = arith.constant 0 : i32
    %dma_start3A_231 = tpu.memref_slice %arg3[%dma_start3A_229, %dma_start3A_230] : memref<62500x16xf32, #tpu.memory_space<hbm>> -> memref<62500x16xf32, #tpu.memory_space<hbm>>
    tpu.enqueue_indirect_dma source(%dma_start3A_231 : memref<62500x16xf32, #tpu.memory_space<hbm>>) target(%dma_start3A_225 : memref<128x16xf32, #tpu.memory_space<vmem>>) offsets(%dma_start3A_228 : memref<128xi32, #tpu.memory_space<vmem>>) semaphore(%arg16 : memref<!tpu.dma_semaphore, #tpu.memory_space<semaphore_mem>>)
    %dma_start3A_232 = arith.constant 7 : i32
    %dma_start3A_233 = arith.constant 896 : i32
    %dma_start3A_234 = arith.constant 0 : i32
    %dma_start3A_235 = tpu.memref_slice %arg13[%dma_start3A_233, %dma_start3A_234] : memref<1024x16xf32, #tpu.memory_space<vmem>> -> memref<128x16xf32, #tpu.memory_space<vmem>>
    %dma_start3A_236 = arith.constant 0 : i32
    %dma_start3A_237 = tpu.memref_slice %arg11[%dma_start3A_232, %dma_start3A_236] : memref<8x128xi32, #tpu.memory_space<vmem>> -> memref<1x128xi32, #tpu.memory_space<vmem>>
    %dma_start3A_238 = tpu.memref_squeeze %dma_start3A_237 : memref<1x128xi32, #tpu.memory_space<vmem>> -> memref<128xi32, #tpu.memory_space<vmem>>
    %dma_start3A_239 = arith.constant 0 : i32
    %dma_start3A_240 = arith.constant 0 : i32
    %dma_start3A_241 = tpu.memref_slice %arg3[%dma_start3A_239, %dma_start3A_240] : memref<62500x16xf32, #tpu.memory_space<hbm>> -> memref<62500x16xf32, #tpu.memory_space<hbm>>
    tpu.enqueue_indirect_dma source(%dma_start3A_241 : memref<62500x16xf32, #tpu.memory_space<hbm>>) target(%dma_start3A_235 : memref<128x16xf32, #tpu.memory_space<vmem>>) offsets(%dma_start3A_238 : memref<128xi32, #tpu.memory_space<vmem>>) semaphore(%arg16 : memref<!tpu.dma_semaphore, #tpu.memory_space<semaphore_mem>>)
    %dma_wait3A = arith.constant 0 : i32
    %dma_wait3A_242 = arith.constant 0 : i32
    %dma_wait3A_243 = arith.constant 0 : i32
    %dma_wait3A_244 = tpu.memref_slice %arg12[%dma_wait3A_242, %dma_wait3A_243] : memref<2048x16xf32, #tpu.memory_space<vmem>> -> memref<128x16xf32, #tpu.memory_space<vmem>>
    %dma_wait3A_245 = arith.constant 0 : i32
    %dma_wait3A_246 = tpu.memref_slice %arg9[%dma_wait3A, %dma_wait3A_245] : memref<16x128xi32, #tpu.memory_space<vmem>> -> memref<1x128xi32, #tpu.memory_space<vmem>>
    %dma_wait3A_247 = tpu.memref_squeeze %dma_wait3A_246 : memref<1x128xi32, #tpu.memory_space<vmem>> -> memref<128xi32, #tpu.memory_space<vmem>>
    %dma_wait3A_248 = arith.constant 0 : i32
    %dma_wait3A_249 = arith.constant 0 : i32
    %dma_wait3A_250 = tpu.memref_slice %arg2[%dma_wait3A_248, %dma_wait3A_249] : memref<2007040x16xf32, #tpu.memory_space<hbm>> -> memref<2007040x16xf32, #tpu.memory_space<hbm>>
    tpu.wait_indirect_dma semaphore(%arg15 : memref<!tpu.dma_semaphore, #tpu.memory_space<semaphore_mem>>) src(%dma_wait3A_250 : memref<2007040x16xf32, #tpu.memory_space<hbm>>) dst(%dma_wait3A_244 : memref<128x16xf32, #tpu.memory_space<vmem>>)
    %dma_wait3A_251 = arith.constant 1 : i32
    %dma_wait3A_252 = arith.constant 128 : i32
    %dma_wait3A_253 = arith.constant 0 : i32
    %dma_wait3A_254 = tpu.memref_slice %arg12[%dma_wait3A_252, %dma_wait3A_253] : memref<2048x16xf32, #tpu.memory_space<vmem>> -> memref<128x16xf32, #tpu.memory_space<vmem>>
    %dma_wait3A_255 = arith.constant 0 : i32
    %dma_wait3A_256 = tpu.memref_slice %arg9[%dma_wait3A_251, %dma_wait3A_255] : memref<16x128xi32, #tpu.memory_space<vmem>> -> memref<1x128xi32, #tpu.memory_space<vmem>>
    %dma_wait3A_257 = tpu.memref_squeeze %dma_wait3A_256 : memref<1x128xi32, #tpu.memory_space<vmem>> -> memref<128xi32, #tpu.memory_space<vmem>>
    %dma_wait3A_258 = arith.constant 0 : i32
    %dma_wait3A_259 = arith.constant 0 : i32
    %dma_wait3A_260 = tpu.memref_slice %arg2[%dma_wait3A_258, %dma_wait3A_259] : memref<2007040x16xf32, #tpu.memory_space<hbm>> -> memref<2007040x16xf32, #tpu.memory_space<hbm>>
    tpu.wait_indirect_dma semaphore(%arg15 : memref<!tpu.dma_semaphore, #tpu.memory_space<semaphore_mem>>) src(%dma_wait3A_260 : memref<2007040x16xf32, #tpu.memory_space<hbm>>) dst(%dma_wait3A_254 : memref<128x16xf32, #tpu.memory_space<vmem>>)
    %dma_wait3A_261 = arith.constant 2 : i32
    %dma_wait3A_262 = arith.constant 256 : i32
    %dma_wait3A_263 = arith.constant 0 : i32
    %dma_wait3A_264 = tpu.memref_slice %arg12[%dma_wait3A_262, %dma_wait3A_263] : memref<2048x16xf32, #tpu.memory_space<vmem>> -> memref<128x16xf32, #tpu.memory_space<vmem>>
    %dma_wait3A_265 = arith.constant 0 : i32
    %dma_wait3A_266 = tpu.memref_slice %arg9[%dma_wait3A_261, %dma_wait3A_265] : memref<16x128xi32, #tpu.memory_space<vmem>> -> memref<1x128xi32, #tpu.memory_space<vmem>>
    %dma_wait3A_267 = tpu.memref_squeeze %dma_wait3A_266 : memref<1x128xi32, #tpu.memory_space<vmem>> -> memref<128xi32, #tpu.memory_space<vmem>>
    %dma_wait3A_268 = arith.constant 0 : i32
    %dma_wait3A_269 = arith.constant 0 : i32
    %dma_wait3A_270 = tpu.memref_slice %arg2[%dma_wait3A_268, %dma_wait3A_269] : memref<2007040x16xf32, #tpu.memory_space<hbm>> -> memref<2007040x16xf32, #tpu.memory_space<hbm>>
    tpu.wait_indirect_dma semaphore(%arg15 : memref<!tpu.dma_semaphore, #tpu.memory_space<semaphore_mem>>) src(%dma_wait3A_270 : memref<2007040x16xf32, #tpu.memory_space<hbm>>) dst(%dma_wait3A_264 : memref<128x16xf32, #tpu.memory_space<vmem>>)
    %dma_wait3A_271 = arith.constant 3 : i32
    %dma_wait3A_272 = arith.constant 384 : i32
    %dma_wait3A_273 = arith.constant 0 : i32
    %dma_wait3A_274 = tpu.memref_slice %arg12[%dma_wait3A_272, %dma_wait3A_273] : memref<2048x16xf32, #tpu.memory_space<vmem>> -> memref<128x16xf32, #tpu.memory_space<vmem>>
    %dma_wait3A_275 = arith.constant 0 : i32
    %dma_wait3A_276 = tpu.memref_slice %arg9[%dma_wait3A_271, %dma_wait3A_275] : memref<16x128xi32, #tpu.memory_space<vmem>> -> memref<1x128xi32, #tpu.memory_space<vmem>>
    %dma_wait3A_277 = tpu.memref_squeeze %dma_wait3A_276 : memref<1x128xi32, #tpu.memory_space<vmem>> -> memref<128xi32, #tpu.memory_space<vmem>>
    %dma_wait3A_278 = arith.constant 0 : i32
    %dma_wait3A_279 = arith.constant 0 : i32
    %dma_wait3A_280 = tpu.memref_slice %arg2[%dma_wait3A_278, %dma_wait3A_279] : memref<2007040x16xf32, #tpu.memory_space<hbm>> -> memref<2007040x16xf32, #tpu.memory_space<hbm>>
    tpu.wait_indirect_dma semaphore(%arg15 : memref<!tpu.dma_semaphore, #tpu.memory_space<semaphore_mem>>) src(%dma_wait3A_280 : memref<2007040x16xf32, #tpu.memory_space<hbm>>) dst(%dma_wait3A_274 : memref<128x16xf32, #tpu.memory_space<vmem>>)
    %dma_wait3A_281 = arith.constant 4 : i32
    %dma_wait3A_282 = arith.constant 512 : i32
    %dma_wait3A_283 = arith.constant 0 : i32
    %dma_wait3A_284 = tpu.memref_slice %arg12[%dma_wait3A_282, %dma_wait3A_283] : memref<2048x16xf32, #tpu.memory_space<vmem>> -> memref<128x16xf32, #tpu.memory_space<vmem>>
    %dma_wait3A_285 = arith.constant 0 : i32
    %dma_wait3A_286 = tpu.memref_slice %arg9[%dma_wait3A_281, %dma_wait3A_285] : memref<16x128xi32, #tpu.memory_space<vmem>> -> memref<1x128xi32, #tpu.memory_space<vmem>>
    %dma_wait3A_287 = tpu.memref_squeeze %dma_wait3A_286 : memref<1x128xi32, #tpu.memory_space<vmem>> -> memref<128xi32, #tpu.memory_space<vmem>>
    %dma_wait3A_288 = arith.constant 0 : i32
    %dma_wait3A_289 = arith.constant 0 : i32
    %dma_wait3A_290 = tpu.memref_slice %arg2[%dma_wait3A_288, %dma_wait3A_289] : memref<2007040x16xf32, #tpu.memory_space<hbm>> -> memref<2007040x16xf32, #tpu.memory_space<hbm>>
    tpu.wait_indirect_dma semaphore(%arg15 : memref<!tpu.dma_semaphore, #tpu.memory_space<semaphore_mem>>) src(%dma_wait3A_290 : memref<2007040x16xf32, #tpu.memory_space<hbm>>) dst(%dma_wait3A_284 : memref<128x16xf32, #tpu.memory_space<vmem>>)
    %dma_wait3A_291 = arith.constant 5 : i32
    %dma_wait3A_292 = arith.constant 640 : i32
    %dma_wait3A_293 = arith.constant 0 : i32
    %dma_wait3A_294 = tpu.memref_slice %arg12[%dma_wait3A_292, %dma_wait3A_293] : memref<2048x16xf32, #tpu.memory_space<vmem>> -> memref<128x16xf32, #tpu.memory_space<vmem>>
    %dma_wait3A_295 = arith.constant 0 : i32
    %dma_wait3A_296 = tpu.memref_slice %arg9[%dma_wait3A_291, %dma_wait3A_295] : memref<16x128xi32, #tpu.memory_space<vmem>> -> memref<1x128xi32, #tpu.memory_space<vmem>>
    %dma_wait3A_297 = tpu.memref_squeeze %dma_wait3A_296 : memref<1x128xi32, #tpu.memory_space<vmem>> -> memref<128xi32, #tpu.memory_space<vmem>>
    %dma_wait3A_298 = arith.constant 0 : i32
    %dma_wait3A_299 = arith.constant 0 : i32
    %dma_wait3A_300 = tpu.memref_slice %arg2[%dma_wait3A_298, %dma_wait3A_299] : memref<2007040x16xf32, #tpu.memory_space<hbm>> -> memref<2007040x16xf32, #tpu.memory_space<hbm>>
    tpu.wait_indirect_dma semaphore(%arg15 : memref<!tpu.dma_semaphore, #tpu.memory_space<semaphore_mem>>) src(%dma_wait3A_300 : memref<2007040x16xf32, #tpu.memory_space<hbm>>) dst(%dma_wait3A_294 : memref<128x16xf32, #tpu.memory_space<vmem>>)
    %dma_wait3A_301 = arith.constant 6 : i32
    %dma_wait3A_302 = arith.constant 768 : i32
    %dma_wait3A_303 = arith.constant 0 : i32
    %dma_wait3A_304 = tpu.memref_slice %arg12[%dma_wait3A_302, %dma_wait3A_303] : memref<2048x16xf32, #tpu.memory_space<vmem>> -> memref<128x16xf32, #tpu.memory_space<vmem>>
    %dma_wait3A_305 = arith.constant 0 : i32
    %dma_wait3A_306 = tpu.memref_slice %arg9[%dma_wait3A_301, %dma_wait3A_305] : memref<16x128xi32, #tpu.memory_space<vmem>> -> memref<1x128xi32, #tpu.memory_space<vmem>>
    %dma_wait3A_307 = tpu.memref_squeeze %dma_wait3A_306 : memref<1x128xi32, #tpu.memory_space<vmem>> -> memref<128xi32, #tpu.memory_space<vmem>>
    %dma_wait3A_308 = arith.constant 0 : i32
    %dma_wait3A_309 = arith.constant 0 : i32
    %dma_wait3A_310 = tpu.memref_slice %arg2[%dma_wait3A_308, %dma_wait3A_309] : memref<2007040x16xf32, #tpu.memory_space<hbm>> -> memref<2007040x16xf32, #tpu.memory_space<hbm>>
    tpu.wait_indirect_dma semaphore(%arg15 : memref<!tpu.dma_semaphore, #tpu.memory_space<semaphore_mem>>) src(%dma_wait3A_310 : memref<2007040x16xf32, #tpu.memory_space<hbm>>) dst(%dma_wait3A_304 : memref<128x16xf32, #tpu.memory_space<vmem>>)
    %dma_wait3A_311 = arith.constant 7 : i32
    %dma_wait3A_312 = arith.constant 896 : i32
    %dma_wait3A_313 = arith.constant 0 : i32
    %dma_wait3A_314 = tpu.memref_slice %arg12[%dma_wait3A_312, %dma_wait3A_313] : memref<2048x16xf32, #tpu.memory_space<vmem>> -> memref<128x16xf32, #tpu.memory_space<vmem>>
    %dma_wait3A_315 = arith.constant 0 : i32
    %dma_wait3A_316 = tpu.memref_slice %arg9[%dma_wait3A_311, %dma_wait3A_315] : memref<16x128xi32, #tpu.memory_space<vmem>> -> memref<1x128xi32, #tpu.memory_space<vmem>>
    %dma_wait3A_317 = tpu.memref_squeeze %dma_wait3A_316 : memref<1x128xi32, #tpu.memory_space<vmem>> -> memref<128xi32, #tpu.memory_space<vmem>>
    %dma_wait3A_318 = arith.constant 0 : i32
    %dma_wait3A_319 = arith.constant 0 : i32
    %dma_wait3A_320 = tpu.memref_slice %arg2[%dma_wait3A_318, %dma_wait3A_319] : memref<2007040x16xf32, #tpu.memory_space<hbm>> -> memref<2007040x16xf32, #tpu.memory_space<hbm>>
    tpu.wait_indirect_dma semaphore(%arg15 : memref<!tpu.dma_semaphore, #tpu.memory_space<semaphore_mem>>) src(%dma_wait3A_320 : memref<2007040x16xf32, #tpu.memory_space<hbm>>) dst(%dma_wait3A_314 : memref<128x16xf32, #tpu.memory_space<vmem>>)
    %dma_wait3A_321 = arith.constant 8 : i32
    %dma_wait3A_322 = arith.constant 1024 : i32
    %dma_wait3A_323 = arith.constant 0 : i32
    %dma_wait3A_324 = tpu.memref_slice %arg12[%dma_wait3A_322, %dma_wait3A_323] : memref<2048x16xf32, #tpu.memory_space<vmem>> -> memref<128x16xf32, #tpu.memory_space<vmem>>
    %dma_wait3A_325 = arith.constant 0 : i32
    %dma_wait3A_326 = tpu.memref_slice %arg9[%dma_wait3A_321, %dma_wait3A_325] : memref<16x128xi32, #tpu.memory_space<vmem>> -> memref<1x128xi32, #tpu.memory_space<vmem>>
    %dma_wait3A_327 = tpu.memref_squeeze %dma_wait3A_326 : memref<1x128xi32, #tpu.memory_space<vmem>> -> memref<128xi32, #tpu.memory_space<vmem>>
    %dma_wait3A_328 = arith.constant 0 : i32
    %dma_wait3A_329 = arith.constant 0 : i32
    %dma_wait3A_330 = tpu.memref_slice %arg2[%dma_wait3A_328, %dma_wait3A_329] : memref<2007040x16xf32, #tpu.memory_space<hbm>> -> memref<2007040x16xf32, #tpu.memory_space<hbm>>
    tpu.wait_indirect_dma semaphore(%arg15 : memref<!tpu.dma_semaphore, #tpu.memory_space<semaphore_mem>>) src(%dma_wait3A_330 : memref<2007040x16xf32, #tpu.memory_space<hbm>>) dst(%dma_wait3A_324 : memref<128x16xf32, #tpu.memory_space<vmem>>)
    %dma_wait3A_331 = arith.constant 9 : i32
    %dma_wait3A_332 = arith.constant 1152 : i32
    %dma_wait3A_333 = arith.constant 0 : i32
    %dma_wait3A_334 = tpu.memref_slice %arg12[%dma_wait3A_332, %dma_wait3A_333] : memref<2048x16xf32, #tpu.memory_space<vmem>> -> memref<128x16xf32, #tpu.memory_space<vmem>>
    %dma_wait3A_335 = arith.constant 0 : i32
    %dma_wait3A_336 = tpu.memref_slice %arg9[%dma_wait3A_331, %dma_wait3A_335] : memref<16x128xi32, #tpu.memory_space<vmem>> -> memref<1x128xi32, #tpu.memory_space<vmem>>
    %dma_wait3A_337 = tpu.memref_squeeze %dma_wait3A_336 : memref<1x128xi32, #tpu.memory_space<vmem>> -> memref<128xi32, #tpu.memory_space<vmem>>
    %dma_wait3A_338 = arith.constant 0 : i32
    %dma_wait3A_339 = arith.constant 0 : i32
    %dma_wait3A_340 = tpu.memref_slice %arg2[%dma_wait3A_338, %dma_wait3A_339] : memref<2007040x16xf32, #tpu.memory_space<hbm>> -> memref<2007040x16xf32, #tpu.memory_space<hbm>>
    tpu.wait_indirect_dma semaphore(%arg15 : memref<!tpu.dma_semaphore, #tpu.memory_space<semaphore_mem>>) src(%dma_wait3A_340 : memref<2007040x16xf32, #tpu.memory_space<hbm>>) dst(%dma_wait3A_334 : memref<128x16xf32, #tpu.memory_space<vmem>>)
    %dma_wait3A_341 = arith.constant 10 : i32
    %dma_wait3A_342 = arith.constant 1280 : i32
    %dma_wait3A_343 = arith.constant 0 : i32
    %dma_wait3A_344 = tpu.memref_slice %arg12[%dma_wait3A_342, %dma_wait3A_343] : memref<2048x16xf32, #tpu.memory_space<vmem>> -> memref<128x16xf32, #tpu.memory_space<vmem>>
    %dma_wait3A_345 = arith.constant 0 : i32
    %dma_wait3A_346 = tpu.memref_slice %arg9[%dma_wait3A_341, %dma_wait3A_345] : memref<16x128xi32, #tpu.memory_space<vmem>> -> memref<1x128xi32, #tpu.memory_space<vmem>>
    %dma_wait3A_347 = tpu.memref_squeeze %dma_wait3A_346 : memref<1x128xi32, #tpu.memory_space<vmem>> -> memref<128xi32, #tpu.memory_space<vmem>>
    %dma_wait3A_348 = arith.constant 0 : i32
    %dma_wait3A_349 = arith.constant 0 : i32
    %dma_wait3A_350 = tpu.memref_slice %arg2[%dma_wait3A_348, %dma_wait3A_349] : memref<2007040x16xf32, #tpu.memory_space<hbm>> -> memref<2007040x16xf32, #tpu.memory_space<hbm>>
    tpu.wait_indirect_dma semaphore(%arg15 : memref<!tpu.dma_semaphore, #tpu.memory_space<semaphore_mem>>) src(%dma_wait3A_350 : memref<2007040x16xf32, #tpu.memory_space<hbm>>) dst(%dma_wait3A_344 : memref<128x16xf32, #tpu.memory_space<vmem>>)
    %dma_wait3A_351 = arith.constant 11 : i32
    %dma_wait3A_352 = arith.constant 1408 : i32
    %dma_wait3A_353 = arith.constant 0 : i32
    %dma_wait3A_354 = tpu.memref_slice %arg12[%dma_wait3A_352, %dma_wait3A_353] : memref<2048x16xf32, #tpu.memory_space<vmem>> -> memref<128x16xf32, #tpu.memory_space<vmem>>
    %dma_wait3A_355 = arith.constant 0 : i32
    %dma_wait3A_356 = tpu.memref_slice %arg9[%dma_wait3A_351, %dma_wait3A_355] : memref<16x128xi32, #tpu.memory_space<vmem>> -> memref<1x128xi32, #tpu.memory_space<vmem>>
    %dma_wait3A_357 = tpu.memref_squeeze %dma_wait3A_356 : memref<1x128xi32, #tpu.memory_space<vmem>> -> memref<128xi32, #tpu.memory_space<vmem>>
    %dma_wait3A_358 = arith.constant 0 : i32
    %dma_wait3A_359 = arith.constant 0 : i32
    %dma_wait3A_360 = tpu.memref_slice %arg2[%dma_wait3A_358, %dma_wait3A_359] : memref<2007040x16xf32, #tpu.memory_space<hbm>> -> memref<2007040x16xf32, #tpu.memory_space<hbm>>
    tpu.wait_indirect_dma semaphore(%arg15 : memref<!tpu.dma_semaphore, #tpu.memory_space<semaphore_mem>>) src(%dma_wait3A_360 : memref<2007040x16xf32, #tpu.memory_space<hbm>>) dst(%dma_wait3A_354 : memref<128x16xf32, #tpu.memory_space<vmem>>)
    %dma_wait3A_361 = arith.constant 12 : i32
    %dma_wait3A_362 = arith.constant 1536 : i32
    %dma_wait3A_363 = arith.constant 0 : i32
    %dma_wait3A_364 = tpu.memref_slice %arg12[%dma_wait3A_362, %dma_wait3A_363] : memref<2048x16xf32, #tpu.memory_space<vmem>> -> memref<128x16xf32, #tpu.memory_space<vmem>>
    %dma_wait3A_365 = arith.constant 0 : i32
    %dma_wait3A_366 = tpu.memref_slice %arg9[%dma_wait3A_361, %dma_wait3A_365] : memref<16x128xi32, #tpu.memory_space<vmem>> -> memref<1x128xi32, #tpu.memory_space<vmem>>
    %dma_wait3A_367 = tpu.memref_squeeze %dma_wait3A_366 : memref<1x128xi32, #tpu.memory_space<vmem>> -> memref<128xi32, #tpu.memory_space<vmem>>
    %dma_wait3A_368 = arith.constant 0 : i32
    %dma_wait3A_369 = arith.constant 0 : i32
    %dma_wait3A_370 = tpu.memref_slice %arg2[%dma_wait3A_368, %dma_wait3A_369] : memref<2007040x16xf32, #tpu.memory_space<hbm>> -> memref<2007040x16xf32, #tpu.memory_space<hbm>>
    tpu.wait_indirect_dma semaphore(%arg15 : memref<!tpu.dma_semaphore, #tpu.memory_space<semaphore_mem>>) src(%dma_wait3A_370 : memref<2007040x16xf32, #tpu.memory_space<hbm>>) dst(%dma_wait3A_364 : memref<128x16xf32, #tpu.memory_space<vmem>>)
    %dma_wait3A_371 = arith.constant 13 : i32
    %dma_wait3A_372 = arith.constant 1664 : i32
    %dma_wait3A_373 = arith.constant 0 : i32
    %dma_wait3A_374 = tpu.memref_slice %arg12[%dma_wait3A_372, %dma_wait3A_373] : memref<2048x16xf32, #tpu.memory_space<vmem>> -> memref<128x16xf32, #tpu.memory_space<vmem>>
    %dma_wait3A_375 = arith.constant 0 : i32
    %dma_wait3A_376 = tpu.memref_slice %arg9[%dma_wait3A_371, %dma_wait3A_375] : memref<16x128xi32, #tpu.memory_space<vmem>> -> memref<1x128xi32, #tpu.memory_space<vmem>>
    %dma_wait3A_377 = tpu.memref_squeeze %dma_wait3A_376 : memref<1x128xi32, #tpu.memory_space<vmem>> -> memref<128xi32, #tpu.memory_space<vmem>>
    %dma_wait3A_378 = arith.constant 0 : i32
    %dma_wait3A_379 = arith.constant 0 : i32
    %dma_wait3A_380 = tpu.memref_slice %arg2[%dma_wait3A_378, %dma_wait3A_379] : memref<2007040x16xf32, #tpu.memory_space<hbm>> -> memref<2007040x16xf32, #tpu.memory_space<hbm>>
    tpu.wait_indirect_dma semaphore(%arg15 : memref<!tpu.dma_semaphore, #tpu.memory_space<semaphore_mem>>) src(%dma_wait3A_380 : memref<2007040x16xf32, #tpu.memory_space<hbm>>) dst(%dma_wait3A_374 : memref<128x16xf32, #tpu.memory_space<vmem>>)
    %dma_wait3A_381 = arith.constant 14 : i32
    %dma_wait3A_382 = arith.constant 1792 : i32
    %dma_wait3A_383 = arith.constant 0 : i32
    %dma_wait3A_384 = tpu.memref_slice %arg12[%dma_wait3A_382, %dma_wait3A_383] : memref<2048x16xf32, #tpu.memory_space<vmem>> -> memref<128x16xf32, #tpu.memory_space<vmem>>
    %dma_wait3A_385 = arith.constant 0 : i32
    %dma_wait3A_386 = tpu.memref_slice %arg9[%dma_wait3A_381, %dma_wait3A_385] : memref<16x128xi32, #tpu.memory_space<vmem>> -> memref<1x128xi32, #tpu.memory_space<vmem>>
    %dma_wait3A_387 = tpu.memref_squeeze %dma_wait3A_386 : memref<1x128xi32, #tpu.memory_space<vmem>> -> memref<128xi32, #tpu.memory_space<vmem>>
    %dma_wait3A_388 = arith.constant 0 : i32
    %dma_wait3A_389 = arith.constant 0 : i32
    %dma_wait3A_390 = tpu.memref_slice %arg2[%dma_wait3A_388, %dma_wait3A_389] : memref<2007040x16xf32, #tpu.memory_space<hbm>> -> memref<2007040x16xf32, #tpu.memory_space<hbm>>
    tpu.wait_indirect_dma semaphore(%arg15 : memref<!tpu.dma_semaphore, #tpu.memory_space<semaphore_mem>>) src(%dma_wait3A_390 : memref<2007040x16xf32, #tpu.memory_space<hbm>>) dst(%dma_wait3A_384 : memref<128x16xf32, #tpu.memory_space<vmem>>)
    %dma_wait3A_391 = arith.constant 15 : i32
    %dma_wait3A_392 = arith.constant 1920 : i32
    %dma_wait3A_393 = arith.constant 0 : i32
    %dma_wait3A_394 = tpu.memref_slice %arg12[%dma_wait3A_392, %dma_wait3A_393] : memref<2048x16xf32, #tpu.memory_space<vmem>> -> memref<128x16xf32, #tpu.memory_space<vmem>>
    %dma_wait3A_395 = arith.constant 0 : i32
    %dma_wait3A_396 = tpu.memref_slice %arg9[%dma_wait3A_391, %dma_wait3A_395] : memref<16x128xi32, #tpu.memory_space<vmem>> -> memref<1x128xi32, #tpu.memory_space<vmem>>
    %dma_wait3A_397 = tpu.memref_squeeze %dma_wait3A_396 : memref<1x128xi32, #tpu.memory_space<vmem>> -> memref<128xi32, #tpu.memory_space<vmem>>
    %dma_wait3A_398 = arith.constant 0 : i32
    %dma_wait3A_399 = arith.constant 0 : i32
    %dma_wait3A_400 = tpu.memref_slice %arg2[%dma_wait3A_398, %dma_wait3A_399] : memref<2007040x16xf32, #tpu.memory_space<hbm>> -> memref<2007040x16xf32, #tpu.memory_space<hbm>>
    tpu.wait_indirect_dma semaphore(%arg15 : memref<!tpu.dma_semaphore, #tpu.memory_space<semaphore_mem>>) src(%dma_wait3A_400 : memref<2007040x16xf32, #tpu.memory_space<hbm>>) dst(%dma_wait3A_394 : memref<128x16xf32, #tpu.memory_space<vmem>>)
    %dma_wait3A_401 = arith.constant 0 : i32
    %dma_wait3A_402 = arith.constant 0 : i32
    %dma_wait3A_403 = arith.constant 0 : i32
    %dma_wait3A_404 = tpu.memref_slice %arg13[%dma_wait3A_402, %dma_wait3A_403] : memref<1024x16xf32, #tpu.memory_space<vmem>> -> memref<128x16xf32, #tpu.memory_space<vmem>>
    %dma_wait3A_405 = arith.constant 0 : i32
    %dma_wait3A_406 = tpu.memref_slice %arg11[%dma_wait3A_401, %dma_wait3A_405] : memref<8x128xi32, #tpu.memory_space<vmem>> -> memref<1x128xi32, #tpu.memory_space<vmem>>
    %dma_wait3A_407 = tpu.memref_squeeze %dma_wait3A_406 : memref<1x128xi32, #tpu.memory_space<vmem>> -> memref<128xi32, #tpu.memory_space<vmem>>
    %dma_wait3A_408 = arith.constant 0 : i32
    %dma_wait3A_409 = arith.constant 0 : i32
    %dma_wait3A_410 = tpu.memref_slice %arg3[%dma_wait3A_408, %dma_wait3A_409] : memref<62500x16xf32, #tpu.memory_space<hbm>> -> memref<62500x16xf32, #tpu.memory_space<hbm>>
    tpu.wait_indirect_dma semaphore(%arg16 : memref<!tpu.dma_semaphore, #tpu.memory_space<semaphore_mem>>) src(%dma_wait3A_410 : memref<62500x16xf32, #tpu.memory_space<hbm>>) dst(%dma_wait3A_404 : memref<128x16xf32, #tpu.memory_space<vmem>>)
    %dma_wait3A_411 = arith.constant 1 : i32
    %dma_wait3A_412 = arith.constant 128 : i32
    %dma_wait3A_413 = arith.constant 0 : i32
    %dma_wait3A_414 = tpu.memref_slice %arg13[%dma_wait3A_412, %dma_wait3A_413] : memref<1024x16xf32, #tpu.memory_space<vmem>> -> memref<128x16xf32, #tpu.memory_space<vmem>>
    %dma_wait3A_415 = arith.constant 0 : i32
    %dma_wait3A_416 = tpu.memref_slice %arg11[%dma_wait3A_411, %dma_wait3A_415] : memref<8x128xi32, #tpu.memory_space<vmem>> -> memref<1x128xi32, #tpu.memory_space<vmem>>
    %dma_wait3A_417 = tpu.memref_squeeze %dma_wait3A_416 : memref<1x128xi32, #tpu.memory_space<vmem>> -> memref<128xi32, #tpu.memory_space<vmem>>
    %dma_wait3A_418 = arith.constant 0 : i32
    %dma_wait3A_419 = arith.constant 0 : i32
    %dma_wait3A_420 = tpu.memref_slice %arg3[%dma_wait3A_418, %dma_wait3A_419] : memref<62500x16xf32, #tpu.memory_space<hbm>> -> memref<62500x16xf32, #tpu.memory_space<hbm>>
    tpu.wait_indirect_dma semaphore(%arg16 : memref<!tpu.dma_semaphore, #tpu.memory_space<semaphore_mem>>) src(%dma_wait3A_420 : memref<62500x16xf32, #tpu.memory_space<hbm>>) dst(%dma_wait3A_414 : memref<128x16xf32, #tpu.memory_space<vmem>>)
    %dma_wait3A_421 = arith.constant 2 : i32
    %dma_wait3A_422 = arith.constant 256 : i32
    %dma_wait3A_423 = arith.constant 0 : i32
    %dma_wait3A_424 = tpu.memref_slice %arg13[%dma_wait3A_422, %dma_wait3A_423] : memref<1024x16xf32, #tpu.memory_space<vmem>> -> memref<128x16xf32, #tpu.memory_space<vmem>>
    %dma_wait3A_425 = arith.constant 0 : i32
    %dma_wait3A_426 = tpu.memref_slice %arg11[%dma_wait3A_421, %dma_wait3A_425] : memref<8x128xi32, #tpu.memory_space<vmem>> -> memref<1x128xi32, #tpu.memory_space<vmem>>
    %dma_wait3A_427 = tpu.memref_squeeze %dma_wait3A_426 : memref<1x128xi32, #tpu.memory_space<vmem>> -> memref<128xi32, #tpu.memory_space<vmem>>
    %dma_wait3A_428 = arith.constant 0 : i32
    %dma_wait3A_429 = arith.constant 0 : i32
    %dma_wait3A_430 = tpu.memref_slice %arg3[%dma_wait3A_428, %dma_wait3A_429] : memref<62500x16xf32, #tpu.memory_space<hbm>> -> memref<62500x16xf32, #tpu.memory_space<hbm>>
    tpu.wait_indirect_dma semaphore(%arg16 : memref<!tpu.dma_semaphore, #tpu.memory_space<semaphore_mem>>) src(%dma_wait3A_430 : memref<62500x16xf32, #tpu.memory_space<hbm>>) dst(%dma_wait3A_424 : memref<128x16xf32, #tpu.memory_space<vmem>>)
    %dma_wait3A_431 = arith.constant 3 : i32
    %dma_wait3A_432 = arith.constant 384 : i32
    %dma_wait3A_433 = arith.constant 0 : i32
    %dma_wait3A_434 = tpu.memref_slice %arg13[%dma_wait3A_432, %dma_wait3A_433] : memref<1024x16xf32, #tpu.memory_space<vmem>> -> memref<128x16xf32, #tpu.memory_space<vmem>>
    %dma_wait3A_435 = arith.constant 0 : i32
    %dma_wait3A_436 = tpu.memref_slice %arg11[%dma_wait3A_431, %dma_wait3A_435] : memref<8x128xi32, #tpu.memory_space<vmem>> -> memref<1x128xi32, #tpu.memory_space<vmem>>
    %dma_wait3A_437 = tpu.memref_squeeze %dma_wait3A_436 : memref<1x128xi32, #tpu.memory_space<vmem>> -> memref<128xi32, #tpu.memory_space<vmem>>
    %dma_wait3A_438 = arith.constant 0 : i32
    %dma_wait3A_439 = arith.constant 0 : i32
    %dma_wait3A_440 = tpu.memref_slice %arg3[%dma_wait3A_438, %dma_wait3A_439] : memref<62500x16xf32, #tpu.memory_space<hbm>> -> memref<62500x16xf32, #tpu.memory_space<hbm>>
    tpu.wait_indirect_dma semaphore(%arg16 : memref<!tpu.dma_semaphore, #tpu.memory_space<semaphore_mem>>) src(%dma_wait3A_440 : memref<62500x16xf32, #tpu.memory_space<hbm>>) dst(%dma_wait3A_434 : memref<128x16xf32, #tpu.memory_space<vmem>>)
    %dma_wait3A_441 = arith.constant 4 : i32
    %dma_wait3A_442 = arith.constant 512 : i32
    %dma_wait3A_443 = arith.constant 0 : i32
    %dma_wait3A_444 = tpu.memref_slice %arg13[%dma_wait3A_442, %dma_wait3A_443] : memref<1024x16xf32, #tpu.memory_space<vmem>> -> memref<128x16xf32, #tpu.memory_space<vmem>>
    %dma_wait3A_445 = arith.constant 0 : i32
    %dma_wait3A_446 = tpu.memref_slice %arg11[%dma_wait3A_441, %dma_wait3A_445] : memref<8x128xi32, #tpu.memory_space<vmem>> -> memref<1x128xi32, #tpu.memory_space<vmem>>
    %dma_wait3A_447 = tpu.memref_squeeze %dma_wait3A_446 : memref<1x128xi32, #tpu.memory_space<vmem>> -> memref<128xi32, #tpu.memory_space<vmem>>
    %dma_wait3A_448 = arith.constant 0 : i32
    %dma_wait3A_449 = arith.constant 0 : i32
    %dma_wait3A_450 = tpu.memref_slice %arg3[%dma_wait3A_448, %dma_wait3A_449] : memref<62500x16xf32, #tpu.memory_space<hbm>> -> memref<62500x16xf32, #tpu.memory_space<hbm>>
    tpu.wait_indirect_dma semaphore(%arg16 : memref<!tpu.dma_semaphore, #tpu.memory_space<semaphore_mem>>) src(%dma_wait3A_450 : memref<62500x16xf32, #tpu.memory_space<hbm>>) dst(%dma_wait3A_444 : memref<128x16xf32, #tpu.memory_space<vmem>>)
    %dma_wait3A_451 = arith.constant 5 : i32
    %dma_wait3A_452 = arith.constant 640 : i32
    %dma_wait3A_453 = arith.constant 0 : i32
    %dma_wait3A_454 = tpu.memref_slice %arg13[%dma_wait3A_452, %dma_wait3A_453] : memref<1024x16xf32, #tpu.memory_space<vmem>> -> memref<128x16xf32, #tpu.memory_space<vmem>>
    %dma_wait3A_455 = arith.constant 0 : i32
    %dma_wait3A_456 = tpu.memref_slice %arg11[%dma_wait3A_451, %dma_wait3A_455] : memref<8x128xi32, #tpu.memory_space<vmem>> -> memref<1x128xi32, #tpu.memory_space<vmem>>
    %dma_wait3A_457 = tpu.memref_squeeze %dma_wait3A_456 : memref<1x128xi32, #tpu.memory_space<vmem>> -> memref<128xi32, #tpu.memory_space<vmem>>
    %dma_wait3A_458 = arith.constant 0 : i32
    %dma_wait3A_459 = arith.constant 0 : i32
    %dma_wait3A_460 = tpu.memref_slice %arg3[%dma_wait3A_458, %dma_wait3A_459] : memref<62500x16xf32, #tpu.memory_space<hbm>> -> memref<62500x16xf32, #tpu.memory_space<hbm>>
    tpu.wait_indirect_dma semaphore(%arg16 : memref<!tpu.dma_semaphore, #tpu.memory_space<semaphore_mem>>) src(%dma_wait3A_460 : memref<62500x16xf32, #tpu.memory_space<hbm>>) dst(%dma_wait3A_454 : memref<128x16xf32, #tpu.memory_space<vmem>>)
    %dma_wait3A_461 = arith.constant 6 : i32
    %dma_wait3A_462 = arith.constant 768 : i32
    %dma_wait3A_463 = arith.constant 0 : i32
    %dma_wait3A_464 = tpu.memref_slice %arg13[%dma_wait3A_462, %dma_wait3A_463] : memref<1024x16xf32, #tpu.memory_space<vmem>> -> memref<128x16xf32, #tpu.memory_space<vmem>>
    %dma_wait3A_465 = arith.constant 0 : i32
    %dma_wait3A_466 = tpu.memref_slice %arg11[%dma_wait3A_461, %dma_wait3A_465] : memref<8x128xi32, #tpu.memory_space<vmem>> -> memref<1x128xi32, #tpu.memory_space<vmem>>
    %dma_wait3A_467 = tpu.memref_squeeze %dma_wait3A_466 : memref<1x128xi32, #tpu.memory_space<vmem>> -> memref<128xi32, #tpu.memory_space<vmem>>
    %dma_wait3A_468 = arith.constant 0 : i32
    %dma_wait3A_469 = arith.constant 0 : i32
    %dma_wait3A_470 = tpu.memref_slice %arg3[%dma_wait3A_468, %dma_wait3A_469] : memref<62500x16xf32, #tpu.memory_space<hbm>> -> memref<62500x16xf32, #tpu.memory_space<hbm>>
    tpu.wait_indirect_dma semaphore(%arg16 : memref<!tpu.dma_semaphore, #tpu.memory_space<semaphore_mem>>) src(%dma_wait3A_470 : memref<62500x16xf32, #tpu.memory_space<hbm>>) dst(%dma_wait3A_464 : memref<128x16xf32, #tpu.memory_space<vmem>>)
    %dma_wait3A_471 = arith.constant 7 : i32
    %dma_wait3A_472 = arith.constant 896 : i32
    %dma_wait3A_473 = arith.constant 0 : i32
    %dma_wait3A_474 = tpu.memref_slice %arg13[%dma_wait3A_472, %dma_wait3A_473] : memref<1024x16xf32, #tpu.memory_space<vmem>> -> memref<128x16xf32, #tpu.memory_space<vmem>>
    %dma_wait3A_475 = arith.constant 0 : i32
    %dma_wait3A_476 = tpu.memref_slice %arg11[%dma_wait3A_471, %dma_wait3A_475] : memref<8x128xi32, #tpu.memory_space<vmem>> -> memref<1x128xi32, #tpu.memory_space<vmem>>
    %dma_wait3A_477 = tpu.memref_squeeze %dma_wait3A_476 : memref<1x128xi32, #tpu.memory_space<vmem>> -> memref<128xi32, #tpu.memory_space<vmem>>
    %dma_wait3A_478 = arith.constant 0 : i32
    %dma_wait3A_479 = arith.constant 0 : i32
    %dma_wait3A_480 = tpu.memref_slice %arg3[%dma_wait3A_478, %dma_wait3A_479] : memref<62500x16xf32, #tpu.memory_space<hbm>> -> memref<62500x16xf32, #tpu.memory_space<hbm>>
    tpu.wait_indirect_dma semaphore(%arg16 : memref<!tpu.dma_semaphore, #tpu.memory_space<semaphore_mem>>) src(%dma_wait3A_480 : memref<62500x16xf32, #tpu.memory_space<hbm>>) dst(%dma_wait3A_474 : memref<128x16xf32, #tpu.memory_space<vmem>>)
    %iota3A = tpu.iota {dimensions = array<i32: 0>} : vector<16xi32>
    %get3A = arith.constant 0 : i32
    %get3A_481 = arith.index_cast %get3A : i32 to index
    %get3A_482 = arith.constant 0 : index
    %get3A_483 = tpu.vector_load %arg10[%get3A_481, %get3A_482] {strides = array<i32>} : memref<8x128xi32, #tpu.memory_space<vmem>>, vector<16xi32>,
    %add3A_484 = arith.constant 0 : i32
    %add3A_485 = vector.broadcast %add3A_484 : i32 to vector<16xi32>
    %add3A_486 = arith.addi %iota3A, %add3A_485 : vector<16xi32>
    %and3A = arith.constant 15 : i32
    %and3A_487 = vector.broadcast %and3A : i32 to vector<16xi32>
    %and3A_488 = arith.andi %get3A_483, %and3A_487 : vector<16xi32>
    %gather3A = tpu.vector_load_idx %arg13[%add3A_486, %and3A_488] : memref<1024x16xf32, #tpu.memory_space<vmem>>[vector<16xi32>, vector<16xi32>], vector<16xf32>,
    %swap3A = arith.constant 0 : index
    %swap3A_489 = tpu.vector_load %arg14[%swap3A] {strides = array<i32>} : memref<1024xf32, #tpu.memory_space<vmem>>, vector<16xf32>,
    tpu.vector_store %arg14[%swap3A], %gather3A {strides = array<i32>} : memref<1024xf32, #tpu.memory_space<vmem>>, vector<16xf32>,
    %get3A_490 = arith.constant 0 : i32
    %get3A_491 = arith.index_cast %get3A_490 : i32 to index
    %get3A_492 = arith.constant 16 : index
    %get3A_493 = tpu.vector_load %arg10[%get3A_491, %get3A_492] {strides = array<i32>} : memref<8x128xi32, #tpu.memory_space<vmem>>, vector<16xi32>,
    %add3A_494 = arith.constant 16 : i32
    %add3A_495 = vector.broadcast %add3A_494 : i32 to vector<16xi32>
    %add3A_496 = arith.addi %iota3A, %add3A_495 : vector<16xi32>
    %and3A_497 = arith.constant 15 : i32
    %and3A_498 = vector.broadcast %and3A_497 : i32 to vector<16xi32>
    %and3A_499 = arith.andi %get3A_493, %and3A_498 : vector<16xi32>
    %gather3A_500 = tpu.vector_load_idx %arg13[%add3A_496, %and3A_499] : memref<1024x16xf32, #tpu.memory_space<vmem>>[vector<16xi32>, vector<16xi32>], vector<16xf32>,
    %swap3A_501 = arith.constant 16 : index
    %swap3A_502 = tpu.vector_load %arg14[%swap3A_501] {strides = array<i32>} : memref<1024xf32, #tpu.memory_space<vmem>>, vector<16xf32>,
    tpu.vector_store %arg14[%swap3A_501], %gather3A_500 {strides = array<i32>} : memref<1024xf32, #tpu.memory_space<vmem>>, vector<16xf32>,
    %get3A_503 = arith.constant 0 : i32
    %get3A_504 = arith.index_cast %get3A_503 : i32 to index
    %get3A_505 = arith.constant 32 : index
    %get3A_506 = tpu.vector_load %arg10[%get3A_504, %get3A_505] {strides = array<i32>} : memref<8x128xi32, #tpu.memory_space<vmem>>, vector<16xi32>,
    %add3A_507 = arith.constant 32 : i32
    %add3A_508 = vector.broadcast %add3A_507 : i32 to vector<16xi32>
    %add3A_509 = arith.addi %iota3A, %add3A_508 : vector<16xi32>
    %and3A_510 = arith.constant 15 : i32
    %and3A_511 = vector.broadcast %and3A_510 : i32 to vector<16xi32>
    %and3A_512 = arith.andi %get3A_506, %and3A_511 : vector<16xi32>
    %gather3A_513 = tpu.vector_load_idx %arg13[%add3A_509, %and3A_512] : memref<1024x16xf32, #tpu.memory_space<vmem>>[vector<16xi32>, vector<16xi32>], vector<16xf32>,
    %swap3A_514 = arith.constant 32 : index
    %swap3A_515 = tpu.vector_load %arg14[%swap3A_514] {strides = array<i32>} : memref<1024xf32, #tpu.memory_space<vmem>>, vector<16xf32>,
    tpu.vector_store %arg14[%swap3A_514], %gather3A_513 {strides = array<i32>} : memref<1024xf32, #tpu.memory_space<vmem>>, vector<16xf32>,
    %get3A_516 = arith.constant 0 : i32
    %get3A_517 = arith.index_cast %get3A_516 : i32 to index
    %get3A_518 = arith.constant 48 : index
    %get3A_519 = tpu.vector_load %arg10[%get3A_517, %get3A_518] {strides = array<i32>} : memref<8x128xi32, #tpu.memory_space<vmem>>, vector<16xi32>,
    %add3A_520 = arith.constant 48 : i32
    %add3A_521 = vector.broadcast %add3A_520 : i32 to vector<16xi32>
    %add3A_522 = arith.addi %iota3A, %add3A_521 : vector<16xi32>
    %and3A_523 = arith.constant 15 : i32
    %and3A_524 = vector.broadcast %and3A_523 : i32 to vector<16xi32>
    %and3A_525 = arith.andi %get3A_519, %and3A_524 : vector<16xi32>
    %gather3A_526 = tpu.vector_load_idx %arg13[%add3A_522, %and3A_525] : memref<1024x16xf32, #tpu.memory_space<vmem>>[vector<16xi32>, vector<16xi32>], vector<16xf32>,
    %swap3A_527 = arith.constant 48 : index
    %swap3A_528 = tpu.vector_load %arg14[%swap3A_527] {strides = array<i32>} : memref<1024xf32, #tpu.memory_space<vmem>>, vector<16xf32>,
    tpu.vector_store %arg14[%swap3A_527], %gather3A_526 {strides = array<i32>} : memref<1024xf32, #tpu.memory_space<vmem>>, vector<16xf32>,
    %get3A_529 = arith.constant 0 : i32
    %get3A_530 = arith.index_cast %get3A_529 : i32 to index
    %get3A_531 = arith.constant 64 : index
    %get3A_532 = tpu.vector_load %arg10[%get3A_530, %get3A_531] {strides = array<i32>} : memref<8x128xi32, #tpu.memory_space<vmem>>, vector<16xi32>,
    %add3A_533 = arith.constant 64 : i32
    %add3A_534 = vector.broadcast %add3A_533 : i32 to vector<16xi32>
    %add3A_535 = arith.addi %iota3A, %add3A_534 : vector<16xi32>
    %and3A_536 = arith.constant 15 : i32
    %and3A_537 = vector.broadcast %and3A_536 : i32 to vector<16xi32>
    %and3A_538 = arith.andi %get3A_532, %and3A_537 : vector<16xi32>
    %gather3A_539 = tpu.vector_load_idx %arg13[%add3A_535, %and3A_538] : memref<1024x16xf32, #tpu.memory_space<vmem>>[vector<16xi32>, vector<16xi32>], vector<16xf32>,
    %swap3A_540 = arith.constant 64 : index
    %swap3A_541 = tpu.vector_load %arg14[%swap3A_540] {strides = array<i32>} : memref<1024xf32, #tpu.memory_space<vmem>>, vector<16xf32>,
    tpu.vector_store %arg14[%swap3A_540], %gather3A_539 {strides = array<i32>} : memref<1024xf32, #tpu.memory_space<vmem>>, vector<16xf32>,
    %get3A_542 = arith.constant 0 : i32
    %get3A_543 = arith.index_cast %get3A_542 : i32 to index
    %get3A_544 = arith.constant 80 : index
    %get3A_545 = tpu.vector_load %arg10[%get3A_543, %get3A_544] {strides = array<i32>} : memref<8x128xi32, #tpu.memory_space<vmem>>, vector<16xi32>,
    %add3A_546 = arith.constant 80 : i32
    %add3A_547 = vector.broadcast %add3A_546 : i32 to vector<16xi32>
    %add3A_548 = arith.addi %iota3A, %add3A_547 : vector<16xi32>
    %and3A_549 = arith.constant 15 : i32
    %and3A_550 = vector.broadcast %and3A_549 : i32 to vector<16xi32>
    %and3A_551 = arith.andi %get3A_545, %and3A_550 : vector<16xi32>
    %gather3A_552 = tpu.vector_load_idx %arg13[%add3A_548, %and3A_551] : memref<1024x16xf32, #tpu.memory_space<vmem>>[vector<16xi32>, vector<16xi32>], vector<16xf32>,
    %swap3A_553 = arith.constant 80 : index
    %swap3A_554 = tpu.vector_load %arg14[%swap3A_553] {strides = array<i32>} : memref<1024xf32, #tpu.memory_space<vmem>>, vector<16xf32>,
    tpu.vector_store %arg14[%swap3A_553], %gather3A_552 {strides = array<i32>} : memref<1024xf32, #tpu.memory_space<vmem>>, vector<16xf32>,
    %get3A_555 = arith.constant 0 : i32
    %get3A_556 = arith.index_cast %get3A_555 : i32 to index
    %get3A_557 = arith.constant 96 : index
    %get3A_558 = tpu.vector_load %arg10[%get3A_556, %get3A_557] {strides = array<i32>} : memref<8x128xi32, #tpu.memory_space<vmem>>, vector<16xi32>,
    %add3A_559 = arith.constant 96 : i32
    %add3A_560 = vector.broadcast %add3A_559 : i32 to vector<16xi32>
    %add3A_561 = arith.addi %iota3A, %add3A_560 : vector<16xi32>
    %and3A_562 = arith.constant 15 : i32
    %and3A_563 = vector.broadcast %and3A_562 : i32 to vector<16xi32>
    %and3A_564 = arith.andi %get3A_558, %and3A_563 : vector<16xi32>
    %gather3A_565 = tpu.vector_load_idx %arg13[%add3A_561, %and3A_564] : memref<1024x16xf32, #tpu.memory_space<vmem>>[vector<16xi32>, vector<16xi32>], vector<16xf32>,
    %swap3A_566 = arith.constant 96 : index
    %swap3A_567 = tpu.vector_load %arg14[%swap3A_566] {strides = array<i32>} : memref<1024xf32, #tpu.memory_space<vmem>>, vector<16xf32>,
    tpu.vector_store %arg14[%swap3A_566], %gather3A_565 {strides = array<i32>} : memref<1024xf32, #tpu.memory_space<vmem>>, vector<16xf32>,
    %get3A_568 = arith.constant 0 : i32
    %get3A_569 = arith.index_cast %get3A_568 : i32 to index
    %get3A_570 = arith.constant 112 : index
    %get3A_571 = tpu.vector_load %arg10[%get3A_569, %get3A_570] {strides = array<i32>} : memref<8x128xi32, #tpu.memory_space<vmem>>, vector<16xi32>,
    %add3A_572 = arith.constant 112 : i32
    %add3A_573 = vector.broadcast %add3A_572 : i32 to vector<16xi32>
    %add3A_574 = arith.addi %iota3A, %add3A_573 : vector<16xi32>
    %and3A_575 = arith.constant 15 : i32
    %and3A_576 = vector.broadcast %and3A_575 : i32 to vector<16xi32>
    %and3A_577 = arith.andi %get3A_571, %and3A_576 : vector<16xi32>
    %gather3A_578 = tpu.vector_load_idx %arg13[%add3A_574, %and3A_577] : memref<1024x16xf32, #tpu.memory_space<vmem>>[vector<16xi32>, vector<16xi32>], vector<16xf32>,
    %swap3A_579 = arith.constant 112 : index
    %swap3A_580 = tpu.vector_load %arg14[%swap3A_579] {strides = array<i32>} : memref<1024xf32, #tpu.memory_space<vmem>>, vector<16xf32>,
    tpu.vector_store %arg14[%swap3A_579], %gather3A_578 {strides = array<i32>} : memref<1024xf32, #tpu.memory_space<vmem>>, vector<16xf32>,
    %get3A_581 = arith.constant 1 : i32
    %get3A_582 = arith.index_cast %get3A_581 : i32 to index
    %get3A_583 = arith.constant 0 : index
    %get3A_584 = tpu.vector_load %arg10[%get3A_582, %get3A_583] {strides = array<i32>} : memref<8x128xi32, #tpu.memory_space<vmem>>, vector<16xi32>,
    %add3A_585 = arith.constant 128 : i32
    %add3A_586 = vector.broadcast %add3A_585 : i32 to vector<16xi32>
    %add3A_587 = arith.addi %iota3A, %add3A_586 : vector<16xi32>
    %and3A_588 = arith.constant 15 : i32
    %and3A_589 = vector.broadcast %and3A_588 : i32 to vector<16xi32>
    %and3A_590 = arith.andi %get3A_584, %and3A_589 : vector<16xi32>
    %gather3A_591 = tpu.vector_load_idx %arg13[%add3A_587, %and3A_590] : memref<1024x16xf32, #tpu.memory_space<vmem>>[vector<16xi32>, vector<16xi32>], vector<16xf32>,
    %swap3A_592 = arith.constant 128 : index
    %swap3A_593 = tpu.vector_load %arg14[%swap3A_592] {strides = array<i32>} : memref<1024xf32, #tpu.memory_space<vmem>>, vector<16xf32>,
    tpu.vector_store %arg14[%swap3A_592], %gather3A_591 {strides = array<i32>} : memref<1024xf32, #tpu.memory_space<vmem>>, vector<16xf32>,
    %get3A_594 = arith.constant 1 : i32
    %get3A_595 = arith.index_cast %get3A_594 : i32 to index
    %get3A_596 = arith.constant 16 : index
    %get3A_597 = tpu.vector_load %arg10[%get3A_595, %get3A_596] {strides = array<i32>} : memref<8x128xi32, #tpu.memory_space<vmem>>, vector<16xi32>,
    %add3A_598 = arith.constant 144 : i32
    %add3A_599 = vector.broadcast %add3A_598 : i32 to vector<16xi32>
    %add3A_600 = arith.addi %iota3A, %add3A_599 : vector<16xi32>
    %and3A_601 = arith.constant 15 : i32
    %and3A_602 = vector.broadcast %and3A_601 : i32 to vector<16xi32>
    %and3A_603 = arith.andi %get3A_597, %and3A_602 : vector<16xi32>
    %gather3A_604 = tpu.vector_load_idx %arg13[%add3A_600, %and3A_603] : memref<1024x16xf32, #tpu.memory_space<vmem>>[vector<16xi32>, vector<16xi32>], vector<16xf32>,
    %swap3A_605 = arith.constant 144 : index
    %swap3A_606 = tpu.vector_load %arg14[%swap3A_605] {strides = array<i32>} : memref<1024xf32, #tpu.memory_space<vmem>>, vector<16xf32>,
    tpu.vector_store %arg14[%swap3A_605], %gather3A_604 {strides = array<i32>} : memref<1024xf32, #tpu.memory_space<vmem>>, vector<16xf32>,
    %get3A_607 = arith.constant 1 : i32
    %get3A_608 = arith.index_cast %get3A_607 : i32 to index
    %get3A_609 = arith.constant 32 : index
    %get3A_610 = tpu.vector_load %arg10[%get3A_608, %get3A_609] {strides = array<i32>} : memref<8x128xi32, #tpu.memory_space<vmem>>, vector<16xi32>,
    %add3A_611 = arith.constant 160 : i32
    %add3A_612 = vector.broadcast %add3A_611 : i32 to vector<16xi32>
    %add3A_613 = arith.addi %iota3A, %add3A_612 : vector<16xi32>
    %and3A_614 = arith.constant 15 : i32
    %and3A_615 = vector.broadcast %and3A_614 : i32 to vector<16xi32>
    %and3A_616 = arith.andi %get3A_610, %and3A_615 : vector<16xi32>
    %gather3A_617 = tpu.vector_load_idx %arg13[%add3A_613, %and3A_616] : memref<1024x16xf32, #tpu.memory_space<vmem>>[vector<16xi32>, vector<16xi32>], vector<16xf32>,
    %swap3A_618 = arith.constant 160 : index
    %swap3A_619 = tpu.vector_load %arg14[%swap3A_618] {strides = array<i32>} : memref<1024xf32, #tpu.memory_space<vmem>>, vector<16xf32>,
    tpu.vector_store %arg14[%swap3A_618], %gather3A_617 {strides = array<i32>} : memref<1024xf32, #tpu.memory_space<vmem>>, vector<16xf32>,
    %get3A_620 = arith.constant 1 : i32
    %get3A_621 = arith.index_cast %get3A_620 : i32 to index
    %get3A_622 = arith.constant 48 : index
    %get3A_623 = tpu.vector_load %arg10[%get3A_621, %get3A_622] {strides = array<i32>} : memref<8x128xi32, #tpu.memory_space<vmem>>, vector<16xi32>,
    %add3A_624 = arith.constant 176 : i32
    %add3A_625 = vector.broadcast %add3A_624 : i32 to vector<16xi32>
    %add3A_626 = arith.addi %iota3A, %add3A_625 : vector<16xi32>
    %and3A_627 = arith.constant 15 : i32
    %and3A_628 = vector.broadcast %and3A_627 : i32 to vector<16xi32>
    %and3A_629 = arith.andi %get3A_623, %and3A_628 : vector<16xi32>
    %gather3A_630 = tpu.vector_load_idx %arg13[%add3A_626, %and3A_629] : memref<1024x16xf32, #tpu.memory_space<vmem>>[vector<16xi32>, vector<16xi32>], vector<16xf32>,
    %swap3A_631 = arith.constant 176 : index
    %swap3A_632 = tpu.vector_load %arg14[%swap3A_631] {strides = array<i32>} : memref<1024xf32, #tpu.memory_space<vmem>>, vector<16xf32>,
    tpu.vector_store %arg14[%swap3A_631], %gather3A_630 {strides = array<i32>} : memref<1024xf32, #tpu.memory_space<vmem>>, vector<16xf32>,
    %get3A_633 = arith.constant 1 : i32
    %get3A_634 = arith.index_cast %get3A_633 : i32 to index
    %get3A_635 = arith.constant 64 : index
    %get3A_636 = tpu.vector_load %arg10[%get3A_634, %get3A_635] {strides = array<i32>} : memref<8x128xi32, #tpu.memory_space<vmem>>, vector<16xi32>,
    %add3A_637 = arith.constant 192 : i32
    %add3A_638 = vector.broadcast %add3A_637 : i32 to vector<16xi32>
    %add3A_639 = arith.addi %iota3A, %add3A_638 : vector<16xi32>
    %and3A_640 = arith.constant 15 : i32
    %and3A_641 = vector.broadcast %and3A_640 : i32 to vector<16xi32>
    %and3A_642 = arith.andi %get3A_636, %and3A_641 : vector<16xi32>
    %gather3A_643 = tpu.vector_load_idx %arg13[%add3A_639, %and3A_642] : memref<1024x16xf32, #tpu.memory_space<vmem>>[vector<16xi32>, vector<16xi32>], vector<16xf32>,
    %swap3A_644 = arith.constant 192 : index
    %swap3A_645 = tpu.vector_load %arg14[%swap3A_644] {strides = array<i32>} : memref<1024xf32, #tpu.memory_space<vmem>>, vector<16xf32>,
    tpu.vector_store %arg14[%swap3A_644], %gather3A_643 {strides = array<i32>} : memref<1024xf32, #tpu.memory_space<vmem>>, vector<16xf32>,
    %get3A_646 = arith.constant 1 : i32
    %get3A_647 = arith.index_cast %get3A_646 : i32 to index
    %get3A_648 = arith.constant 80 : index
    %get3A_649 = tpu.vector_load %arg10[%get3A_647, %get3A_648] {strides = array<i32>} : memref<8x128xi32, #tpu.memory_space<vmem>>, vector<16xi32>,
    %add3A_650 = arith.constant 208 : i32
    %add3A_651 = vector.broadcast %add3A_650 : i32 to vector<16xi32>
    %add3A_652 = arith.addi %iota3A, %add3A_651 : vector<16xi32>
    %and3A_653 = arith.constant 15 : i32
    %and3A_654 = vector.broadcast %and3A_653 : i32 to vector<16xi32>
    %and3A_655 = arith.andi %get3A_649, %and3A_654 : vector<16xi32>
    %gather3A_656 = tpu.vector_load_idx %arg13[%add3A_652, %and3A_655] : memref<1024x16xf32, #tpu.memory_space<vmem>>[vector<16xi32>, vector<16xi32>], vector<16xf32>,
    %swap3A_657 = arith.constant 208 : index
    %swap3A_658 = tpu.vector_load %arg14[%swap3A_657] {strides = array<i32>} : memref<1024xf32, #tpu.memory_space<vmem>>, vector<16xf32>,
    tpu.vector_store %arg14[%swap3A_657], %gather3A_656 {strides = array<i32>} : memref<1024xf32, #tpu.memory_space<vmem>>, vector<16xf32>,
    %get3A_659 = arith.constant 1 : i32
    %get3A_660 = arith.index_cast %get3A_659 : i32 to index
    %get3A_661 = arith.constant 96 : index
    %get3A_662 = tpu.vector_load %arg10[%get3A_660, %get3A_661] {strides = array<i32>} : memref<8x128xi32, #tpu.memory_space<vmem>>, vector<16xi32>,
    %add3A_663 = arith.constant 224 : i32
    %add3A_664 = vector.broadcast %add3A_663 : i32 to vector<16xi32>
    %add3A_665 = arith.addi %iota3A, %add3A_664 : vector<16xi32>
    %and3A_666 = arith.constant 15 : i32
    %and3A_667 = vector.broadcast %and3A_666 : i32 to vector<16xi32>
    %and3A_668 = arith.andi %get3A_662, %and3A_667 : vector<16xi32>
    %gather3A_669 = tpu.vector_load_idx %arg13[%add3A_665, %and3A_668] : memref<1024x16xf32, #tpu.memory_space<vmem>>[vector<16xi32>, vector<16xi32>], vector<16xf32>,
    %swap3A_670 = arith.constant 224 : index
    %swap3A_671 = tpu.vector_load %arg14[%swap3A_670] {strides = array<i32>} : memref<1024xf32, #tpu.memory_space<vmem>>, vector<16xf32>,
    tpu.vector_store %arg14[%swap3A_670], %gather3A_669 {strides = array<i32>} : memref<1024xf32, #tpu.memory_space<vmem>>, vector<16xf32>,
    %get3A_672 = arith.constant 1 : i32
    %get3A_673 = arith.index_cast %get3A_672 : i32 to index
    %get3A_674 = arith.constant 112 : index
    %get3A_675 = tpu.vector_load %arg10[%get3A_673, %get3A_674] {strides = array<i32>} : memref<8x128xi32, #tpu.memory_space<vmem>>, vector<16xi32>,
    %add3A_676 = arith.constant 240 : i32
    %add3A_677 = vector.broadcast %add3A_676 : i32 to vector<16xi32>
    %add3A_678 = arith.addi %iota3A, %add3A_677 : vector<16xi32>
    %and3A_679 = arith.constant 15 : i32
    %and3A_680 = vector.broadcast %and3A_679 : i32 to vector<16xi32>
    %and3A_681 = arith.andi %get3A_675, %and3A_680 : vector<16xi32>
    %gather3A_682 = tpu.vector_load_idx %arg13[%add3A_678, %and3A_681] : memref<1024x16xf32, #tpu.memory_space<vmem>>[vector<16xi32>, vector<16xi32>], vector<16xf32>,
    %swap3A_683 = arith.constant 240 : index
    %swap3A_684 = tpu.vector_load %arg14[%swap3A_683] {strides = array<i32>} : memref<1024xf32, #tpu.memory_space<vmem>>, vector<16xf32>,
    tpu.vector_store %arg14[%swap3A_683], %gather3A_682 {strides = array<i32>} : memref<1024xf32, #tpu.memory_space<vmem>>, vector<16xf32>,
    %get3A_685 = arith.constant 2 : i32
    %get3A_686 = arith.index_cast %get3A_685 : i32 to index
    %get3A_687 = arith.constant 0 : index
    %get3A_688 = tpu.vector_load %arg10[%get3A_686, %get3A_687] {strides = array<i32>} : memref<8x128xi32, #tpu.memory_space<vmem>>, vector<16xi32>,
    %add3A_689 = arith.constant 256 : i32
    %add3A_690 = vector.broadcast %add3A_689 : i32 to vector<16xi32>
    %add3A_691 = arith.addi %iota3A, %add3A_690 : vector<16xi32>
    %and3A_692 = arith.constant 15 : i32
    %and3A_693 = vector.broadcast %and3A_692 : i32 to vector<16xi32>
    %and3A_694 = arith.andi %get3A_688, %and3A_693 : vector<16xi32>
    %gather3A_695 = tpu.vector_load_idx %arg13[%add3A_691, %and3A_694] : memref<1024x16xf32, #tpu.memory_space<vmem>>[vector<16xi32>, vector<16xi32>], vector<16xf32>,
    %swap3A_696 = arith.constant 256 : index
    %swap3A_697 = tpu.vector_load %arg14[%swap3A_696] {strides = array<i32>} : memref<1024xf32, #tpu.memory_space<vmem>>, vector<16xf32>,
    tpu.vector_store %arg14[%swap3A_696], %gather3A_695 {strides = array<i32>} : memref<1024xf32, #tpu.memory_space<vmem>>, vector<16xf32>,
    %get3A_698 = arith.constant 2 : i32
    %get3A_699 = arith.index_cast %get3A_698 : i32 to index
    %get3A_700 = arith.constant 16 : index
    %get3A_701 = tpu.vector_load %arg10[%get3A_699, %get3A_700] {strides = array<i32>} : memref<8x128xi32, #tpu.memory_space<vmem>>, vector<16xi32>,
    %add3A_702 = arith.constant 272 : i32
    %add3A_703 = vector.broadcast %add3A_702 : i32 to vector<16xi32>
    %add3A_704 = arith.addi %iota3A, %add3A_703 : vector<16xi32>
    %and3A_705 = arith.constant 15 : i32
    %and3A_706 = vector.broadcast %and3A_705 : i32 to vector<16xi32>
    %and3A_707 = arith.andi %get3A_701, %and3A_706 : vector<16xi32>
    %gather3A_708 = tpu.vector_load_idx %arg13[%add3A_704, %and3A_707] : memref<1024x16xf32, #tpu.memory_space<vmem>>[vector<16xi32>, vector<16xi32>], vector<16xf32>,
    %swap3A_709 = arith.constant 272 : index
    %swap3A_710 = tpu.vector_load %arg14[%swap3A_709] {strides = array<i32>} : memref<1024xf32, #tpu.memory_space<vmem>>, vector<16xf32>,
    tpu.vector_store %arg14[%swap3A_709], %gather3A_708 {strides = array<i32>} : memref<1024xf32, #tpu.memory_space<vmem>>, vector<16xf32>,
    %get3A_711 = arith.constant 2 : i32
    %get3A_712 = arith.index_cast %get3A_711 : i32 to index
    %get3A_713 = arith.constant 32 : index
    %get3A_714 = tpu.vector_load %arg10[%get3A_712, %get3A_713] {strides = array<i32>} : memref<8x128xi32, #tpu.memory_space<vmem>>, vector<16xi32>,
    %add3A_715 = arith.constant 288 : i32
    %add3A_716 = vector.broadcast %add3A_715 : i32 to vector<16xi32>
    %add3A_717 = arith.addi %iota3A, %add3A_716 : vector<16xi32>
    %and3A_718 = arith.constant 15 : i32
    %and3A_719 = vector.broadcast %and3A_718 : i32 to vector<16xi32>
    %and3A_720 = arith.andi %get3A_714, %and3A_719 : vector<16xi32>
    %gather3A_721 = tpu.vector_load_idx %arg13[%add3A_717, %and3A_720] : memref<1024x16xf32, #tpu.memory_space<vmem>>[vector<16xi32>, vector<16xi32>], vector<16xf32>,
    %swap3A_722 = arith.constant 288 : index
    %swap3A_723 = tpu.vector_load %arg14[%swap3A_722] {strides = array<i32>} : memref<1024xf32, #tpu.memory_space<vmem>>, vector<16xf32>,
    tpu.vector_store %arg14[%swap3A_722], %gather3A_721 {strides = array<i32>} : memref<1024xf32, #tpu.memory_space<vmem>>, vector<16xf32>,
    %get3A_724 = arith.constant 2 : i32
    %get3A_725 = arith.index_cast %get3A_724 : i32 to index
    %get3A_726 = arith.constant 48 : index
    %get3A_727 = tpu.vector_load %arg10[%get3A_725, %get3A_726] {strides = array<i32>} : memref<8x128xi32, #tpu.memory_space<vmem>>, vector<16xi32>,
    %add3A_728 = arith.constant 304 : i32
    %add3A_729 = vector.broadcast %add3A_728 : i32 to vector<16xi32>
    %add3A_730 = arith.addi %iota3A, %add3A_729 : vector<16xi32>
    %and3A_731 = arith.constant 15 : i32
    %and3A_732 = vector.broadcast %and3A_731 : i32 to vector<16xi32>
    %and3A_733 = arith.andi %get3A_727, %and3A_732 : vector<16xi32>
    %gather3A_734 = tpu.vector_load_idx %arg13[%add3A_730, %and3A_733] : memref<1024x16xf32, #tpu.memory_space<vmem>>[vector<16xi32>, vector<16xi32>], vector<16xf32>,
    %swap3A_735 = arith.constant 304 : index
    %swap3A_736 = tpu.vector_load %arg14[%swap3A_735] {strides = array<i32>} : memref<1024xf32, #tpu.memory_space<vmem>>, vector<16xf32>,
    tpu.vector_store %arg14[%swap3A_735], %gather3A_734 {strides = array<i32>} : memref<1024xf32, #tpu.memory_space<vmem>>, vector<16xf32>,
    %get3A_737 = arith.constant 2 : i32
    %get3A_738 = arith.index_cast %get3A_737 : i32 to index
    %get3A_739 = arith.constant 64 : index
    %get3A_740 = tpu.vector_load %arg10[%get3A_738, %get3A_739] {strides = array<i32>} : memref<8x128xi32, #tpu.memory_space<vmem>>, vector<16xi32>,
    %add3A_741 = arith.constant 320 : i32
    %add3A_742 = vector.broadcast %add3A_741 : i32 to vector<16xi32>
    %add3A_743 = arith.addi %iota3A, %add3A_742 : vector<16xi32>
    %and3A_744 = arith.constant 15 : i32
    %and3A_745 = vector.broadcast %and3A_744 : i32 to vector<16xi32>
    %and3A_746 = arith.andi %get3A_740, %and3A_745 : vector<16xi32>
    %gather3A_747 = tpu.vector_load_idx %arg13[%add3A_743, %and3A_746] : memref<1024x16xf32, #tpu.memory_space<vmem>>[vector<16xi32>, vector<16xi32>], vector<16xf32>,
    %swap3A_748 = arith.constant 320 : index
    %swap3A_749 = tpu.vector_load %arg14[%swap3A_748] {strides = array<i32>} : memref<1024xf32, #tpu.memory_space<vmem>>, vector<16xf32>,
    tpu.vector_store %arg14[%swap3A_748], %gather3A_747 {strides = array<i32>} : memref<1024xf32, #tpu.memory_space<vmem>>, vector<16xf32>,
    %get3A_750 = arith.constant 2 : i32
    %get3A_751 = arith.index_cast %get3A_750 : i32 to index
    %get3A_752 = arith.constant 80 : index
    %get3A_753 = tpu.vector_load %arg10[%get3A_751, %get3A_752] {strides = array<i32>} : memref<8x128xi32, #tpu.memory_space<vmem>>, vector<16xi32>,
    %add3A_754 = arith.constant 336 : i32
    %add3A_755 = vector.broadcast %add3A_754 : i32 to vector<16xi32>
    %add3A_756 = arith.addi %iota3A, %add3A_755 : vector<16xi32>
    %and3A_757 = arith.constant 15 : i32
    %and3A_758 = vector.broadcast %and3A_757 : i32 to vector<16xi32>
    %and3A_759 = arith.andi %get3A_753, %and3A_758 : vector<16xi32>
    %gather3A_760 = tpu.vector_load_idx %arg13[%add3A_756, %and3A_759] : memref<1024x16xf32, #tpu.memory_space<vmem>>[vector<16xi32>, vector<16xi32>], vector<16xf32>,
    %swap3A_761 = arith.constant 336 : index
    %swap3A_762 = tpu.vector_load %arg14[%swap3A_761] {strides = array<i32>} : memref<1024xf32, #tpu.memory_space<vmem>>, vector<16xf32>,
    tpu.vector_store %arg14[%swap3A_761], %gather3A_760 {strides = array<i32>} : memref<1024xf32, #tpu.memory_space<vmem>>, vector<16xf32>,
    %get3A_763 = arith.constant 2 : i32
    %get3A_764 = arith.index_cast %get3A_763 : i32 to index
    %get3A_765 = arith.constant 96 : index
    %get3A_766 = tpu.vector_load %arg10[%get3A_764, %get3A_765] {strides = array<i32>} : memref<8x128xi32, #tpu.memory_space<vmem>>, vector<16xi32>,
    %add3A_767 = arith.constant 352 : i32
    %add3A_768 = vector.broadcast %add3A_767 : i32 to vector<16xi32>
    %add3A_769 = arith.addi %iota3A, %add3A_768 : vector<16xi32>
    %and3A_770 = arith.constant 15 : i32
    %and3A_771 = vector.broadcast %and3A_770 : i32 to vector<16xi32>
    %and3A_772 = arith.andi %get3A_766, %and3A_771 : vector<16xi32>
    %gather3A_773 = tpu.vector_load_idx %arg13[%add3A_769, %and3A_772] : memref<1024x16xf32, #tpu.memory_space<vmem>>[vector<16xi32>, vector<16xi32>], vector<16xf32>,
    %swap3A_774 = arith.constant 352 : index
    %swap3A_775 = tpu.vector_load %arg14[%swap3A_774] {strides = array<i32>} : memref<1024xf32, #tpu.memory_space<vmem>>, vector<16xf32>,
    tpu.vector_store %arg14[%swap3A_774], %gather3A_773 {strides = array<i32>} : memref<1024xf32, #tpu.memory_space<vmem>>, vector<16xf32>,
    %get3A_776 = arith.constant 2 : i32
    %get3A_777 = arith.index_cast %get3A_776 : i32 to index
    %get3A_778 = arith.constant 112 : index
    %get3A_779 = tpu.vector_load %arg10[%get3A_777, %get3A_778] {strides = array<i32>} : memref<8x128xi32, #tpu.memory_space<vmem>>, vector<16xi32>,
    %add3A_780 = arith.constant 368 : i32
    %add3A_781 = vector.broadcast %add3A_780 : i32 to vector<16xi32>
    %add3A_782 = arith.addi %iota3A, %add3A_781 : vector<16xi32>
    %and3A_783 = arith.constant 15 : i32
    %and3A_784 = vector.broadcast %and3A_783 : i32 to vector<16xi32>
    %and3A_785 = arith.andi %get3A_779, %and3A_784 : vector<16xi32>
    %gather3A_786 = tpu.vector_load_idx %arg13[%add3A_782, %and3A_785] : memref<1024x16xf32, #tpu.memory_space<vmem>>[vector<16xi32>, vector<16xi32>], vector<16xf32>,
    %swap3A_787 = arith.constant 368 : index
    %swap3A_788 = tpu.vector_load %arg14[%swap3A_787] {strides = array<i32>} : memref<1024xf32, #tpu.memory_space<vmem>>, vector<16xf32>,
    tpu.vector_store %arg14[%swap3A_787], %gather3A_786 {strides = array<i32>} : memref<1024xf32, #tpu.memory_space<vmem>>, vector<16xf32>,
    %get3A_789 = arith.constant 3 : i32
    %get3A_790 = arith.index_cast %get3A_789 : i32 to index
    %get3A_791 = arith.constant 0 : index
    %get3A_792 = tpu.vector_load %arg10[%get3A_790, %get3A_791] {strides = array<i32>} : memref<8x128xi32, #tpu.memory_space<vmem>>, vector<16xi32>,
    %add3A_793 = arith.constant 384 : i32
    %add3A_794 = vector.broadcast %add3A_793 : i32 to vector<16xi32>
    %add3A_795 = arith.addi %iota3A, %add3A_794 : vector<16xi32>
    %and3A_796 = arith.constant 15 : i32
    %and3A_797 = vector.broadcast %and3A_796 : i32 to vector<16xi32>
    %and3A_798 = arith.andi %get3A_792, %and3A_797 : vector<16xi32>
    %gather3A_799 = tpu.vector_load_idx %arg13[%add3A_795, %and3A_798] : memref<1024x16xf32, #tpu.memory_space<vmem>>[vector<16xi32>, vector<16xi32>], vector<16xf32>,
    %swap3A_800 = arith.constant 384 : index
    %swap3A_801 = tpu.vector_load %arg14[%swap3A_800] {strides = array<i32>} : memref<1024xf32, #tpu.memory_space<vmem>>, vector<16xf32>,
    tpu.vector_store %arg14[%swap3A_800], %gather3A_799 {strides = array<i32>} : memref<1024xf32, #tpu.memory_space<vmem>>, vector<16xf32>,
    %get3A_802 = arith.constant 3 : i32
    %get3A_803 = arith.index_cast %get3A_802 : i32 to index
    %get3A_804 = arith.constant 16 : index
    %get3A_805 = tpu.vector_load %arg10[%get3A_803, %get3A_804] {strides = array<i32>} : memref<8x128xi32, #tpu.memory_space<vmem>>, vector<16xi32>,
    %add3A_806 = arith.constant 400 : i32
    %add3A_807 = vector.broadcast %add3A_806 : i32 to vector<16xi32>
    %add3A_808 = arith.addi %iota3A, %add3A_807 : vector<16xi32>
    %and3A_809 = arith.constant 15 : i32
    %and3A_810 = vector.broadcast %and3A_809 : i32 to vector<16xi32>
    %and3A_811 = arith.andi %get3A_805, %and3A_810 : vector<16xi32>
    %gather3A_812 = tpu.vector_load_idx %arg13[%add3A_808, %and3A_811] : memref<1024x16xf32, #tpu.memory_space<vmem>>[vector<16xi32>, vector<16xi32>], vector<16xf32>,
    %swap3A_813 = arith.constant 400 : index
    %swap3A_814 = tpu.vector_load %arg14[%swap3A_813] {strides = array<i32>} : memref<1024xf32, #tpu.memory_space<vmem>>, vector<16xf32>,
    tpu.vector_store %arg14[%swap3A_813], %gather3A_812 {strides = array<i32>} : memref<1024xf32, #tpu.memory_space<vmem>>, vector<16xf32>,
    %get3A_815 = arith.constant 3 : i32
    %get3A_816 = arith.index_cast %get3A_815 : i32 to index
    %get3A_817 = arith.constant 32 : index
    %get3A_818 = tpu.vector_load %arg10[%get3A_816, %get3A_817] {strides = array<i32>} : memref<8x128xi32, #tpu.memory_space<vmem>>, vector<16xi32>,
    %add3A_819 = arith.constant 416 : i32
    %add3A_820 = vector.broadcast %add3A_819 : i32 to vector<16xi32>
    %add3A_821 = arith.addi %iota3A, %add3A_820 : vector<16xi32>
    %and3A_822 = arith.constant 15 : i32
    %and3A_823 = vector.broadcast %and3A_822 : i32 to vector<16xi32>
    %and3A_824 = arith.andi %get3A_818, %and3A_823 : vector<16xi32>
    %gather3A_825 = tpu.vector_load_idx %arg13[%add3A_821, %and3A_824] : memref<1024x16xf32, #tpu.memory_space<vmem>>[vector<16xi32>, vector<16xi32>], vector<16xf32>,
    %swap3A_826 = arith.constant 416 : index
    %swap3A_827 = tpu.vector_load %arg14[%swap3A_826] {strides = array<i32>} : memref<1024xf32, #tpu.memory_space<vmem>>, vector<16xf32>,
    tpu.vector_store %arg14[%swap3A_826], %gather3A_825 {strides = array<i32>} : memref<1024xf32, #tpu.memory_space<vmem>>, vector<16xf32>,
    %get3A_828 = arith.constant 3 : i32
    %get3A_829 = arith.index_cast %get3A_828 : i32 to index
    %get3A_830 = arith.constant 48 : index
    %get3A_831 = tpu.vector_load %arg10[%get3A_829, %get3A_830] {strides = array<i32>} : memref<8x128xi32, #tpu.memory_space<vmem>>, vector<16xi32>,
    %add3A_832 = arith.constant 432 : i32
    %add3A_833 = vector.broadcast %add3A_832 : i32 to vector<16xi32>
    %add3A_834 = arith.addi %iota3A, %add3A_833 : vector<16xi32>
    %and3A_835 = arith.constant 15 : i32
    %and3A_836 = vector.broadcast %and3A_835 : i32 to vector<16xi32>
    %and3A_837 = arith.andi %get3A_831, %and3A_836 : vector<16xi32>
    %gather3A_838 = tpu.vector_load_idx %arg13[%add3A_834, %and3A_837] : memref<1024x16xf32, #tpu.memory_space<vmem>>[vector<16xi32>, vector<16xi32>], vector<16xf32>,
    %swap3A_839 = arith.constant 432 : index
    %swap3A_840 = tpu.vector_load %arg14[%swap3A_839] {strides = array<i32>} : memref<1024xf32, #tpu.memory_space<vmem>>, vector<16xf32>,
    tpu.vector_store %arg14[%swap3A_839], %gather3A_838 {strides = array<i32>} : memref<1024xf32, #tpu.memory_space<vmem>>, vector<16xf32>,
    %get3A_841 = arith.constant 3 : i32
    %get3A_842 = arith.index_cast %get3A_841 : i32 to index
    %get3A_843 = arith.constant 64 : index
    %get3A_844 = tpu.vector_load %arg10[%get3A_842, %get3A_843] {strides = array<i32>} : memref<8x128xi32, #tpu.memory_space<vmem>>, vector<16xi32>,
    %add3A_845 = arith.constant 448 : i32
    %add3A_846 = vector.broadcast %add3A_845 : i32 to vector<16xi32>
    %add3A_847 = arith.addi %iota3A, %add3A_846 : vector<16xi32>
    %and3A_848 = arith.constant 15 : i32
    %and3A_849 = vector.broadcast %and3A_848 : i32 to vector<16xi32>
    %and3A_850 = arith.andi %get3A_844, %and3A_849 : vector<16xi32>
    %gather3A_851 = tpu.vector_load_idx %arg13[%add3A_847, %and3A_850] : memref<1024x16xf32, #tpu.memory_space<vmem>>[vector<16xi32>, vector<16xi32>], vector<16xf32>,
    %swap3A_852 = arith.constant 448 : index
    %swap3A_853 = tpu.vector_load %arg14[%swap3A_852] {strides = array<i32>} : memref<1024xf32, #tpu.memory_space<vmem>>, vector<16xf32>,
    tpu.vector_store %arg14[%swap3A_852], %gather3A_851 {strides = array<i32>} : memref<1024xf32, #tpu.memory_space<vmem>>, vector<16xf32>,
    %get3A_854 = arith.constant 3 : i32
    %get3A_855 = arith.index_cast %get3A_854 : i32 to index
    %get3A_856 = arith.constant 80 : index
    %get3A_857 = tpu.vector_load %arg10[%get3A_855, %get3A_856] {strides = array<i32>} : memref<8x128xi32, #tpu.memory_space<vmem>>, vector<16xi32>,
    %add3A_858 = arith.constant 464 : i32
    %add3A_859 = vector.broadcast %add3A_858 : i32 to vector<16xi32>
    %add3A_860 = arith.addi %iota3A, %add3A_859 : vector<16xi32>
    %and3A_861 = arith.constant 15 : i32
    %and3A_862 = vector.broadcast %and3A_861 : i32 to vector<16xi32>
    %and3A_863 = arith.andi %get3A_857, %and3A_862 : vector<16xi32>
    %gather3A_864 = tpu.vector_load_idx %arg13[%add3A_860, %and3A_863] : memref<1024x16xf32, #tpu.memory_space<vmem>>[vector<16xi32>, vector<16xi32>], vector<16xf32>,
    %swap3A_865 = arith.constant 464 : index
    %swap3A_866 = tpu.vector_load %arg14[%swap3A_865] {strides = array<i32>} : memref<1024xf32, #tpu.memory_space<vmem>>, vector<16xf32>,
    tpu.vector_store %arg14[%swap3A_865], %gather3A_864 {strides = array<i32>} : memref<1024xf32, #tpu.memory_space<vmem>>, vector<16xf32>,
    %get3A_867 = arith.constant 3 : i32
    %get3A_868 = arith.index_cast %get3A_867 : i32 to index
    %get3A_869 = arith.constant 96 : index
    %get3A_870 = tpu.vector_load %arg10[%get3A_868, %get3A_869] {strides = array<i32>} : memref<8x128xi32, #tpu.memory_space<vmem>>, vector<16xi32>,
    %add3A_871 = arith.constant 480 : i32
    %add3A_872 = vector.broadcast %add3A_871 : i32 to vector<16xi32>
    %add3A_873 = arith.addi %iota3A, %add3A_872 : vector<16xi32>
    %and3A_874 = arith.constant 15 : i32
    %and3A_875 = vector.broadcast %and3A_874 : i32 to vector<16xi32>
    %and3A_876 = arith.andi %get3A_870, %and3A_875 : vector<16xi32>
    %gather3A_877 = tpu.vector_load_idx %arg13[%add3A_873, %and3A_876] : memref<1024x16xf32, #tpu.memory_space<vmem>>[vector<16xi32>, vector<16xi32>], vector<16xf32>,
    %swap3A_878 = arith.constant 480 : index
    %swap3A_879 = tpu.vector_load %arg14[%swap3A_878] {strides = array<i32>} : memref<1024xf32, #tpu.memory_space<vmem>>, vector<16xf32>,
    tpu.vector_store %arg14[%swap3A_878], %gather3A_877 {strides = array<i32>} : memref<1024xf32, #tpu.memory_space<vmem>>, vector<16xf32>,
    %get3A_880 = arith.constant 3 : i32
    %get3A_881 = arith.index_cast %get3A_880 : i32 to index
    %get3A_882 = arith.constant 112 : index
    %get3A_883 = tpu.vector_load %arg10[%get3A_881, %get3A_882] {strides = array<i32>} : memref<8x128xi32, #tpu.memory_space<vmem>>, vector<16xi32>,
    %add3A_884 = arith.constant 496 : i32
    %add3A_885 = vector.broadcast %add3A_884 : i32 to vector<16xi32>
    %add3A_886 = arith.addi %iota3A, %add3A_885 : vector<16xi32>
    %and3A_887 = arith.constant 15 : i32
    %and3A_888 = vector.broadcast %and3A_887 : i32 to vector<16xi32>
    %and3A_889 = arith.andi %get3A_883, %and3A_888 : vector<16xi32>
    %gather3A_890 = tpu.vector_load_idx %arg13[%add3A_886, %and3A_889] : memref<1024x16xf32, #tpu.memory_space<vmem>>[vector<16xi32>, vector<16xi32>], vector<16xf32>,
    %swap3A_891 = arith.constant 496 : index
    %swap3A_892 = tpu.vector_load %arg14[%swap3A_891] {strides = array<i32>} : memref<1024xf32, #tpu.memory_space<vmem>>, vector<16xf32>,
    tpu.vector_store %arg14[%swap3A_891], %gather3A_890 {strides = array<i32>} : memref<1024xf32, #tpu.memory_space<vmem>>, vector<16xf32>,
    %get3A_893 = arith.constant 4 : i32
    %get3A_894 = arith.index_cast %get3A_893 : i32 to index
    %get3A_895 = arith.constant 0 : index
    %get3A_896 = tpu.vector_load %arg10[%get3A_894, %get3A_895] {strides = array<i32>} : memref<8x128xi32, #tpu.memory_space<vmem>>, vector<16xi32>,
    %add3A_897 = arith.constant 512 : i32
    %add3A_898 = vector.broadcast %add3A_897 : i32 to vector<16xi32>
    %add3A_899 = arith.addi %iota3A, %add3A_898 : vector<16xi32>
    %and3A_900 = arith.constant 15 : i32
    %and3A_901 = vector.broadcast %and3A_900 : i32 to vector<16xi32>
    %and3A_902 = arith.andi %get3A_896, %and3A_901 : vector<16xi32>
    %gather3A_903 = tpu.vector_load_idx %arg13[%add3A_899, %and3A_902] : memref<1024x16xf32, #tpu.memory_space<vmem>>[vector<16xi32>, vector<16xi32>], vector<16xf32>,
    %swap3A_904 = arith.constant 512 : index
    %swap3A_905 = tpu.vector_load %arg14[%swap3A_904] {strides = array<i32>} : memref<1024xf32, #tpu.memory_space<vmem>>, vector<16xf32>,
    tpu.vector_store %arg14[%swap3A_904], %gather3A_903 {strides = array<i32>} : memref<1024xf32, #tpu.memory_space<vmem>>, vector<16xf32>,
    %get3A_906 = arith.constant 4 : i32
    %get3A_907 = arith.index_cast %get3A_906 : i32 to index
    %get3A_908 = arith.constant 16 : index
    %get3A_909 = tpu.vector_load %arg10[%get3A_907, %get3A_908] {strides = array<i32>} : memref<8x128xi32, #tpu.memory_space<vmem>>, vector<16xi32>,
    %add3A_910 = arith.constant 528 : i32
    %add3A_911 = vector.broadcast %add3A_910 : i32 to vector<16xi32>
    %add3A_912 = arith.addi %iota3A, %add3A_911 : vector<16xi32>
    %and3A_913 = arith.constant 15 : i32
    %and3A_914 = vector.broadcast %and3A_913 : i32 to vector<16xi32>
    %and3A_915 = arith.andi %get3A_909, %and3A_914 : vector<16xi32>
    %gather3A_916 = tpu.vector_load_idx %arg13[%add3A_912, %and3A_915] : memref<1024x16xf32, #tpu.memory_space<vmem>>[vector<16xi32>, vector<16xi32>], vector<16xf32>,
    %swap3A_917 = arith.constant 528 : index
    %swap3A_918 = tpu.vector_load %arg14[%swap3A_917] {strides = array<i32>} : memref<1024xf32, #tpu.memory_space<vmem>>, vector<16xf32>,
    tpu.vector_store %arg14[%swap3A_917], %gather3A_916 {strides = array<i32>} : memref<1024xf32, #tpu.memory_space<vmem>>, vector<16xf32>,
    %get3A_919 = arith.constant 4 : i32
    %get3A_920 = arith.index_cast %get3A_919 : i32 to index
    %get3A_921 = arith.constant 32 : index
    %get3A_922 = tpu.vector_load %arg10[%get3A_920, %get3A_921] {strides = array<i32>} : memref<8x128xi32, #tpu.memory_space<vmem>>, vector<16xi32>,
    %add3A_923 = arith.constant 544 : i32
    %add3A_924 = vector.broadcast %add3A_923 : i32 to vector<16xi32>
    %add3A_925 = arith.addi %iota3A, %add3A_924 : vector<16xi32>
    %and3A_926 = arith.constant 15 : i32
    %and3A_927 = vector.broadcast %and3A_926 : i32 to vector<16xi32>
    %and3A_928 = arith.andi %get3A_922, %and3A_927 : vector<16xi32>
    %gather3A_929 = tpu.vector_load_idx %arg13[%add3A_925, %and3A_928] : memref<1024x16xf32, #tpu.memory_space<vmem>>[vector<16xi32>, vector<16xi32>], vector<16xf32>,
    %swap3A_930 = arith.constant 544 : index
    %swap3A_931 = tpu.vector_load %arg14[%swap3A_930] {strides = array<i32>} : memref<1024xf32, #tpu.memory_space<vmem>>, vector<16xf32>,
    tpu.vector_store %arg14[%swap3A_930], %gather3A_929 {strides = array<i32>} : memref<1024xf32, #tpu.memory_space<vmem>>, vector<16xf32>,
    %get3A_932 = arith.constant 4 : i32
    %get3A_933 = arith.index_cast %get3A_932 : i32 to index
    %get3A_934 = arith.constant 48 : index
    %get3A_935 = tpu.vector_load %arg10[%get3A_933, %get3A_934] {strides = array<i32>} : memref<8x128xi32, #tpu.memory_space<vmem>>, vector<16xi32>,
    %add3A_936 = arith.constant 560 : i32
    %add3A_937 = vector.broadcast %add3A_936 : i32 to vector<16xi32>
    %add3A_938 = arith.addi %iota3A, %add3A_937 : vector<16xi32>
    %and3A_939 = arith.constant 15 : i32
    %and3A_940 = vector.broadcast %and3A_939 : i32 to vector<16xi32>
    %and3A_941 = arith.andi %get3A_935, %and3A_940 : vector<16xi32>
    %gather3A_942 = tpu.vector_load_idx %arg13[%add3A_938, %and3A_941] : memref<1024x16xf32, #tpu.memory_space<vmem>>[vector<16xi32>, vector<16xi32>], vector<16xf32>,
    %swap3A_943 = arith.constant 560 : index
    %swap3A_944 = tpu.vector_load %arg14[%swap3A_943] {strides = array<i32>} : memref<1024xf32, #tpu.memory_space<vmem>>, vector<16xf32>,
    tpu.vector_store %arg14[%swap3A_943], %gather3A_942 {strides = array<i32>} : memref<1024xf32, #tpu.memory_space<vmem>>, vector<16xf32>,
    %get3A_945 = arith.constant 4 : i32
    %get3A_946 = arith.index_cast %get3A_945 : i32 to index
    %get3A_947 = arith.constant 64 : index
    %get3A_948 = tpu.vector_load %arg10[%get3A_946, %get3A_947] {strides = array<i32>} : memref<8x128xi32, #tpu.memory_space<vmem>>, vector<16xi32>,
    %add3A_949 = arith.constant 576 : i32
    %add3A_950 = vector.broadcast %add3A_949 : i32 to vector<16xi32>
    %add3A_951 = arith.addi %iota3A, %add3A_950 : vector<16xi32>
    %and3A_952 = arith.constant 15 : i32
    %and3A_953 = vector.broadcast %and3A_952 : i32 to vector<16xi32>
    %and3A_954 = arith.andi %get3A_948, %and3A_953 : vector<16xi32>
    %gather3A_955 = tpu.vector_load_idx %arg13[%add3A_951, %and3A_954] : memref<1024x16xf32, #tpu.memory_space<vmem>>[vector<16xi32>, vector<16xi32>], vector<16xf32>,
    %swap3A_956 = arith.constant 576 : index
    %swap3A_957 = tpu.vector_load %arg14[%swap3A_956] {strides = array<i32>} : memref<1024xf32, #tpu.memory_space<vmem>>, vector<16xf32>,
    tpu.vector_store %arg14[%swap3A_956], %gather3A_955 {strides = array<i32>} : memref<1024xf32, #tpu.memory_space<vmem>>, vector<16xf32>,
    %get3A_958 = arith.constant 4 : i32
    %get3A_959 = arith.index_cast %get3A_958 : i32 to index
    %get3A_960 = arith.constant 80 : index
    %get3A_961 = tpu.vector_load %arg10[%get3A_959, %get3A_960] {strides = array<i32>} : memref<8x128xi32, #tpu.memory_space<vmem>>, vector<16xi32>,
    %add3A_962 = arith.constant 592 : i32
    %add3A_963 = vector.broadcast %add3A_962 : i32 to vector<16xi32>
    %add3A_964 = arith.addi %iota3A, %add3A_963 : vector<16xi32>
    %and3A_965 = arith.constant 15 : i32
    %and3A_966 = vector.broadcast %and3A_965 : i32 to vector<16xi32>
    %and3A_967 = arith.andi %get3A_961, %and3A_966 : vector<16xi32>
    %gather3A_968 = tpu.vector_load_idx %arg13[%add3A_964, %and3A_967] : memref<1024x16xf32, #tpu.memory_space<vmem>>[vector<16xi32>, vector<16xi32>], vector<16xf32>,
    %swap3A_969 = arith.constant 592 : index
    %swap3A_970 = tpu.vector_load %arg14[%swap3A_969] {strides = array<i32>} : memref<1024xf32, #tpu.memory_space<vmem>>, vector<16xf32>,
    tpu.vector_store %arg14[%swap3A_969], %gather3A_968 {strides = array<i32>} : memref<1024xf32, #tpu.memory_space<vmem>>, vector<16xf32>,
    %get3A_971 = arith.constant 4 : i32
    %get3A_972 = arith.index_cast %get3A_971 : i32 to index
    %get3A_973 = arith.constant 96 : index
    %get3A_974 = tpu.vector_load %arg10[%get3A_972, %get3A_973] {strides = array<i32>} : memref<8x128xi32, #tpu.memory_space<vmem>>, vector<16xi32>,
    %add3A_975 = arith.constant 608 : i32
    %add3A_976 = vector.broadcast %add3A_975 : i32 to vector<16xi32>
    %add3A_977 = arith.addi %iota3A, %add3A_976 : vector<16xi32>
    %and3A_978 = arith.constant 15 : i32
    %and3A_979 = vector.broadcast %and3A_978 : i32 to vector<16xi32>
    %and3A_980 = arith.andi %get3A_974, %and3A_979 : vector<16xi32>
    %gather3A_981 = tpu.vector_load_idx %arg13[%add3A_977, %and3A_980] : memref<1024x16xf32, #tpu.memory_space<vmem>>[vector<16xi32>, vector<16xi32>], vector<16xf32>,
    %swap3A_982 = arith.constant 608 : index
    %swap3A_983 = tpu.vector_load %arg14[%swap3A_982] {strides = array<i32>} : memref<1024xf32, #tpu.memory_space<vmem>>, vector<16xf32>,
    tpu.vector_store %arg14[%swap3A_982], %gather3A_981 {strides = array<i32>} : memref<1024xf32, #tpu.memory_space<vmem>>, vector<16xf32>,
    %get3A_984 = arith.constant 4 : i32
    %get3A_985 = arith.index_cast %get3A_984 : i32 to index
    %get3A_986 = arith.constant 112 : index
    %get3A_987 = tpu.vector_load %arg10[%get3A_985, %get3A_986] {strides = array<i32>} : memref<8x128xi32, #tpu.memory_space<vmem>>, vector<16xi32>,
    %add3A_988 = arith.constant 624 : i32
    %add3A_989 = vector.broadcast %add3A_988 : i32 to vector<16xi32>
    %add3A_990 = arith.addi %iota3A, %add3A_989 : vector<16xi32>
    %and3A_991 = arith.constant 15 : i32
    %and3A_992 = vector.broadcast %and3A_991 : i32 to vector<16xi32>
    %and3A_993 = arith.andi %get3A_987, %and3A_992 : vector<16xi32>
    %gather3A_994 = tpu.vector_load_idx %arg13[%add3A_990, %and3A_993] : memref<1024x16xf32, #tpu.memory_space<vmem>>[vector<16xi32>, vector<16xi32>], vector<16xf32>,
    %swap3A_995 = arith.constant 624 : index
    %swap3A_996 = tpu.vector_load %arg14[%swap3A_995] {strides = array<i32>} : memref<1024xf32, #tpu.memory_space<vmem>>, vector<16xf32>,
    tpu.vector_store %arg14[%swap3A_995], %gather3A_994 {strides = array<i32>} : memref<1024xf32, #tpu.memory_space<vmem>>, vector<16xf32>,
    %get3A_997 = arith.constant 5 : i32
    %get3A_998 = arith.index_cast %get3A_997 : i32 to index
    %get3A_999 = arith.constant 0 : index
    %get3A_1000 = tpu.vector_load %arg10[%get3A_998, %get3A_999] {strides = array<i32>} : memref<8x128xi32, #tpu.memory_space<vmem>>, vector<16xi32>,
    %add3A_1001 = arith.constant 640 : i32
    %add3A_1002 = vector.broadcast %add3A_1001 : i32 to vector<16xi32>
    %add3A_1003 = arith.addi %iota3A, %add3A_1002 : vector<16xi32>
    %and3A_1004 = arith.constant 15 : i32
    %and3A_1005 = vector.broadcast %and3A_1004 : i32 to vector<16xi32>
    %and3A_1006 = arith.andi %get3A_1000, %and3A_1005 : vector<16xi32>
    %gather3A_1007 = tpu.vector_load_idx %arg13[%add3A_1003, %and3A_1006] : memref<1024x16xf32, #tpu.memory_space<vmem>>[vector<16xi32>, vector<16xi32>], vector<16xf32>,
    %swap3A_1008 = arith.constant 640 : index
    %swap3A_1009 = tpu.vector_load %arg14[%swap3A_1008] {strides = array<i32>} : memref<1024xf32, #tpu.memory_space<vmem>>, vector<16xf32>,
    tpu.vector_store %arg14[%swap3A_1008], %gather3A_1007 {strides = array<i32>} : memref<1024xf32, #tpu.memory_space<vmem>>, vector<16xf32>,
    %get3A_1010 = arith.constant 5 : i32
    %get3A_1011 = arith.index_cast %get3A_1010 : i32 to index
    %get3A_1012 = arith.constant 16 : index
    %get3A_1013 = tpu.vector_load %arg10[%get3A_1011, %get3A_1012] {strides = array<i32>} : memref<8x128xi32, #tpu.memory_space<vmem>>, vector<16xi32>,
    %add3A_1014 = arith.constant 656 : i32
    %add3A_1015 = vector.broadcast %add3A_1014 : i32 to vector<16xi32>
    %add3A_1016 = arith.addi %iota3A, %add3A_1015 : vector<16xi32>
    %and3A_1017 = arith.constant 15 : i32
    %and3A_1018 = vector.broadcast %and3A_1017 : i32 to vector<16xi32>
    %and3A_1019 = arith.andi %get3A_1013, %and3A_1018 : vector<16xi32>
    %gather3A_1020 = tpu.vector_load_idx %arg13[%add3A_1016, %and3A_1019] : memref<1024x16xf32, #tpu.memory_space<vmem>>[vector<16xi32>, vector<16xi32>], vector<16xf32>,
    %swap3A_1021 = arith.constant 656 : index
    %swap3A_1022 = tpu.vector_load %arg14[%swap3A_1021] {strides = array<i32>} : memref<1024xf32, #tpu.memory_space<vmem>>, vector<16xf32>,
    tpu.vector_store %arg14[%swap3A_1021], %gather3A_1020 {strides = array<i32>} : memref<1024xf32, #tpu.memory_space<vmem>>, vector<16xf32>,
    %get3A_1023 = arith.constant 5 : i32
    %get3A_1024 = arith.index_cast %get3A_1023 : i32 to index
    %get3A_1025 = arith.constant 32 : index
    %get3A_1026 = tpu.vector_load %arg10[%get3A_1024, %get3A_1025] {strides = array<i32>} : memref<8x128xi32, #tpu.memory_space<vmem>>, vector<16xi32>,
    %add3A_1027 = arith.constant 672 : i32
    %add3A_1028 = vector.broadcast %add3A_1027 : i32 to vector<16xi32>
    %add3A_1029 = arith.addi %iota3A, %add3A_1028 : vector<16xi32>
    %and3A_1030 = arith.constant 15 : i32
    %and3A_1031 = vector.broadcast %and3A_1030 : i32 to vector<16xi32>
    %and3A_1032 = arith.andi %get3A_1026, %and3A_1031 : vector<16xi32>
    %gather3A_1033 = tpu.vector_load_idx %arg13[%add3A_1029, %and3A_1032] : memref<1024x16xf32, #tpu.memory_space<vmem>>[vector<16xi32>, vector<16xi32>], vector<16xf32>,
    %swap3A_1034 = arith.constant 672 : index
    %swap3A_1035 = tpu.vector_load %arg14[%swap3A_1034] {strides = array<i32>} : memref<1024xf32, #tpu.memory_space<vmem>>, vector<16xf32>,
    tpu.vector_store %arg14[%swap3A_1034], %gather3A_1033 {strides = array<i32>} : memref<1024xf32, #tpu.memory_space<vmem>>, vector<16xf32>,
    %get3A_1036 = arith.constant 5 : i32
    %get3A_1037 = arith.index_cast %get3A_1036 : i32 to index
    %get3A_1038 = arith.constant 48 : index
    %get3A_1039 = tpu.vector_load %arg10[%get3A_1037, %get3A_1038] {strides = array<i32>} : memref<8x128xi32, #tpu.memory_space<vmem>>, vector<16xi32>,
    %add3A_1040 = arith.constant 688 : i32
    %add3A_1041 = vector.broadcast %add3A_1040 : i32 to vector<16xi32>
    %add3A_1042 = arith.addi %iota3A, %add3A_1041 : vector<16xi32>
    %and3A_1043 = arith.constant 15 : i32
    %and3A_1044 = vector.broadcast %and3A_1043 : i32 to vector<16xi32>
    %and3A_1045 = arith.andi %get3A_1039, %and3A_1044 : vector<16xi32>
    %gather3A_1046 = tpu.vector_load_idx %arg13[%add3A_1042, %and3A_1045] : memref<1024x16xf32, #tpu.memory_space<vmem>>[vector<16xi32>, vector<16xi32>], vector<16xf32>,
    %swap3A_1047 = arith.constant 688 : index
    %swap3A_1048 = tpu.vector_load %arg14[%swap3A_1047] {strides = array<i32>} : memref<1024xf32, #tpu.memory_space<vmem>>, vector<16xf32>,
    tpu.vector_store %arg14[%swap3A_1047], %gather3A_1046 {strides = array<i32>} : memref<1024xf32, #tpu.memory_space<vmem>>, vector<16xf32>,
    %get3A_1049 = arith.constant 5 : i32
    %get3A_1050 = arith.index_cast %get3A_1049 : i32 to index
    %get3A_1051 = arith.constant 64 : index
    %get3A_1052 = tpu.vector_load %arg10[%get3A_1050, %get3A_1051] {strides = array<i32>} : memref<8x128xi32, #tpu.memory_space<vmem>>, vector<16xi32>,
    %add3A_1053 = arith.constant 704 : i32
    %add3A_1054 = vector.broadcast %add3A_1053 : i32 to vector<16xi32>
    %add3A_1055 = arith.addi %iota3A, %add3A_1054 : vector<16xi32>
    %and3A_1056 = arith.constant 15 : i32
    %and3A_1057 = vector.broadcast %and3A_1056 : i32 to vector<16xi32>
    %and3A_1058 = arith.andi %get3A_1052, %and3A_1057 : vector<16xi32>
    %gather3A_1059 = tpu.vector_load_idx %arg13[%add3A_1055, %and3A_1058] : memref<1024x16xf32, #tpu.memory_space<vmem>>[vector<16xi32>, vector<16xi32>], vector<16xf32>,
    %swap3A_1060 = arith.constant 704 : index
    %swap3A_1061 = tpu.vector_load %arg14[%swap3A_1060] {strides = array<i32>} : memref<1024xf32, #tpu.memory_space<vmem>>, vector<16xf32>,
    tpu.vector_store %arg14[%swap3A_1060], %gather3A_1059 {strides = array<i32>} : memref<1024xf32, #tpu.memory_space<vmem>>, vector<16xf32>,
    %get3A_1062 = arith.constant 5 : i32
    %get3A_1063 = arith.index_cast %get3A_1062 : i32 to index
    %get3A_1064 = arith.constant 80 : index
    %get3A_1065 = tpu.vector_load %arg10[%get3A_1063, %get3A_1064] {strides = array<i32>} : memref<8x128xi32, #tpu.memory_space<vmem>>, vector<16xi32>,
    %add3A_1066 = arith.constant 720 : i32
    %add3A_1067 = vector.broadcast %add3A_1066 : i32 to vector<16xi32>
    %add3A_1068 = arith.addi %iota3A, %add3A_1067 : vector<16xi32>
    %and3A_1069 = arith.constant 15 : i32
    %and3A_1070 = vector.broadcast %and3A_1069 : i32 to vector<16xi32>
    %and3A_1071 = arith.andi %get3A_1065, %and3A_1070 : vector<16xi32>
    %gather3A_1072 = tpu.vector_load_idx %arg13[%add3A_1068, %and3A_1071] : memref<1024x16xf32, #tpu.memory_space<vmem>>[vector<16xi32>, vector<16xi32>], vector<16xf32>,
    %swap3A_1073 = arith.constant 720 : index
    %swap3A_1074 = tpu.vector_load %arg14[%swap3A_1073] {strides = array<i32>} : memref<1024xf32, #tpu.memory_space<vmem>>, vector<16xf32>,
    tpu.vector_store %arg14[%swap3A_1073], %gather3A_1072 {strides = array<i32>} : memref<1024xf32, #tpu.memory_space<vmem>>, vector<16xf32>,
    %get3A_1075 = arith.constant 5 : i32
    %get3A_1076 = arith.index_cast %get3A_1075 : i32 to index
    %get3A_1077 = arith.constant 96 : index
    %get3A_1078 = tpu.vector_load %arg10[%get3A_1076, %get3A_1077] {strides = array<i32>} : memref<8x128xi32, #tpu.memory_space<vmem>>, vector<16xi32>,
    %add3A_1079 = arith.constant 736 : i32
    %add3A_1080 = vector.broadcast %add3A_1079 : i32 to vector<16xi32>
    %add3A_1081 = arith.addi %iota3A, %add3A_1080 : vector<16xi32>
    %and3A_1082 = arith.constant 15 : i32
    %and3A_1083 = vector.broadcast %and3A_1082 : i32 to vector<16xi32>
    %and3A_1084 = arith.andi %get3A_1078, %and3A_1083 : vector<16xi32>
    %gather3A_1085 = tpu.vector_load_idx %arg13[%add3A_1081, %and3A_1084] : memref<1024x16xf32, #tpu.memory_space<vmem>>[vector<16xi32>, vector<16xi32>], vector<16xf32>,
    %swap3A_1086 = arith.constant 736 : index
    %swap3A_1087 = tpu.vector_load %arg14[%swap3A_1086] {strides = array<i32>} : memref<1024xf32, #tpu.memory_space<vmem>>, vector<16xf32>,
    tpu.vector_store %arg14[%swap3A_1086], %gather3A_1085 {strides = array<i32>} : memref<1024xf32, #tpu.memory_space<vmem>>, vector<16xf32>,
    %get3A_1088 = arith.constant 5 : i32
    %get3A_1089 = arith.index_cast %get3A_1088 : i32 to index
    %get3A_1090 = arith.constant 112 : index
    %get3A_1091 = tpu.vector_load %arg10[%get3A_1089, %get3A_1090] {strides = array<i32>} : memref<8x128xi32, #tpu.memory_space<vmem>>, vector<16xi32>,
    %add3A_1092 = arith.constant 752 : i32
    %add3A_1093 = vector.broadcast %add3A_1092 : i32 to vector<16xi32>
    %add3A_1094 = arith.addi %iota3A, %add3A_1093 : vector<16xi32>
    %and3A_1095 = arith.constant 15 : i32
    %and3A_1096 = vector.broadcast %and3A_1095 : i32 to vector<16xi32>
    %and3A_1097 = arith.andi %get3A_1091, %and3A_1096 : vector<16xi32>
    %gather3A_1098 = tpu.vector_load_idx %arg13[%add3A_1094, %and3A_1097] : memref<1024x16xf32, #tpu.memory_space<vmem>>[vector<16xi32>, vector<16xi32>], vector<16xf32>,
    %swap3A_1099 = arith.constant 752 : index
    %swap3A_1100 = tpu.vector_load %arg14[%swap3A_1099] {strides = array<i32>} : memref<1024xf32, #tpu.memory_space<vmem>>, vector<16xf32>,
    tpu.vector_store %arg14[%swap3A_1099], %gather3A_1098 {strides = array<i32>} : memref<1024xf32, #tpu.memory_space<vmem>>, vector<16xf32>,
    %get3A_1101 = arith.constant 6 : i32
    %get3A_1102 = arith.index_cast %get3A_1101 : i32 to index
    %get3A_1103 = arith.constant 0 : index
    %get3A_1104 = tpu.vector_load %arg10[%get3A_1102, %get3A_1103] {strides = array<i32>} : memref<8x128xi32, #tpu.memory_space<vmem>>, vector<16xi32>,
    %add3A_1105 = arith.constant 768 : i32
    %add3A_1106 = vector.broadcast %add3A_1105 : i32 to vector<16xi32>
    %add3A_1107 = arith.addi %iota3A, %add3A_1106 : vector<16xi32>
    %and3A_1108 = arith.constant 15 : i32
    %and3A_1109 = vector.broadcast %and3A_1108 : i32 to vector<16xi32>
    %and3A_1110 = arith.andi %get3A_1104, %and3A_1109 : vector<16xi32>
    %gather3A_1111 = tpu.vector_load_idx %arg13[%add3A_1107, %and3A_1110] : memref<1024x16xf32, #tpu.memory_space<vmem>>[vector<16xi32>, vector<16xi32>], vector<16xf32>,
    %swap3A_1112 = arith.constant 768 : index
    %swap3A_1113 = tpu.vector_load %arg14[%swap3A_1112] {strides = array<i32>} : memref<1024xf32, #tpu.memory_space<vmem>>, vector<16xf32>,
    tpu.vector_store %arg14[%swap3A_1112], %gather3A_1111 {strides = array<i32>} : memref<1024xf32, #tpu.memory_space<vmem>>, vector<16xf32>,
    %get3A_1114 = arith.constant 6 : i32
    %get3A_1115 = arith.index_cast %get3A_1114 : i32 to index
    %get3A_1116 = arith.constant 16 : index
    %get3A_1117 = tpu.vector_load %arg10[%get3A_1115, %get3A_1116] {strides = array<i32>} : memref<8x128xi32, #tpu.memory_space<vmem>>, vector<16xi32>,
    %add3A_1118 = arith.constant 784 : i32
    %add3A_1119 = vector.broadcast %add3A_1118 : i32 to vector<16xi32>
    %add3A_1120 = arith.addi %iota3A, %add3A_1119 : vector<16xi32>
    %and3A_1121 = arith.constant 15 : i32
    %and3A_1122 = vector.broadcast %and3A_1121 : i32 to vector<16xi32>
    %and3A_1123 = arith.andi %get3A_1117, %and3A_1122 : vector<16xi32>
    %gather3A_1124 = tpu.vector_load_idx %arg13[%add3A_1120, %and3A_1123] : memref<1024x16xf32, #tpu.memory_space<vmem>>[vector<16xi32>, vector<16xi32>], vector<16xf32>,
    %swap3A_1125 = arith.constant 784 : index
    %swap3A_1126 = tpu.vector_load %arg14[%swap3A_1125] {strides = array<i32>} : memref<1024xf32, #tpu.memory_space<vmem>>, vector<16xf32>,
    tpu.vector_store %arg14[%swap3A_1125], %gather3A_1124 {strides = array<i32>} : memref<1024xf32, #tpu.memory_space<vmem>>, vector<16xf32>,
    %get3A_1127 = arith.constant 6 : i32
    %get3A_1128 = arith.index_cast %get3A_1127 : i32 to index
    %get3A_1129 = arith.constant 32 : index
    %get3A_1130 = tpu.vector_load %arg10[%get3A_1128, %get3A_1129] {strides = array<i32>} : memref<8x128xi32, #tpu.memory_space<vmem>>, vector<16xi32>,
    %add3A_1131 = arith.constant 800 : i32
    %add3A_1132 = vector.broadcast %add3A_1131 : i32 to vector<16xi32>
    %add3A_1133 = arith.addi %iota3A, %add3A_1132 : vector<16xi32>
    %and3A_1134 = arith.constant 15 : i32
    %and3A_1135 = vector.broadcast %and3A_1134 : i32 to vector<16xi32>
    %and3A_1136 = arith.andi %get3A_1130, %and3A_1135 : vector<16xi32>
    %gather3A_1137 = tpu.vector_load_idx %arg13[%add3A_1133, %and3A_1136] : memref<1024x16xf32, #tpu.memory_space<vmem>>[vector<16xi32>, vector<16xi32>], vector<16xf32>,
    %swap3A_1138 = arith.constant 800 : index
    %swap3A_1139 = tpu.vector_load %arg14[%swap3A_1138] {strides = array<i32>} : memref<1024xf32, #tpu.memory_space<vmem>>, vector<16xf32>,
    tpu.vector_store %arg14[%swap3A_1138], %gather3A_1137 {strides = array<i32>} : memref<1024xf32, #tpu.memory_space<vmem>>, vector<16xf32>,
    %get3A_1140 = arith.constant 6 : i32
    %get3A_1141 = arith.index_cast %get3A_1140 : i32 to index
    %get3A_1142 = arith.constant 48 : index
    %get3A_1143 = tpu.vector_load %arg10[%get3A_1141, %get3A_1142] {strides = array<i32>} : memref<8x128xi32, #tpu.memory_space<vmem>>, vector<16xi32>,
    %add3A_1144 = arith.constant 816 : i32
    %add3A_1145 = vector.broadcast %add3A_1144 : i32 to vector<16xi32>
    %add3A_1146 = arith.addi %iota3A, %add3A_1145 : vector<16xi32>
    %and3A_1147 = arith.constant 15 : i32
    %and3A_1148 = vector.broadcast %and3A_1147 : i32 to vector<16xi32>
    %and3A_1149 = arith.andi %get3A_1143, %and3A_1148 : vector<16xi32>
    %gather3A_1150 = tpu.vector_load_idx %arg13[%add3A_1146, %and3A_1149] : memref<1024x16xf32, #tpu.memory_space<vmem>>[vector<16xi32>, vector<16xi32>], vector<16xf32>,
    %swap3A_1151 = arith.constant 816 : index
    %swap3A_1152 = tpu.vector_load %arg14[%swap3A_1151] {strides = array<i32>} : memref<1024xf32, #tpu.memory_space<vmem>>, vector<16xf32>,
    tpu.vector_store %arg14[%swap3A_1151], %gather3A_1150 {strides = array<i32>} : memref<1024xf32, #tpu.memory_space<vmem>>, vector<16xf32>,
    %get3A_1153 = arith.constant 6 : i32
    %get3A_1154 = arith.index_cast %get3A_1153 : i32 to index
    %get3A_1155 = arith.constant 64 : index
    %get3A_1156 = tpu.vector_load %arg10[%get3A_1154, %get3A_1155] {strides = array<i32>} : memref<8x128xi32, #tpu.memory_space<vmem>>, vector<16xi32>,
    %add3A_1157 = arith.constant 832 : i32
    %add3A_1158 = vector.broadcast %add3A_1157 : i32 to vector<16xi32>
    %add3A_1159 = arith.addi %iota3A, %add3A_1158 : vector<16xi32>
    %and3A_1160 = arith.constant 15 : i32
    %and3A_1161 = vector.broadcast %and3A_1160 : i32 to vector<16xi32>
    %and3A_1162 = arith.andi %get3A_1156, %and3A_1161 : vector<16xi32>
    %gather3A_1163 = tpu.vector_load_idx %arg13[%add3A_1159, %and3A_1162] : memref<1024x16xf32, #tpu.memory_space<vmem>>[vector<16xi32>, vector<16xi32>], vector<16xf32>,
    %swap3A_1164 = arith.constant 832 : index
    %swap3A_1165 = tpu.vector_load %arg14[%swap3A_1164] {strides = array<i32>} : memref<1024xf32, #tpu.memory_space<vmem>>, vector<16xf32>,
    tpu.vector_store %arg14[%swap3A_1164], %gather3A_1163 {strides = array<i32>} : memref<1024xf32, #tpu.memory_space<vmem>>, vector<16xf32>,
    %get3A_1166 = arith.constant 6 : i32
    %get3A_1167 = arith.index_cast %get3A_1166 : i32 to index
    %get3A_1168 = arith.constant 80 : index
    %get3A_1169 = tpu.vector_load %arg10[%get3A_1167, %get3A_1168] {strides = array<i32>} : memref<8x128xi32, #tpu.memory_space<vmem>>, vector<16xi32>,
    %add3A_1170 = arith.constant 848 : i32
    %add3A_1171 = vector.broadcast %add3A_1170 : i32 to vector<16xi32>
    %add3A_1172 = arith.addi %iota3A, %add3A_1171 : vector<16xi32>
    %and3A_1173 = arith.constant 15 : i32
    %and3A_1174 = vector.broadcast %and3A_1173 : i32 to vector<16xi32>
    %and3A_1175 = arith.andi %get3A_1169, %and3A_1174 : vector<16xi32>
    %gather3A_1176 = tpu.vector_load_idx %arg13[%add3A_1172, %and3A_1175] : memref<1024x16xf32, #tpu.memory_space<vmem>>[vector<16xi32>, vector<16xi32>], vector<16xf32>,
    %swap3A_1177 = arith.constant 848 : index
    %swap3A_1178 = tpu.vector_load %arg14[%swap3A_1177] {strides = array<i32>} : memref<1024xf32, #tpu.memory_space<vmem>>, vector<16xf32>,
    tpu.vector_store %arg14[%swap3A_1177], %gather3A_1176 {strides = array<i32>} : memref<1024xf32, #tpu.memory_space<vmem>>, vector<16xf32>,
    %get3A_1179 = arith.constant 6 : i32
    %get3A_1180 = arith.index_cast %get3A_1179 : i32 to index
    %get3A_1181 = arith.constant 96 : index
    %get3A_1182 = tpu.vector_load %arg10[%get3A_1180, %get3A_1181] {strides = array<i32>} : memref<8x128xi32, #tpu.memory_space<vmem>>, vector<16xi32>,
    %add3A_1183 = arith.constant 864 : i32
    %add3A_1184 = vector.broadcast %add3A_1183 : i32 to vector<16xi32>
    %add3A_1185 = arith.addi %iota3A, %add3A_1184 : vector<16xi32>
    %and3A_1186 = arith.constant 15 : i32
    %and3A_1187 = vector.broadcast %and3A_1186 : i32 to vector<16xi32>
    %and3A_1188 = arith.andi %get3A_1182, %and3A_1187 : vector<16xi32>
    %gather3A_1189 = tpu.vector_load_idx %arg13[%add3A_1185, %and3A_1188] : memref<1024x16xf32, #tpu.memory_space<vmem>>[vector<16xi32>, vector<16xi32>], vector<16xf32>,
    %swap3A_1190 = arith.constant 864 : index
    %swap3A_1191 = tpu.vector_load %arg14[%swap3A_1190] {strides = array<i32>} : memref<1024xf32, #tpu.memory_space<vmem>>, vector<16xf32>,
    tpu.vector_store %arg14[%swap3A_1190], %gather3A_1189 {strides = array<i32>} : memref<1024xf32, #tpu.memory_space<vmem>>, vector<16xf32>,
    %get3A_1192 = arith.constant 6 : i32
    %get3A_1193 = arith.index_cast %get3A_1192 : i32 to index
    %get3A_1194 = arith.constant 112 : index
    %get3A_1195 = tpu.vector_load %arg10[%get3A_1193, %get3A_1194] {strides = array<i32>} : memref<8x128xi32, #tpu.memory_space<vmem>>, vector<16xi32>,
    %add3A_1196 = arith.constant 880 : i32
    %add3A_1197 = vector.broadcast %add3A_1196 : i32 to vector<16xi32>
    %add3A_1198 = arith.addi %iota3A, %add3A_1197 : vector<16xi32>
    %and3A_1199 = arith.constant 15 : i32
    %and3A_1200 = vector.broadcast %and3A_1199 : i32 to vector<16xi32>
    %and3A_1201 = arith.andi %get3A_1195, %and3A_1200 : vector<16xi32>
    %gather3A_1202 = tpu.vector_load_idx %arg13[%add3A_1198, %and3A_1201] : memref<1024x16xf32, #tpu.memory_space<vmem>>[vector<16xi32>, vector<16xi32>], vector<16xf32>,
    %swap3A_1203 = arith.constant 880 : index
    %swap3A_1204 = tpu.vector_load %arg14[%swap3A_1203] {strides = array<i32>} : memref<1024xf32, #tpu.memory_space<vmem>>, vector<16xf32>,
    tpu.vector_store %arg14[%swap3A_1203], %gather3A_1202 {strides = array<i32>} : memref<1024xf32, #tpu.memory_space<vmem>>, vector<16xf32>,
    %get3A_1205 = arith.constant 7 : i32
    %get3A_1206 = arith.index_cast %get3A_1205 : i32 to index
    %get3A_1207 = arith.constant 0 : index
    %get3A_1208 = tpu.vector_load %arg10[%get3A_1206, %get3A_1207] {strides = array<i32>} : memref<8x128xi32, #tpu.memory_space<vmem>>, vector<16xi32>,
    %add3A_1209 = arith.constant 896 : i32
    %add3A_1210 = vector.broadcast %add3A_1209 : i32 to vector<16xi32>
    %add3A_1211 = arith.addi %iota3A, %add3A_1210 : vector<16xi32>
    %and3A_1212 = arith.constant 15 : i32
    %and3A_1213 = vector.broadcast %and3A_1212 : i32 to vector<16xi32>
    %and3A_1214 = arith.andi %get3A_1208, %and3A_1213 : vector<16xi32>
    %gather3A_1215 = tpu.vector_load_idx %arg13[%add3A_1211, %and3A_1214] : memref<1024x16xf32, #tpu.memory_space<vmem>>[vector<16xi32>, vector<16xi32>], vector<16xf32>,
    %swap3A_1216 = arith.constant 896 : index
    %swap3A_1217 = tpu.vector_load %arg14[%swap3A_1216] {strides = array<i32>} : memref<1024xf32, #tpu.memory_space<vmem>>, vector<16xf32>,
    tpu.vector_store %arg14[%swap3A_1216], %gather3A_1215 {strides = array<i32>} : memref<1024xf32, #tpu.memory_space<vmem>>, vector<16xf32>,
    %get3A_1218 = arith.constant 7 : i32
    %get3A_1219 = arith.index_cast %get3A_1218 : i32 to index
    %get3A_1220 = arith.constant 16 : index
    %get3A_1221 = tpu.vector_load %arg10[%get3A_1219, %get3A_1220] {strides = array<i32>} : memref<8x128xi32, #tpu.memory_space<vmem>>, vector<16xi32>,
    %add3A_1222 = arith.constant 912 : i32
    %add3A_1223 = vector.broadcast %add3A_1222 : i32 to vector<16xi32>
    %add3A_1224 = arith.addi %iota3A, %add3A_1223 : vector<16xi32>
    %and3A_1225 = arith.constant 15 : i32
    %and3A_1226 = vector.broadcast %and3A_1225 : i32 to vector<16xi32>
    %and3A_1227 = arith.andi %get3A_1221, %and3A_1226 : vector<16xi32>
    %gather3A_1228 = tpu.vector_load_idx %arg13[%add3A_1224, %and3A_1227] : memref<1024x16xf32, #tpu.memory_space<vmem>>[vector<16xi32>, vector<16xi32>], vector<16xf32>,
    %swap3A_1229 = arith.constant 912 : index
    %swap3A_1230 = tpu.vector_load %arg14[%swap3A_1229] {strides = array<i32>} : memref<1024xf32, #tpu.memory_space<vmem>>, vector<16xf32>,
    tpu.vector_store %arg14[%swap3A_1229], %gather3A_1228 {strides = array<i32>} : memref<1024xf32, #tpu.memory_space<vmem>>, vector<16xf32>,
    %get3A_1231 = arith.constant 7 : i32
    %get3A_1232 = arith.index_cast %get3A_1231 : i32 to index
    %get3A_1233 = arith.constant 32 : index
    %get3A_1234 = tpu.vector_load %arg10[%get3A_1232, %get3A_1233] {strides = array<i32>} : memref<8x128xi32, #tpu.memory_space<vmem>>, vector<16xi32>,
    %add3A_1235 = arith.constant 928 : i32
    %add3A_1236 = vector.broadcast %add3A_1235 : i32 to vector<16xi32>
    %add3A_1237 = arith.addi %iota3A, %add3A_1236 : vector<16xi32>
    %and3A_1238 = arith.constant 15 : i32
    %and3A_1239 = vector.broadcast %and3A_1238 : i32 to vector<16xi32>
    %and3A_1240 = arith.andi %get3A_1234, %and3A_1239 : vector<16xi32>
    %gather3A_1241 = tpu.vector_load_idx %arg13[%add3A_1237, %and3A_1240] : memref<1024x16xf32, #tpu.memory_space<vmem>>[vector<16xi32>, vector<16xi32>], vector<16xf32>,
    %swap3A_1242 = arith.constant 928 : index
    %swap3A_1243 = tpu.vector_load %arg14[%swap3A_1242] {strides = array<i32>} : memref<1024xf32, #tpu.memory_space<vmem>>, vector<16xf32>,
    tpu.vector_store %arg14[%swap3A_1242], %gather3A_1241 {strides = array<i32>} : memref<1024xf32, #tpu.memory_space<vmem>>, vector<16xf32>,
    %get3A_1244 = arith.constant 7 : i32
    %get3A_1245 = arith.index_cast %get3A_1244 : i32 to index
    %get3A_1246 = arith.constant 48 : index
    %get3A_1247 = tpu.vector_load %arg10[%get3A_1245, %get3A_1246] {strides = array<i32>} : memref<8x128xi32, #tpu.memory_space<vmem>>, vector<16xi32>,
    %add3A_1248 = arith.constant 944 : i32
    %add3A_1249 = vector.broadcast %add3A_1248 : i32 to vector<16xi32>
    %add3A_1250 = arith.addi %iota3A, %add3A_1249 : vector<16xi32>
    %and3A_1251 = arith.constant 15 : i32
    %and3A_1252 = vector.broadcast %and3A_1251 : i32 to vector<16xi32>
    %and3A_1253 = arith.andi %get3A_1247, %and3A_1252 : vector<16xi32>
    %gather3A_1254 = tpu.vector_load_idx %arg13[%add3A_1250, %and3A_1253] : memref<1024x16xf32, #tpu.memory_space<vmem>>[vector<16xi32>, vector<16xi32>], vector<16xf32>,
    %swap3A_1255 = arith.constant 944 : index
    %swap3A_1256 = tpu.vector_load %arg14[%swap3A_1255] {strides = array<i32>} : memref<1024xf32, #tpu.memory_space<vmem>>, vector<16xf32>,
    tpu.vector_store %arg14[%swap3A_1255], %gather3A_1254 {strides = array<i32>} : memref<1024xf32, #tpu.memory_space<vmem>>, vector<16xf32>,
    %get3A_1257 = arith.constant 7 : i32
    %get3A_1258 = arith.index_cast %get3A_1257 : i32 to index
    %get3A_1259 = arith.constant 64 : index
    %get3A_1260 = tpu.vector_load %arg10[%get3A_1258, %get3A_1259] {strides = array<i32>} : memref<8x128xi32, #tpu.memory_space<vmem>>, vector<16xi32>,
    %add3A_1261 = arith.constant 960 : i32
    %add3A_1262 = vector.broadcast %add3A_1261 : i32 to vector<16xi32>
    %add3A_1263 = arith.addi %iota3A, %add3A_1262 : vector<16xi32>
    %and3A_1264 = arith.constant 15 : i32
    %and3A_1265 = vector.broadcast %and3A_1264 : i32 to vector<16xi32>
    %and3A_1266 = arith.andi %get3A_1260, %and3A_1265 : vector<16xi32>
    %gather3A_1267 = tpu.vector_load_idx %arg13[%add3A_1263, %and3A_1266] : memref<1024x16xf32, #tpu.memory_space<vmem>>[vector<16xi32>, vector<16xi32>], vector<16xf32>,
    %swap3A_1268 = arith.constant 960 : index
    %swap3A_1269 = tpu.vector_load %arg14[%swap3A_1268] {strides = array<i32>} : memref<1024xf32, #tpu.memory_space<vmem>>, vector<16xf32>,
    tpu.vector_store %arg14[%swap3A_1268], %gather3A_1267 {strides = array<i32>} : memref<1024xf32, #tpu.memory_space<vmem>>, vector<16xf32>,
    %get3A_1270 = arith.constant 7 : i32
    %get3A_1271 = arith.index_cast %get3A_1270 : i32 to index
    %get3A_1272 = arith.constant 80 : index
    %get3A_1273 = tpu.vector_load %arg10[%get3A_1271, %get3A_1272] {strides = array<i32>} : memref<8x128xi32, #tpu.memory_space<vmem>>, vector<16xi32>,
    %add3A_1274 = arith.constant 976 : i32
    %add3A_1275 = vector.broadcast %add3A_1274 : i32 to vector<16xi32>
    %add3A_1276 = arith.addi %iota3A, %add3A_1275 : vector<16xi32>
    %and3A_1277 = arith.constant 15 : i32
    %and3A_1278 = vector.broadcast %and3A_1277 : i32 to vector<16xi32>
    %and3A_1279 = arith.andi %get3A_1273, %and3A_1278 : vector<16xi32>
    %gather3A_1280 = tpu.vector_load_idx %arg13[%add3A_1276, %and3A_1279] : memref<1024x16xf32, #tpu.memory_space<vmem>>[vector<16xi32>, vector<16xi32>], vector<16xf32>,
    %swap3A_1281 = arith.constant 976 : index
    %swap3A_1282 = tpu.vector_load %arg14[%swap3A_1281] {strides = array<i32>} : memref<1024xf32, #tpu.memory_space<vmem>>, vector<16xf32>,
    tpu.vector_store %arg14[%swap3A_1281], %gather3A_1280 {strides = array<i32>} : memref<1024xf32, #tpu.memory_space<vmem>>, vector<16xf32>,
    %get3A_1283 = arith.constant 7 : i32
    %get3A_1284 = arith.index_cast %get3A_1283 : i32 to index
    %get3A_1285 = arith.constant 96 : index
    %get3A_1286 = tpu.vector_load %arg10[%get3A_1284, %get3A_1285] {strides = array<i32>} : memref<8x128xi32, #tpu.memory_space<vmem>>, vector<16xi32>,
    %add3A_1287 = arith.constant 992 : i32
    %add3A_1288 = vector.broadcast %add3A_1287 : i32 to vector<16xi32>
    %add3A_1289 = arith.addi %iota3A, %add3A_1288 : vector<16xi32>
    %and3A_1290 = arith.constant 15 : i32
    %and3A_1291 = vector.broadcast %and3A_1290 : i32 to vector<16xi32>
    %and3A_1292 = arith.andi %get3A_1286, %and3A_1291 : vector<16xi32>
    %gather3A_1293 = tpu.vector_load_idx %arg13[%add3A_1289, %and3A_1292] : memref<1024x16xf32, #tpu.memory_space<vmem>>[vector<16xi32>, vector<16xi32>], vector<16xf32>,
    %swap3A_1294 = arith.constant 992 : index
    %swap3A_1295 = tpu.vector_load %arg14[%swap3A_1294] {strides = array<i32>} : memref<1024xf32, #tpu.memory_space<vmem>>, vector<16xf32>,
    tpu.vector_store %arg14[%swap3A_1294], %gather3A_1293 {strides = array<i32>} : memref<1024xf32, #tpu.memory_space<vmem>>, vector<16xf32>,
    %get3A_1296 = arith.constant 7 : i32
    %get3A_1297 = arith.index_cast %get3A_1296 : i32 to index
    %get3A_1298 = arith.constant 112 : index
    %get3A_1299 = tpu.vector_load %arg10[%get3A_1297, %get3A_1298] {strides = array<i32>} : memref<8x128xi32, #tpu.memory_space<vmem>>, vector<16xi32>,
    %add3A_1300 = arith.constant 1008 : i32
    %add3A_1301 = vector.broadcast %add3A_1300 : i32 to vector<16xi32>
    %add3A_1302 = arith.addi %iota3A, %add3A_1301 : vector<16xi32>
    %and3A_1303 = arith.constant 15 : i32
    %and3A_1304 = vector.broadcast %and3A_1303 : i32 to vector<16xi32>
    %and3A_1305 = arith.andi %get3A_1299, %and3A_1304 : vector<16xi32>
    %gather3A_1306 = tpu.vector_load_idx %arg13[%add3A_1302, %and3A_1305] : memref<1024x16xf32, #tpu.memory_space<vmem>>[vector<16xi32>, vector<16xi32>], vector<16xf32>,
    %swap3A_1307 = arith.constant 1008 : index
    %swap3A_1308 = tpu.vector_load %arg14[%swap3A_1307] {strides = array<i32>} : memref<1024xf32, #tpu.memory_space<vmem>>, vector<16xf32>,
    tpu.vector_store %arg14[%swap3A_1307], %gather3A_1306 {strides = array<i32>} : memref<1024xf32, #tpu.memory_space<vmem>>, vector<16xf32>,
    %mul3A_1309 = arith.constant 2 : i32
    %mul3A_1310 = arith.muli %mul3A_2, %mul3A_1309 : i32
    "tpu.region"() ({
      %run_scoped3A = tpu.sem_alloc : memref<!tpu.dma_semaphore, #tpu.memory_space<semaphore_mem>>
      %dma_start3A_1311 = arith.constant 0 : i32
      %dma_start3A_1312 = tpu.memref_slice %arg7[%mul3A_1310, %dma_start3A_1311] : memref<65536x16xf32, #tpu.memory_space<hbm>> -> memref<2048x16xf32, #tpu.memory_space<hbm>>
      %dma_start3A_1313 = arith.constant 0 : i32
      %dma_start3A_1314 = tpu.memref_slice %arg7[%mul3A_1310, %dma_start3A_1313] : memref<65536x16xf32, #tpu.memory_space<hbm>> -> memref<2048x16xf32, #tpu.memory_space<hbm>>
      tpu.enqueue_dma source(%arg12 : memref<2048x16xf32, #tpu.memory_space<vmem>>) target(%dma_start3A_1314 : memref<2048x16xf32, #tpu.memory_space<hbm>>) target_semaphore(%run_scoped3A : memref<!tpu.dma_semaphore, #tpu.memory_space<semaphore_mem>>)
      %dma_wait3A_1315 = arith.constant 0 : i32
      %dma_wait3A_1316 = tpu.memref_slice %arg7[%mul3A_1310, %dma_wait3A_1315] : memref<65536x16xf32, #tpu.memory_space<hbm>> -> memref<2048x16xf32, #tpu.memory_space<hbm>>
      %dma_wait3A_1317 = arith.constant 0 : i32
      %dma_wait3A_1318 = tpu.memref_slice %arg7[%mul3A_1310, %dma_wait3A_1317] : memref<65536x16xf32, #tpu.memory_space<hbm>> -> memref<2048x16xf32, #tpu.memory_space<hbm>>
      tpu.wait_dma2 semaphore(%run_scoped3A : memref<!tpu.dma_semaphore, #tpu.memory_space<semaphore_mem>>) src(%arg12 : memref<2048x16xf32, #tpu.memory_space<vmem>>) dst(%dma_wait3A_1318 : memref<2048x16xf32, #tpu.memory_space<hbm>>)
      tpu.yield
    }) : () -> ()
    "tpu.region"() ({
      %run_scoped3A = tpu.sem_alloc : memref<!tpu.dma_semaphore, #tpu.memory_space<semaphore_mem>>
      %dma_start3A_1311 = tpu.memref_slice %arg8[%mul3A_2] : memref<32768xf32, #tpu.memory_space<hbm>> -> memref<1024xf32, #tpu.memory_space<hbm>>
      %dma_start3A_1312 = tpu.memref_slice %arg8[%mul3A_2] : memref<32768xf32, #tpu.memory_space<hbm>> -> memref<1024xf32, #tpu.memory_space<hbm>>
      tpu.enqueue_dma source(%arg14 : memref<1024xf32, #tpu.memory_space<vmem>>) target(%dma_start3A_1312 : memref<1024xf32, #tpu.memory_space<hbm>>) target_semaphore(%run_scoped3A : memref<!tpu.dma_semaphore, #tpu.memory_space<semaphore_mem>>)
      %dma_wait3A_1313 = tpu.memref_slice %arg8[%mul3A_2] : memref<32768xf32, #tpu.memory_space<hbm>> -> memref<1024xf32, #tpu.memory_space<hbm>>
      %dma_wait3A_1314 = tpu.memref_slice %arg8[%mul3A_2] : memref<32768xf32, #tpu.memory_space<hbm>> -> memref<1024xf32, #tpu.memory_space<hbm>>
      tpu.wait_dma2 semaphore(%run_scoped3A : memref<!tpu.dma_semaphore, #tpu.memory_space<semaphore_mem>>) src(%arg14 : memref<1024xf32, #tpu.memory_space<vmem>>) dst(%dma_wait3A_1314 : memref<1024xf32, #tpu.memory_space<hbm>>)
      tpu.yield
    }) : () -> ()
    return
  }
}

module attributes {stable_mosaic.version = 14 : i64} {
  func.func @_conv_body(%arg0: i32, %arg1: memref<32x4096xf32, #tpu.memory_space<vmem>>, %arg2: memref<1024x128xf32, #tpu.memory_space<vmem>>) attributes {dimension_semantics = [#tpu.dimension_semantics<arbitrary>], iteration_bounds = array<i64: 245>, scalar_prefetch = 0 : i64, scratch_operands = 0 : i64, tpu.core_type = #tpu.core_type<tc>, window_params = [{transform_indices = @transform_0, window_bounds = array<i64: 32, 4096>}, {transform_indices = @transform_1, window_bounds = array<i64: 1024, 128>}]} {
    %get3A = arith.constant 0 : index
    %get3A_0 = arith.constant 0 : index
    %get3A_1 = vector.load %arg1[%get3A, %get3A_0] : memref<32x4096xf32, #tpu.memory_space<vmem>>, vector<32x4096xf32>
    %iota3A = tpu.iota {dimensions = array<i32: 0>} : vector<32x32xi32>
    %iota3A_2 = tpu.iota {dimensions = array<i32: 1>} : vector<32x32xi32>
    %eq3A = arith.cmpi eq, %iota3A, %iota3A_2 : vector<32x32xi32>
    %convert_element_type3A = arith.extui %eq3A : vector<32x32xi1> to vector<32x32xi32>
    %convert_element_type3A_3 = arith.sitofp %convert_element_type3A : vector<32x32xi32> to vector<32x32xf32>
    %dot_general3A = arith.constant dense<0.000000e+00> : vector<4096x32xf32>
    %dot_general3A_4 = tpu.matmul %get3A_1, %convert_element_type3A_3, %dot_general3A {dimension_numbers = #tpu.dot_dimension_numbers<[0], [0], [1], [1], [0, 1, 1, 1], [], []>, transpose_lhs_hint = false} : vector<32x4096xf32>, vector<32x32xf32>, vector<4096x32xf32> -> vector<4096x32xf32>
    %slice3A = vector.extract_strided_slice %dot_general3A_4 {offsets = [0, 0], sizes = [1024, 32], strides = [1, 1]} : vector<4096x32xf32> to vector<1024x32xf32>
    %slice3A_5 = vector.extract_strided_slice %dot_general3A_4 {offsets = [1024, 0], sizes = [1024, 32], strides = [1, 1]} : vector<4096x32xf32> to vector<1024x32xf32>
    %slice3A_6 = vector.extract_strided_slice %dot_general3A_4 {offsets = [2048, 0], sizes = [1024, 32], strides = [1, 1]} : vector<4096x32xf32> to vector<1024x32xf32>
    %slice3A_7 = vector.extract_strided_slice %dot_general3A_4 {offsets = [3072, 0], sizes = [1024, 32], strides = [1, 1]} : vector<4096x32xf32> to vector<1024x32xf32>
    %concatenate3A = tpu.concatenate %slice3A, %slice3A_5, %slice3A_6, %slice3A_7 in 1 : vector<1024x32xf32>, vector<1024x32xf32>, vector<1024x32xf32>, vector<1024x32xf32> -> vector<1024x128xf32>
    %swap3A = arith.constant 0 : index
    %swap3A_8 = arith.constant 0 : index
    %swap3A_9 = vector.load %arg2[%swap3A, %swap3A_8] : memref<1024x128xf32, #tpu.memory_space<vmem>>, vector<1024x128xf32>
    tpu.vector_store %arg2[%swap3A, %swap3A_8], %concatenate3A {strides = array<i32>} : memref<1024x128xf32, #tpu.memory_space<vmem>>, vector<1024x128xf32>,
    return
  }
  func.func @transform_0(%arg0: i32) -> (i32, i32) {
    %c0_i32 = arith.constant 0 : i32
    %c0_i32_0 = arith.constant 0 : i32
    return %c0_i32, %arg0 : i32, i32
  }
  func.func @transform_1(%arg0: i32) -> (i32, i32) {
    %c0_i32 = arith.constant 0 : i32
    %c0_i32_0 = arith.constant 0 : i32
    return %arg0, %c0_i32 : i32, i32
  }
}

module attributes {stable_mosaic.version = 14 : i64} {
  func.func @_dense_body(%arg0: i32, %arg1: memref<2048x32xf32, #tpu.memory_space<vmem>>, %arg2: memref<2048x32xf32, #tpu.memory_space<vmem>>, %arg3: memref<2048x1xf32, #tpu.memory_space<vmem>>, %arg4: memref<2048x1xf32, #tpu.memory_space<vmem>>, %arg5: memref<2048x1xf32, #tpu.memory_space<vmem>>, %arg6: memref<2048x32xf32, #tpu.memory_space<vmem>>, %arg7: memref<27x32x32xf32, #tpu.memory_space<vmem>>, %arg8: memref<15x1x32xf32, #tpu.memory_space<vmem>>, %arg9: memref<2048x32xf32, #tpu.memory_space<vmem>>, %arg10: memref<2048x32xf32, #tpu.memory_space<vmem>>, %arg11: memref<2048x32xf32, #tpu.memory_space<vmem>>) attributes {dimension_semantics = [#tpu.dimension_semantics<arbitrary>], iteration_bounds = array<i64: 8>, scalar_prefetch = 0 : i64, scratch_operands = 0 : i64, tpu.core_type = #tpu.core_type<tc>, window_params = [{transform_indices = @transform_0, window_bounds = array<i64: 2048, 32>}, {transform_indices = @transform_1, window_bounds = array<i64: 2048, 32>}, {transform_indices = @transform_2, window_bounds = array<i64: 2048, 1>}, {transform_indices = @transform_3, window_bounds = array<i64: 2048, 1>}, {transform_indices = @transform_4, window_bounds = array<i64: 2048, 1>}, {transform_indices = @transform_5, window_bounds = array<i64: 2048, 32>}, {pipeline_mode = #tpu.pipeline_mode<synchronous>, transform_indices = @transform_6, window_bounds = array<i64: 27, 32, 32>}, {pipeline_mode = #tpu.pipeline_mode<synchronous>, transform_indices = @transform_7, window_bounds = array<i64: 15, 1, 32>}, {transform_indices = @transform_8, window_bounds = array<i64: 2048, 32>}, {transform_indices = @transform_9, window_bounds = array<i64: 2048, 32>}, {transform_indices = @transform_10, window_bounds = array<i64: 2048, 32>}]} {
    %get3A = arith.constant 0 : index
    %get3A_0 = arith.constant 0 : index
    %get3A_1 = vector.load %arg1[%get3A, %get3A_0] : memref<2048x32xf32, #tpu.memory_space<vmem>>, vector<2048x32xf32>
    %get3A_2 = arith.constant 0 : index
    %get3A_3 = arith.constant 0 : index
    %get3A_4 = vector.load %arg2[%get3A_2, %get3A_3] : memref<2048x32xf32, #tpu.memory_space<vmem>>, vector<2048x32xf32>
    %get3A_5 = arith.constant 0 : index
    %get3A_6 = arith.constant 0 : index
    %get3A_7 = vector.load %arg6[%get3A_5, %get3A_6] : memref<2048x32xf32, #tpu.memory_space<vmem>>, vector<2048x32xf32>
    %get3A_8 = arith.constant 0 : index
    %get3A_9 = arith.constant 0 : index
    %get3A_10 = vector.load %arg5[%get3A_8, %get3A_9] : memref<2048x1xf32, #tpu.memory_space<vmem>>, vector<2048x1xf32>
    %get3A_11 = arith.constant 0 : index
    %get3A_12 = arith.constant 0 : index
    %get3A_13 = vector.load %arg3[%get3A_11, %get3A_12] : memref<2048x1xf32, #tpu.memory_space<vmem>>, vector<2048x1xf32>
    %get3A_14 = arith.constant 0 : index
    %get3A_15 = arith.constant 0 : index
    %get3A_16 = vector.load %arg4[%get3A_14, %get3A_15] : memref<2048x1xf32, #tpu.memory_space<vmem>>, vector<2048x1xf32>
    %get3A_17 = arith.constant 14 : index
    %get3A_18 = arith.constant 0 : index
    %get3A_19 = arith.constant 0 : index
    %get3A_20 = vector.load %arg8[%get3A_17, %get3A_18, %get3A_19] : memref<15x1x32xf32, #tpu.memory_space<vmem>>, vector<1x1x32xf32>
    %get3A_21 = vector.shape_cast %get3A_20 : vector<1x1x32xf32> to vector<1x32xf32>
    %sub3A = arith.subf %get3A_10, %get3A_13 : vector<2048x1xf32>
    %mul3A = vector.broadcast %sub3A : vector<2048x1xf32> to vector<2048x32xf32>
    %mul3A_22 = vector.broadcast %get3A_21 : vector<1x32xf32> to vector<2048x32xf32>
    %mul3A_23 = arith.mulf %mul3A, %mul3A_22 : vector<2048x32xf32>
    %add3A = arith.constant 1.000000e+00 : f32
    %add3A_24 = vector.broadcast %add3A : f32 to vector<2048x32xf32>
    %add3A_25 = arith.addf %add3A_24, %mul3A_23 : vector<2048x32xf32>
    %mul3A_26 = arith.mulf %get3A_1, %add3A_25 : vector<2048x32xf32>
    %sub3A_27 = arith.subf %get3A_10, %get3A_16 : vector<2048x1xf32>
    %mul3A_28 = vector.broadcast %sub3A_27 : vector<2048x1xf32> to vector<2048x32xf32>
    %mul3A_29 = vector.broadcast %get3A_21 : vector<1x32xf32> to vector<2048x32xf32>
    %mul3A_30 = arith.mulf %mul3A_28, %mul3A_29 : vector<2048x32xf32>
    %add3A_31 = arith.constant 1.000000e+00 : f32
    %add3A_32 = vector.broadcast %add3A_31 : f32 to vector<2048x32xf32>
    %add3A_33 = arith.addf %add3A_32, %mul3A_30 : vector<2048x32xf32>
    %mul3A_34 = arith.mulf %get3A_4, %add3A_33 : vector<2048x32xf32>
    %get3A_35 = arith.constant 0 : index
    %get3A_36 = arith.constant 0 : index
    %get3A_37 = arith.constant 0 : index
    %get3A_38 = vector.load %arg7[%get3A_35, %get3A_36, %get3A_37] : memref<27x32x32xf32, #tpu.memory_space<vmem>>, vector<1x32x32xf32>
    %get3A_39 = vector.shape_cast %get3A_38 : vector<1x32x32xf32> to vector<32x32xf32>
    %dot_general3A = arith.constant dense<0.000000e+00> : vector<2048x32xf32>
    %dot_general3A_40 = tpu.matmul %mul3A_26, %get3A_39, %dot_general3A {dimension_numbers = #tpu.dot_dimension_numbers<[1], [0], [0], [1], [0, 0, 1, 1], [], []>, transpose_lhs_hint = false} : vector<2048x32xf32>, vector<32x32xf32>, vector<2048x32xf32> -> vector<2048x32xf32>
    %get3A_41 = arith.constant 1 : index
    %get3A_42 = arith.constant 0 : index
    %get3A_43 = arith.constant 0 : index
    %get3A_44 = vector.load %arg7[%get3A_41, %get3A_42, %get3A_43] : memref<27x32x32xf32, #tpu.memory_space<vmem>>, vector<1x32x32xf32>
    %get3A_45 = vector.shape_cast %get3A_44 : vector<1x32x32xf32> to vector<32x32xf32>
    %dot_general3A_46 = arith.constant dense<0.000000e+00> : vector<2048x32xf32>
    %dot_general3A_47 = tpu.matmul %mul3A_34, %get3A_45, %dot_general3A_46 {dimension_numbers = #tpu.dot_dimension_numbers<[1], [0], [0], [1], [0, 0, 1, 1], [], []>, transpose_lhs_hint = false} : vector<2048x32xf32>, vector<32x32xf32>, vector<2048x32xf32> -> vector<2048x32xf32>
    %add3A_48 = arith.addf %dot_general3A_40, %dot_general3A_47 : vector<2048x32xf32>
    %get3A_49 = arith.constant 2 : index
    %get3A_50 = arith.constant 0 : index
    %get3A_51 = arith.constant 0 : index
    %get3A_52 = vector.load %arg7[%get3A_49, %get3A_50, %get3A_51] : memref<27x32x32xf32, #tpu.memory_space<vmem>>, vector<1x32x32xf32>
    %get3A_53 = vector.shape_cast %get3A_52 : vector<1x32x32xf32> to vector<32x32xf32>
    %dot_general3A_54 = arith.constant dense<0.000000e+00> : vector<2048x32xf32>
    %dot_general3A_55 = tpu.matmul %get3A_7, %get3A_53, %dot_general3A_54 {dimension_numbers = #tpu.dot_dimension_numbers<[1], [0], [0], [1], [0, 0, 1, 1], [], []>, transpose_lhs_hint = false} : vector<2048x32xf32>, vector<32x32xf32>, vector<2048x32xf32> -> vector<2048x32xf32>
    %add3A_56 = arith.addf %add3A_48, %dot_general3A_55 : vector<2048x32xf32>
    %get3A_57 = arith.constant 0 : index
    %get3A_58 = arith.constant 0 : index
    %get3A_59 = arith.constant 0 : index
    %get3A_60 = vector.load %arg8[%get3A_57, %get3A_58, %get3A_59] : memref<15x1x32xf32, #tpu.memory_space<vmem>>, vector<1x1x32xf32>
    %get3A_61 = vector.shape_cast %get3A_60 : vector<1x1x32xf32> to vector<1x32xf32>
    %add3A_62 = vector.broadcast %get3A_61 : vector<1x32xf32> to vector<2048x32xf32>
    %add3A_63 = arith.addf %add3A_56, %add3A_62 : vector<2048x32xf32>
    %get3A_64 = arith.constant 3 : index
    %get3A_65 = arith.constant 0 : index
    %get3A_66 = arith.constant 0 : index
    %get3A_67 = vector.load %arg7[%get3A_64, %get3A_65, %get3A_66] : memref<27x32x32xf32, #tpu.memory_space<vmem>>, vector<1x32x32xf32>
    %get3A_68 = vector.shape_cast %get3A_67 : vector<1x32x32xf32> to vector<32x32xf32>
    %dot_general3A_69 = arith.constant dense<0.000000e+00> : vector<2048x32xf32>
    %dot_general3A_70 = tpu.matmul %mul3A_26, %get3A_68, %dot_general3A_69 {dimension_numbers = #tpu.dot_dimension_numbers<[1], [0], [0], [1], [0, 0, 1, 1], [], []>, transpose_lhs_hint = false} : vector<2048x32xf32>, vector<32x32xf32>, vector<2048x32xf32> -> vector<2048x32xf32>
    %get3A_71 = arith.constant 4 : index
    %get3A_72 = arith.constant 0 : index
    %get3A_73 = arith.constant 0 : index
    %get3A_74 = vector.load %arg7[%get3A_71, %get3A_72, %get3A_73] : memref<27x32x32xf32, #tpu.memory_space<vmem>>, vector<1x32x32xf32>
    %get3A_75 = vector.shape_cast %get3A_74 : vector<1x32x32xf32> to vector<32x32xf32>
    %dot_general3A_76 = arith.constant dense<0.000000e+00> : vector<2048x32xf32>
    %dot_general3A_77 = tpu.matmul %mul3A_34, %get3A_75, %dot_general3A_76 {dimension_numbers = #tpu.dot_dimension_numbers<[1], [0], [0], [1], [0, 0, 1, 1], [], []>, transpose_lhs_hint = false} : vector<2048x32xf32>, vector<32x32xf32>, vector<2048x32xf32> -> vector<2048x32xf32>
    %add3A_78 = arith.addf %dot_general3A_70, %dot_general3A_77 : vector<2048x32xf32>
    %get3A_79 = arith.constant 5 : index
    %get3A_80 = arith.constant 0 : index
    %get3A_81 = arith.constant 0 : index
    %get3A_82 = vector.load %arg7[%get3A_79, %get3A_80, %get3A_81] : memref<27x32x32xf32, #tpu.memory_space<vmem>>, vector<1x32x32xf32>
    %get3A_83 = vector.shape_cast %get3A_82 : vector<1x32x32xf32> to vector<32x32xf32>
    %dot_general3A_84 = arith.constant dense<0.000000e+00> : vector<2048x32xf32>
    %dot_general3A_85 = tpu.matmul %get3A_7, %get3A_83, %dot_general3A_84 {dimension_numbers = #tpu.dot_dimension_numbers<[1], [0], [0], [1], [0, 0, 1, 1], [], []>, transpose_lhs_hint = false} : vector<2048x32xf32>, vector<32x32xf32>, vector<2048x32xf32> -> vector<2048x32xf32>
    %add3A_86 = arith.addf %add3A_78, %dot_general3A_85 : vector<2048x32xf32>
    %get3A_87 = arith.constant 1 : index
    %get3A_88 = arith.constant 0 : index
    %get3A_89 = arith.constant 0 : index
    %get3A_90 = vector.load %arg8[%get3A_87, %get3A_88, %get3A_89] : memref<15x1x32xf32, #tpu.memory_space<vmem>>, vector<1x1x32xf32>
    %get3A_91 = vector.shape_cast %get3A_90 : vector<1x1x32xf32> to vector<1x32xf32>
    %add3A_92 = vector.broadcast %get3A_91 : vector<1x32xf32> to vector<2048x32xf32>
    %add3A_93 = arith.addf %add3A_86, %add3A_92 : vector<2048x32xf32>
    %get3A_94 = arith.constant 6 : index
    %get3A_95 = arith.constant 0 : index
    %get3A_96 = arith.constant 0 : index
    %get3A_97 = vector.load %arg7[%get3A_94, %get3A_95, %get3A_96] : memref<27x32x32xf32, #tpu.memory_space<vmem>>, vector<1x32x32xf32>
    %get3A_98 = vector.shape_cast %get3A_97 : vector<1x32x32xf32> to vector<32x32xf32>
    %dot_general3A_99 = arith.constant dense<0.000000e+00> : vector<2048x32xf32>
    %dot_general3A_100 = tpu.matmul %mul3A_26, %get3A_98, %dot_general3A_99 {dimension_numbers = #tpu.dot_dimension_numbers<[1], [0], [0], [1], [0, 0, 1, 1], [], []>, transpose_lhs_hint = false} : vector<2048x32xf32>, vector<32x32xf32>, vector<2048x32xf32> -> vector<2048x32xf32>
    %get3A_101 = arith.constant 7 : index
    %get3A_102 = arith.constant 0 : index
    %get3A_103 = arith.constant 0 : index
    %get3A_104 = vector.load %arg7[%get3A_101, %get3A_102, %get3A_103] : memref<27x32x32xf32, #tpu.memory_space<vmem>>, vector<1x32x32xf32>
    %get3A_105 = vector.shape_cast %get3A_104 : vector<1x32x32xf32> to vector<32x32xf32>
    %dot_general3A_106 = arith.constant dense<0.000000e+00> : vector<2048x32xf32>
    %dot_general3A_107 = tpu.matmul %mul3A_34, %get3A_105, %dot_general3A_106 {dimension_numbers = #tpu.dot_dimension_numbers<[1], [0], [0], [1], [0, 0, 1, 1], [], []>, transpose_lhs_hint = false} : vector<2048x32xf32>, vector<32x32xf32>, vector<2048x32xf32> -> vector<2048x32xf32>
    %add3A_108 = arith.addf %dot_general3A_100, %dot_general3A_107 : vector<2048x32xf32>
    %get3A_109 = arith.constant 8 : index
    %get3A_110 = arith.constant 0 : index
    %get3A_111 = arith.constant 0 : index
    %get3A_112 = vector.load %arg7[%get3A_109, %get3A_110, %get3A_111] : memref<27x32x32xf32, #tpu.memory_space<vmem>>, vector<1x32x32xf32>
    %get3A_113 = vector.shape_cast %get3A_112 : vector<1x32x32xf32> to vector<32x32xf32>
    %dot_general3A_114 = arith.constant dense<0.000000e+00> : vector<2048x32xf32>
    %dot_general3A_115 = tpu.matmul %get3A_7, %get3A_113, %dot_general3A_114 {dimension_numbers = #tpu.dot_dimension_numbers<[1], [0], [0], [1], [0, 0, 1, 1], [], []>, transpose_lhs_hint = false} : vector<2048x32xf32>, vector<32x32xf32>, vector<2048x32xf32> -> vector<2048x32xf32>
    %add3A_116 = arith.addf %add3A_108, %dot_general3A_115 : vector<2048x32xf32>
    %get3A_117 = arith.constant 2 : index
    %get3A_118 = arith.constant 0 : index
    %get3A_119 = arith.constant 0 : index
    %get3A_120 = vector.load %arg8[%get3A_117, %get3A_118, %get3A_119] : memref<15x1x32xf32, #tpu.memory_space<vmem>>, vector<1x1x32xf32>
    %get3A_121 = vector.shape_cast %get3A_120 : vector<1x1x32xf32> to vector<1x32xf32>
    %add3A_122 = vector.broadcast %get3A_121 : vector<1x32xf32> to vector<2048x32xf32>
    %add3A_123 = arith.addf %add3A_116, %add3A_122 : vector<2048x32xf32>
    %get3A_124 = arith.constant 18 : index
    %get3A_125 = arith.constant 0 : index
    %get3A_126 = arith.constant 0 : index
    %get3A_127 = vector.load %arg7[%get3A_124, %get3A_125, %get3A_126] : memref<27x32x32xf32, #tpu.memory_space<vmem>>, vector<1x32x32xf32>
    %get3A_128 = vector.shape_cast %get3A_127 : vector<1x32x32xf32> to vector<32x32xf32>
    %dot_general3A_129 = arith.constant dense<0.000000e+00> : vector<2048x32xf32>
    %dot_general3A_130 = tpu.matmul %get3A_1, %get3A_128, %dot_general3A_129 {dimension_numbers = #tpu.dot_dimension_numbers<[1], [0], [0], [1], [0, 0, 1, 1], [], []>, transpose_lhs_hint = false} : vector<2048x32xf32>, vector<32x32xf32>, vector<2048x32xf32> -> vector<2048x32xf32>
    %get3A_131 = arith.constant 3 : index
    %get3A_132 = arith.constant 0 : index
    %get3A_133 = arith.constant 0 : index
    %get3A_134 = vector.load %arg8[%get3A_131, %get3A_132, %get3A_133] : memref<15x1x32xf32, #tpu.memory_space<vmem>>, vector<1x1x32xf32>
    %get3A_135 = vector.shape_cast %get3A_134 : vector<1x1x32xf32> to vector<1x32xf32>
    %add3A_136 = vector.broadcast %get3A_135 : vector<1x32xf32> to vector<2048x32xf32>
    %add3A_137 = arith.addf %dot_general3A_130, %add3A_136 : vector<2048x32xf32>
    %get3A_138 = arith.constant 19 : index
    %get3A_139 = arith.constant 0 : index
    %get3A_140 = arith.constant 0 : index
    %get3A_141 = vector.load %arg7[%get3A_138, %get3A_139, %get3A_140] : memref<27x32x32xf32, #tpu.memory_space<vmem>>, vector<1x32x32xf32>
    %get3A_142 = vector.shape_cast %get3A_141 : vector<1x32x32xf32> to vector<32x32xf32>
    %dot_general3A_143 = arith.constant dense<0.000000e+00> : vector<2048x32xf32>
    %dot_general3A_144 = tpu.matmul %get3A_1, %get3A_142, %dot_general3A_143 {dimension_numbers = #tpu.dot_dimension_numbers<[1], [0], [0], [1], [0, 0, 1, 1], [], []>, transpose_lhs_hint = false} : vector<2048x32xf32>, vector<32x32xf32>, vector<2048x32xf32> -> vector<2048x32xf32>
    %get3A_145 = arith.constant 4 : index
    %get3A_146 = arith.constant 0 : index
    %get3A_147 = arith.constant 0 : index
    %get3A_148 = vector.load %arg8[%get3A_145, %get3A_146, %get3A_147] : memref<15x1x32xf32, #tpu.memory_space<vmem>>, vector<1x1x32xf32>
    %get3A_149 = vector.shape_cast %get3A_148 : vector<1x1x32xf32> to vector<1x32xf32>
    %add3A_150 = vector.broadcast %get3A_149 : vector<1x32xf32> to vector<2048x32xf32>
    %add3A_151 = arith.addf %dot_general3A_144, %add3A_150 : vector<2048x32xf32>
    %get3A_152 = arith.constant 20 : index
    %get3A_153 = arith.constant 0 : index
    %get3A_154 = arith.constant 0 : index
    %get3A_155 = vector.load %arg7[%get3A_152, %get3A_153, %get3A_154] : memref<27x32x32xf32, #tpu.memory_space<vmem>>, vector<1x32x32xf32>
    %get3A_156 = vector.shape_cast %get3A_155 : vector<1x32x32xf32> to vector<32x32xf32>
    %dot_general3A_157 = arith.constant dense<0.000000e+00> : vector<2048x32xf32>
    %dot_general3A_158 = tpu.matmul %get3A_1, %get3A_156, %dot_general3A_157 {dimension_numbers = #tpu.dot_dimension_numbers<[1], [0], [0], [1], [0, 0, 1, 1], [], []>, transpose_lhs_hint = false} : vector<2048x32xf32>, vector<32x32xf32>, vector<2048x32xf32> -> vector<2048x32xf32>
    %get3A_159 = arith.constant 5 : index
    %get3A_160 = arith.constant 0 : index
    %get3A_161 = arith.constant 0 : index
    %get3A_162 = vector.load %arg8[%get3A_159, %get3A_160, %get3A_161] : memref<15x1x32xf32, #tpu.memory_space<vmem>>, vector<1x1x32xf32>
    %get3A_163 = vector.shape_cast %get3A_162 : vector<1x1x32xf32> to vector<1x32xf32>
    %add3A_164 = vector.broadcast %get3A_163 : vector<1x32xf32> to vector<2048x32xf32>
    %add3A_165 = arith.addf %dot_general3A_158, %add3A_164 : vector<2048x32xf32>
    %add3A_166 = arith.addf %add3A_63, %add3A_137 : vector<2048x32xf32>
    %logistic3A = arith.negf %add3A_166 : vector<2048x32xf32>
    %logistic3A_167 = math.exp %logistic3A : vector<2048x32xf32>
    %logistic3A_168 = arith.constant 1.000000e+00 : f32
    %logistic3A_169 = vector.broadcast %logistic3A_168 : f32 to vector<2048x32xf32>
    %logistic3A_170 = arith.addf %logistic3A_169, %logistic3A_167 : vector<2048x32xf32>
    %logistic3A_171 = arith.divf %logistic3A_169, %logistic3A_170 : vector<2048x32xf32>
    %add3A_172 = arith.addf %add3A_93, %add3A_151 : vector<2048x32xf32>
    %logistic3A_173 = arith.negf %add3A_172 : vector<2048x32xf32>
    %logistic3A_174 = math.exp %logistic3A_173 : vector<2048x32xf32>
    %logistic3A_175 = arith.constant 1.000000e+00 : f32
    %logistic3A_176 = vector.broadcast %logistic3A_175 : f32 to vector<2048x32xf32>
    %logistic3A_177 = arith.addf %logistic3A_176, %logistic3A_174 : vector<2048x32xf32>
    %logistic3A_178 = arith.divf %logistic3A_176, %logistic3A_177 : vector<2048x32xf32>
    %mul3A_179 = arith.mulf %logistic3A_171, %add3A_165 : vector<2048x32xf32>
    %add3A_180 = arith.addf %add3A_123, %mul3A_179 : vector<2048x32xf32>
    %tanh3A = math.tanh %add3A_180 : vector<2048x32xf32>
    %sub3A_181 = arith.constant 1.000000e+00 : f32
    %sub3A_182 = vector.broadcast %sub3A_181 : f32 to vector<2048x32xf32>
    %sub3A_183 = arith.subf %sub3A_182, %logistic3A_178 : vector<2048x32xf32>
    %mul3A_184 = arith.mulf %sub3A_183, %tanh3A : vector<2048x32xf32>
    %mul3A_185 = arith.mulf %logistic3A_178, %get3A_1 : vector<2048x32xf32>
    %add3A_186 = arith.addf %mul3A_184, %mul3A_185 : vector<2048x32xf32>
    %get3A_187 = arith.constant 9 : index
    %get3A_188 = arith.constant 0 : index
    %get3A_189 = arith.constant 0 : index
    %get3A_190 = vector.load %arg7[%get3A_187, %get3A_188, %get3A_189] : memref<27x32x32xf32, #tpu.memory_space<vmem>>, vector<1x32x32xf32>
    %get3A_191 = vector.shape_cast %get3A_190 : vector<1x32x32xf32> to vector<32x32xf32>
    %dot_general3A_192 = arith.constant dense<0.000000e+00> : vector<2048x32xf32>
    %dot_general3A_193 = tpu.matmul %mul3A_34, %get3A_191, %dot_general3A_192 {dimension_numbers = #tpu.dot_dimension_numbers<[1], [0], [0], [1], [0, 0, 1, 1], [], []>, transpose_lhs_hint = false} : vector<2048x32xf32>, vector<32x32xf32>, vector<2048x32xf32> -> vector<2048x32xf32>
    %get3A_194 = arith.constant 10 : index
    %get3A_195 = arith.constant 0 : index
    %get3A_196 = arith.constant 0 : index
    %get3A_197 = vector.load %arg7[%get3A_194, %get3A_195, %get3A_196] : memref<27x32x32xf32, #tpu.memory_space<vmem>>, vector<1x32x32xf32>
    %get3A_198 = vector.shape_cast %get3A_197 : vector<1x32x32xf32> to vector<32x32xf32>
    %dot_general3A_199 = arith.constant dense<0.000000e+00> : vector<2048x32xf32>
    %dot_general3A_200 = tpu.matmul %mul3A_26, %get3A_198, %dot_general3A_199 {dimension_numbers = #tpu.dot_dimension_numbers<[1], [0], [0], [1], [0, 0, 1, 1], [], []>, transpose_lhs_hint = false} : vector<2048x32xf32>, vector<32x32xf32>, vector<2048x32xf32> -> vector<2048x32xf32>
    %add3A_201 = arith.addf %dot_general3A_193, %dot_general3A_200 : vector<2048x32xf32>
    %get3A_202 = arith.constant 11 : index
    %get3A_203 = arith.constant 0 : index
    %get3A_204 = arith.constant 0 : index
    %get3A_205 = vector.load %arg7[%get3A_202, %get3A_203, %get3A_204] : memref<27x32x32xf32, #tpu.memory_space<vmem>>, vector<1x32x32xf32>
    %get3A_206 = vector.shape_cast %get3A_205 : vector<1x32x32xf32> to vector<32x32xf32>
    %dot_general3A_207 = arith.constant dense<0.000000e+00> : vector<2048x32xf32>
    %dot_general3A_208 = tpu.matmul %get3A_7, %get3A_206, %dot_general3A_207 {dimension_numbers = #tpu.dot_dimension_numbers<[1], [0], [0], [1], [0, 0, 1, 1], [], []>, transpose_lhs_hint = false} : vector<2048x32xf32>, vector<32x32xf32>, vector<2048x32xf32> -> vector<2048x32xf32>
    %add3A_209 = arith.addf %add3A_201, %dot_general3A_208 : vector<2048x32xf32>
    %get3A_210 = arith.constant 6 : index
    %get3A_211 = arith.constant 0 : index
    %get3A_212 = arith.constant 0 : index
    %get3A_213 = vector.load %arg8[%get3A_210, %get3A_211, %get3A_212] : memref<15x1x32xf32, #tpu.memory_space<vmem>>, vector<1x1x32xf32>
    %get3A_214 = vector.shape_cast %get3A_213 : vector<1x1x32xf32> to vector<1x32xf32>
    %add3A_215 = vector.broadcast %get3A_214 : vector<1x32xf32> to vector<2048x32xf32>
    %add3A_216 = arith.addf %add3A_209, %add3A_215 : vector<2048x32xf32>
    %get3A_217 = arith.constant 12 : index
    %get3A_218 = arith.constant 0 : index
    %get3A_219 = arith.constant 0 : index
    %get3A_220 = vector.load %arg7[%get3A_217, %get3A_218, %get3A_219] : memref<27x32x32xf32, #tpu.memory_space<vmem>>, vector<1x32x32xf32>
    %get3A_221 = vector.shape_cast %get3A_220 : vector<1x32x32xf32> to vector<32x32xf32>
    %dot_general3A_222 = arith.constant dense<0.000000e+00> : vector<2048x32xf32>
    %dot_general3A_223 = tpu.matmul %mul3A_34, %get3A_221, %dot_general3A_222 {dimension_numbers = #tpu.dot_dimension_numbers<[1], [0], [0], [1], [0, 0, 1, 1], [], []>, transpose_lhs_hint = false} : vector<2048x32xf32>, vector<32x32xf32>, vector<2048x32xf32> -> vector<2048x32xf32>
    %get3A_224 = arith.constant 13 : index
    %get3A_225 = arith.constant 0 : index
    %get3A_226 = arith.constant 0 : index
    %get3A_227 = vector.load %arg7[%get3A_224, %get3A_225, %get3A_226] : memref<27x32x32xf32, #tpu.memory_space<vmem>>, vector<1x32x32xf32>
    %get3A_228 = vector.shape_cast %get3A_227 : vector<1x32x32xf32> to vector<32x32xf32>
    %dot_general3A_229 = arith.constant dense<0.000000e+00> : vector<2048x32xf32>
    %dot_general3A_230 = tpu.matmul %mul3A_26, %get3A_228, %dot_general3A_229 {dimension_numbers = #tpu.dot_dimension_numbers<[1], [0], [0], [1], [0, 0, 1, 1], [], []>, transpose_lhs_hint = false} : vector<2048x32xf32>, vector<32x32xf32>, vector<2048x32xf32> -> vector<2048x32xf32>
    %add3A_231 = arith.addf %dot_general3A_223, %dot_general3A_230 : vector<2048x32xf32>
    %get3A_232 = arith.constant 14 : index
    %get3A_233 = arith.constant 0 : index
    %get3A_234 = arith.constant 0 : index
    %get3A_235 = vector.load %arg7[%get3A_232, %get3A_233, %get3A_234] : memref<27x32x32xf32, #tpu.memory_space<vmem>>, vector<1x32x32xf32>
    %get3A_236 = vector.shape_cast %get3A_235 : vector<1x32x32xf32> to vector<32x32xf32>
    %dot_general3A_237 = arith.constant dense<0.000000e+00> : vector<2048x32xf32>
    %dot_general3A_238 = tpu.matmul %get3A_7, %get3A_236, %dot_general3A_237 {dimension_numbers = #tpu.dot_dimension_numbers<[1], [0], [0], [1], [0, 0, 1, 1], [], []>, transpose_lhs_hint = false} : vector<2048x32xf32>, vector<32x32xf32>, vector<2048x32xf32> -> vector<2048x32xf32>
    %add3A_239 = arith.addf %add3A_231, %dot_general3A_238 : vector<2048x32xf32>
    %get3A_240 = arith.constant 7 : index
    %get3A_241 = arith.constant 0 : index
    %get3A_242 = arith.constant 0 : index
    %get3A_243 = vector.load %arg8[%get3A_240, %get3A_241, %get3A_242] : memref<15x1x32xf32, #tpu.memory_space<vmem>>, vector<1x1x32xf32>
    %get3A_244 = vector.shape_cast %get3A_243 : vector<1x1x32xf32> to vector<1x32xf32>
    %add3A_245 = vector.broadcast %get3A_244 : vector<1x32xf32> to vector<2048x32xf32>
    %add3A_246 = arith.addf %add3A_239, %add3A_245 : vector<2048x32xf32>
    %get3A_247 = arith.constant 15 : index
    %get3A_248 = arith.constant 0 : index
    %get3A_249 = arith.constant 0 : index
    %get3A_250 = vector.load %arg7[%get3A_247, %get3A_248, %get3A_249] : memref<27x32x32xf32, #tpu.memory_space<vmem>>, vector<1x32x32xf32>
    %get3A_251 = vector.shape_cast %get3A_250 : vector<1x32x32xf32> to vector<32x32xf32>
    %dot_general3A_252 = arith.constant dense<0.000000e+00> : vector<2048x32xf32>
    %dot_general3A_253 = tpu.matmul %mul3A_34, %get3A_251, %dot_general3A_252 {dimension_numbers = #tpu.dot_dimension_numbers<[1], [0], [0], [1], [0, 0, 1, 1], [], []>, transpose_lhs_hint = false} : vector<2048x32xf32>, vector<32x32xf32>, vector<2048x32xf32> -> vector<2048x32xf32>
    %get3A_254 = arith.constant 16 : index
    %get3A_255 = arith.constant 0 : index
    %get3A_256 = arith.constant 0 : index
    %get3A_257 = vector.load %arg7[%get3A_254, %get3A_255, %get3A_256] : memref<27x32x32xf32, #tpu.memory_space<vmem>>, vector<1x32x32xf32>
    %get3A_258 = vector.shape_cast %get3A_257 : vector<1x32x32xf32> to vector<32x32xf32>
    %dot_general3A_259 = arith.constant dense<0.000000e+00> : vector<2048x32xf32>
    %dot_general3A_260 = tpu.matmul %mul3A_26, %get3A_258, %dot_general3A_259 {dimension_numbers = #tpu.dot_dimension_numbers<[1], [0], [0], [1], [0, 0, 1, 1], [], []>, transpose_lhs_hint = false} : vector<2048x32xf32>, vector<32x32xf32>, vector<2048x32xf32> -> vector<2048x32xf32>
    %add3A_261 = arith.addf %dot_general3A_253, %dot_general3A_260 : vector<2048x32xf32>
    %get3A_262 = arith.constant 17 : index
    %get3A_263 = arith.constant 0 : index
    %get3A_264 = arith.constant 0 : index
    %get3A_265 = vector.load %arg7[%get3A_262, %get3A_263, %get3A_264] : memref<27x32x32xf32, #tpu.memory_space<vmem>>, vector<1x32x32xf32>
    %get3A_266 = vector.shape_cast %get3A_265 : vector<1x32x32xf32> to vector<32x32xf32>
    %dot_general3A_267 = arith.constant dense<0.000000e+00> : vector<2048x32xf32>
    %dot_general3A_268 = tpu.matmul %get3A_7, %get3A_266, %dot_general3A_267 {dimension_numbers = #tpu.dot_dimension_numbers<[1], [0], [0], [1], [0, 0, 1, 1], [], []>, transpose_lhs_hint = false} : vector<2048x32xf32>, vector<32x32xf32>, vector<2048x32xf32> -> vector<2048x32xf32>
    %add3A_269 = arith.addf %add3A_261, %dot_general3A_268 : vector<2048x32xf32>
    %get3A_270 = arith.constant 8 : index
    %get3A_271 = arith.constant 0 : index
    %get3A_272 = arith.constant 0 : index
    %get3A_273 = vector.load %arg8[%get3A_270, %get3A_271, %get3A_272] : memref<15x1x32xf32, #tpu.memory_space<vmem>>, vector<1x1x32xf32>
    %get3A_274 = vector.shape_cast %get3A_273 : vector<1x1x32xf32> to vector<1x32xf32>
    %add3A_275 = vector.broadcast %get3A_274 : vector<1x32xf32> to vector<2048x32xf32>
    %add3A_276 = arith.addf %add3A_269, %add3A_275 : vector<2048x32xf32>
    %get3A_277 = arith.constant 21 : index
    %get3A_278 = arith.constant 0 : index
    %get3A_279 = arith.constant 0 : index
    %get3A_280 = vector.load %arg7[%get3A_277, %get3A_278, %get3A_279] : memref<27x32x32xf32, #tpu.memory_space<vmem>>, vector<1x32x32xf32>
    %get3A_281 = vector.shape_cast %get3A_280 : vector<1x32x32xf32> to vector<32x32xf32>
    %dot_general3A_282 = arith.constant dense<0.000000e+00> : vector<2048x32xf32>
    %dot_general3A_283 = tpu.matmul %get3A_4, %get3A_281, %dot_general3A_282 {dimension_numbers = #tpu.dot_dimension_numbers<[1], [0], [0], [1], [0, 0, 1, 1], [], []>, transpose_lhs_hint = false} : vector<2048x32xf32>, vector<32x32xf32>, vector<2048x32xf32> -> vector<2048x32xf32>
    %get3A_284 = arith.constant 9 : index
    %get3A_285 = arith.constant 0 : index
    %get3A_286 = arith.constant 0 : index
    %get3A_287 = vector.load %arg8[%get3A_284, %get3A_285, %get3A_286] : memref<15x1x32xf32, #tpu.memory_space<vmem>>, vector<1x1x32xf32>
    %get3A_288 = vector.shape_cast %get3A_287 : vector<1x1x32xf32> to vector<1x32xf32>
    %add3A_289 = vector.broadcast %get3A_288 : vector<1x32xf32> to vector<2048x32xf32>
    %add3A_290 = arith.addf %dot_general3A_283, %add3A_289 : vector<2048x32xf32>
    %get3A_291 = arith.constant 22 : index
    %get3A_292 = arith.constant 0 : index
    %get3A_293 = arith.constant 0 : index
    %get3A_294 = vector.load %arg7[%get3A_291, %get3A_292, %get3A_293] : memref<27x32x32xf32, #tpu.memory_space<vmem>>, vector<1x32x32xf32>
    %get3A_295 = vector.shape_cast %get3A_294 : vector<1x32x32xf32> to vector<32x32xf32>
    %dot_general3A_296 = arith.constant dense<0.000000e+00> : vector<2048x32xf32>
    %dot_general3A_297 = tpu.matmul %get3A_4, %get3A_295, %dot_general3A_296 {dimension_numbers = #tpu.dot_dimension_numbers<[1], [0], [0], [1], [0, 0, 1, 1], [], []>, transpose_lhs_hint = false} : vector<2048x32xf32>, vector<32x32xf32>, vector<2048x32xf32> -> vector<2048x32xf32>
    %get3A_298 = arith.constant 10 : index
    %get3A_299 = arith.constant 0 : index
    %get3A_300 = arith.constant 0 : index
    %get3A_301 = vector.load %arg8[%get3A_298, %get3A_299, %get3A_300] : memref<15x1x32xf32, #tpu.memory_space<vmem>>, vector<1x1x32xf32>
    %get3A_302 = vector.shape_cast %get3A_301 : vector<1x1x32xf32> to vector<1x32xf32>
    %add3A_303 = vector.broadcast %get3A_302 : vector<1x32xf32> to vector<2048x32xf32>
    %add3A_304 = arith.addf %dot_general3A_297, %add3A_303 : vector<2048x32xf32>
    %get3A_305 = arith.constant 23 : index
    %get3A_306 = arith.constant 0 : index
    %get3A_307 = arith.constant 0 : index
    %get3A_308 = vector.load %arg7[%get3A_305, %get3A_306, %get3A_307] : memref<27x32x32xf32, #tpu.memory_space<vmem>>, vector<1x32x32xf32>
    %get3A_309 = vector.shape_cast %get3A_308 : vector<1x32x32xf32> to vector<32x32xf32>
    %dot_general3A_310 = arith.constant dense<0.000000e+00> : vector<2048x32xf32>
    %dot_general3A_311 = tpu.matmul %get3A_4, %get3A_309, %dot_general3A_310 {dimension_numbers = #tpu.dot_dimension_numbers<[1], [0], [0], [1], [0, 0, 1, 1], [], []>, transpose_lhs_hint = false} : vector<2048x32xf32>, vector<32x32xf32>, vector<2048x32xf32> -> vector<2048x32xf32>
    %get3A_312 = arith.constant 11 : index
    %get3A_313 = arith.constant 0 : index
    %get3A_314 = arith.constant 0 : index
    %get3A_315 = vector.load %arg8[%get3A_312, %get3A_313, %get3A_314] : memref<15x1x32xf32, #tpu.memory_space<vmem>>, vector<1x1x32xf32>
    %get3A_316 = vector.shape_cast %get3A_315 : vector<1x1x32xf32> to vector<1x32xf32>
    %add3A_317 = vector.broadcast %get3A_316 : vector<1x32xf32> to vector<2048x32xf32>
    %add3A_318 = arith.addf %dot_general3A_311, %add3A_317 : vector<2048x32xf32>
    %add3A_319 = arith.addf %add3A_216, %add3A_290 : vector<2048x32xf32>
    %logistic3A_320 = arith.negf %add3A_319 : vector<2048x32xf32>
    %logistic3A_321 = math.exp %logistic3A_320 : vector<2048x32xf32>
    %logistic3A_322 = arith.constant 1.000000e+00 : f32
    %logistic3A_323 = vector.broadcast %logistic3A_322 : f32 to vector<2048x32xf32>
    %logistic3A_324 = arith.addf %logistic3A_323, %logistic3A_321 : vector<2048x32xf32>
    %logistic3A_325 = arith.divf %logistic3A_323, %logistic3A_324 : vector<2048x32xf32>
    %add3A_326 = arith.addf %add3A_246, %add3A_304 : vector<2048x32xf32>
    %logistic3A_327 = arith.negf %add3A_326 : vector<2048x32xf32>
    %logistic3A_328 = math.exp %logistic3A_327 : vector<2048x32xf32>
    %logistic3A_329 = arith.constant 1.000000e+00 : f32
    %logistic3A_330 = vector.broadcast %logistic3A_329 : f32 to vector<2048x32xf32>
    %logistic3A_331 = arith.addf %logistic3A_330, %logistic3A_328 : vector<2048x32xf32>
    %logistic3A_332 = arith.divf %logistic3A_330, %logistic3A_331 : vector<2048x32xf32>
    %mul3A_333 = arith.mulf %logistic3A_325, %add3A_318 : vector<2048x32xf32>
    %add3A_334 = arith.addf %add3A_276, %mul3A_333 : vector<2048x32xf32>
    %tanh3A_335 = math.tanh %add3A_334 : vector<2048x32xf32>
    %sub3A_336 = arith.constant 1.000000e+00 : f32
    %sub3A_337 = vector.broadcast %sub3A_336 : f32 to vector<2048x32xf32>
    %sub3A_338 = arith.subf %sub3A_337, %logistic3A_332 : vector<2048x32xf32>
    %mul3A_339 = arith.mulf %sub3A_338, %tanh3A_335 : vector<2048x32xf32>
    %mul3A_340 = arith.mulf %logistic3A_332, %get3A_4 : vector<2048x32xf32>
    %add3A_341 = arith.addf %mul3A_339, %mul3A_340 : vector<2048x32xf32>
    %get3A_342 = arith.constant 24 : index
    %get3A_343 = arith.constant 0 : index
    %get3A_344 = arith.constant 0 : index
    %get3A_345 = vector.load %arg7[%get3A_342, %get3A_343, %get3A_344] : memref<27x32x32xf32, #tpu.memory_space<vmem>>, vector<1x32x32xf32>
    %get3A_346 = vector.shape_cast %get3A_345 : vector<1x32x32xf32> to vector<32x32xf32>
    %dot_general3A_347 = arith.constant dense<0.000000e+00> : vector<2048x32xf32>
    %dot_general3A_348 = tpu.matmul %get3A_1, %get3A_346, %dot_general3A_347 {dimension_numbers = #tpu.dot_dimension_numbers<[1], [0], [0], [1], [0, 0, 1, 1], [], []>, transpose_lhs_hint = false} : vector<2048x32xf32>, vector<32x32xf32>, vector<2048x32xf32> -> vector<2048x32xf32>
    %get3A_349 = arith.constant 25 : index
    %get3A_350 = arith.constant 0 : index
    %get3A_351 = arith.constant 0 : index
    %get3A_352 = vector.load %arg7[%get3A_349, %get3A_350, %get3A_351] : memref<27x32x32xf32, #tpu.memory_space<vmem>>, vector<1x32x32xf32>
    %get3A_353 = vector.shape_cast %get3A_352 : vector<1x32x32xf32> to vector<32x32xf32>
    %dot_general3A_354 = arith.constant dense<0.000000e+00> : vector<2048x32xf32>
    %dot_general3A_355 = tpu.matmul %add3A_186, %get3A_353, %dot_general3A_354 {dimension_numbers = #tpu.dot_dimension_numbers<[1], [0], [0], [1], [0, 0, 1, 1], [], []>, transpose_lhs_hint = false} : vector<2048x32xf32>, vector<32x32xf32>, vector<2048x32xf32> -> vector<2048x32xf32>
    %add3A_356 = arith.addf %dot_general3A_348, %dot_general3A_355 : vector<2048x32xf32>
    %get3A_357 = arith.constant 12 : index
    %get3A_358 = arith.constant 0 : index
    %get3A_359 = arith.constant 0 : index
    %get3A_360 = vector.load %arg8[%get3A_357, %get3A_358, %get3A_359] : memref<15x1x32xf32, #tpu.memory_space<vmem>>, vector<1x1x32xf32>
    %get3A_361 = vector.shape_cast %get3A_360 : vector<1x1x32xf32> to vector<1x32xf32>
    %add3A_362 = vector.broadcast %get3A_361 : vector<1x32xf32> to vector<2048x32xf32>
    %add3A_363 = arith.addf %add3A_356, %add3A_362 : vector<2048x32xf32>
    %logistic3A_364 = arith.negf %add3A_363 : vector<2048x32xf32>
    %logistic3A_365 = math.exp %logistic3A_364 : vector<2048x32xf32>
    %logistic3A_366 = arith.constant 1.000000e+00 : f32
    %logistic3A_367 = vector.broadcast %logistic3A_366 : f32 to vector<2048x32xf32>
    %logistic3A_368 = arith.addf %logistic3A_367, %logistic3A_365 : vector<2048x32xf32>
    %logistic3A_369 = arith.divf %logistic3A_367, %logistic3A_368 : vector<2048x32xf32>
    %mul3A_370 = arith.mulf %logistic3A_369, %add3A_186 : vector<2048x32xf32>
    %sub3A_371 = arith.constant 1.000000e+00 : f32
    %sub3A_372 = vector.broadcast %sub3A_371 : f32 to vector<2048x32xf32>
    %sub3A_373 = arith.subf %sub3A_372, %logistic3A_369 : vector<2048x32xf32>
    %mul3A_374 = arith.mulf %sub3A_373, %get3A_1 : vector<2048x32xf32>
    %add3A_375 = arith.addf %mul3A_370, %mul3A_374 : vector<2048x32xf32>
    %get3A_376 = arith.constant 24 : index
    %get3A_377 = arith.constant 0 : index
    %get3A_378 = arith.constant 0 : index
    %get3A_379 = vector.load %arg7[%get3A_376, %get3A_377, %get3A_378] : memref<27x32x32xf32, #tpu.memory_space<vmem>>, vector<1x32x32xf32>
    %get3A_380 = vector.shape_cast %get3A_379 : vector<1x32x32xf32> to vector<32x32xf32>
    %dot_general3A_381 = arith.constant dense<0.000000e+00> : vector<2048x32xf32>
    %dot_general3A_382 = tpu.matmul %get3A_4, %get3A_380, %dot_general3A_381 {dimension_numbers = #tpu.dot_dimension_numbers<[1], [0], [0], [1], [0, 0, 1, 1], [], []>, transpose_lhs_hint = false} : vector<2048x32xf32>, vector<32x32xf32>, vector<2048x32xf32> -> vector<2048x32xf32>
    %get3A_383 = arith.constant 25 : index
    %get3A_384 = arith.constant 0 : index
    %get3A_385 = arith.constant 0 : index
    %get3A_386 = vector.load %arg7[%get3A_383, %get3A_384, %get3A_385] : memref<27x32x32xf32, #tpu.memory_space<vmem>>, vector<1x32x32xf32>
    %get3A_387 = vector.shape_cast %get3A_386 : vector<1x32x32xf32> to vector<32x32xf32>
    %dot_general3A_388 = arith.constant dense<0.000000e+00> : vector<2048x32xf32>
    %dot_general3A_389 = tpu.matmul %add3A_341, %get3A_387, %dot_general3A_388 {dimension_numbers = #tpu.dot_dimension_numbers<[1], [0], [0], [1], [0, 0, 1, 1], [], []>, transpose_lhs_hint = false} : vector<2048x32xf32>, vector<32x32xf32>, vector<2048x32xf32> -> vector<2048x32xf32>
    %add3A_390 = arith.addf %dot_general3A_382, %dot_general3A_389 : vector<2048x32xf32>
    %get3A_391 = arith.constant 12 : index
    %get3A_392 = arith.constant 0 : index
    %get3A_393 = arith.constant 0 : index
    %get3A_394 = vector.load %arg8[%get3A_391, %get3A_392, %get3A_393] : memref<15x1x32xf32, #tpu.memory_space<vmem>>, vector<1x1x32xf32>
    %get3A_395 = vector.shape_cast %get3A_394 : vector<1x1x32xf32> to vector<1x32xf32>
    %add3A_396 = vector.broadcast %get3A_395 : vector<1x32xf32> to vector<2048x32xf32>
    %add3A_397 = arith.addf %add3A_390, %add3A_396 : vector<2048x32xf32>
    %logistic3A_398 = arith.negf %add3A_397 : vector<2048x32xf32>
    %logistic3A_399 = math.exp %logistic3A_398 : vector<2048x32xf32>
    %logistic3A_400 = arith.constant 1.000000e+00 : f32
    %logistic3A_401 = vector.broadcast %logistic3A_400 : f32 to vector<2048x32xf32>
    %logistic3A_402 = arith.addf %logistic3A_401, %logistic3A_399 : vector<2048x32xf32>
    %logistic3A_403 = arith.divf %logistic3A_401, %logistic3A_402 : vector<2048x32xf32>
    %mul3A_404 = arith.mulf %logistic3A_403, %add3A_341 : vector<2048x32xf32>
    %sub3A_405 = arith.constant 1.000000e+00 : f32
    %sub3A_406 = vector.broadcast %sub3A_405 : f32 to vector<2048x32xf32>
    %sub3A_407 = arith.subf %sub3A_406, %logistic3A_403 : vector<2048x32xf32>
    %mul3A_408 = arith.mulf %sub3A_407, %get3A_4 : vector<2048x32xf32>
    %add3A_409 = arith.addf %mul3A_404, %mul3A_408 : vector<2048x32xf32>
    %get3A_410 = arith.constant 26 : index
    %get3A_411 = arith.constant 0 : index
    %get3A_412 = arith.constant 0 : index
    %get3A_413 = vector.load %arg7[%get3A_410, %get3A_411, %get3A_412] : memref<27x32x32xf32, #tpu.memory_space<vmem>>, vector<1x32x32xf32>
    %get3A_414 = vector.shape_cast %get3A_413 : vector<1x32x32xf32> to vector<32x32xf32>
    %dot_general3A_415 = arith.constant dense<0.000000e+00> : vector<2048x32xf32>
    %dot_general3A_416 = tpu.matmul %add3A_375, %get3A_414, %dot_general3A_415 {dimension_numbers = #tpu.dot_dimension_numbers<[1], [0], [0], [1], [0, 0, 1, 1], [], []>, transpose_lhs_hint = false} : vector<2048x32xf32>, vector<32x32xf32>, vector<2048x32xf32> -> vector<2048x32xf32>
    %get3A_417 = arith.constant 13 : index
    %get3A_418 = arith.constant 0 : index
    %get3A_419 = arith.constant 0 : index
    %get3A_420 = vector.load %arg8[%get3A_417, %get3A_418, %get3A_419] : memref<15x1x32xf32, #tpu.memory_space<vmem>>, vector<1x1x32xf32>
    %get3A_421 = vector.shape_cast %get3A_420 : vector<1x1x32xf32> to vector<1x32xf32>
    %add3A_422 = vector.broadcast %get3A_421 : vector<1x32xf32> to vector<2048x32xf32>
    %add3A_423 = arith.addf %dot_general3A_416, %add3A_422 : vector<2048x32xf32>
    %swap3A = arith.constant 0 : index
    %swap3A_424 = arith.constant 0 : index
    %swap3A_425 = vector.load %arg9[%swap3A, %swap3A_424] : memref<2048x32xf32, #tpu.memory_space<vmem>>, vector<2048x32xf32>
    tpu.vector_store %arg9[%swap3A, %swap3A_424], %add3A_423 {strides = array<i32>} : memref<2048x32xf32, #tpu.memory_space<vmem>>, vector<2048x32xf32>,
    %swap3A_426 = arith.constant 0 : index
    %swap3A_427 = arith.constant 0 : index
    %swap3A_428 = vector.load %arg10[%swap3A_426, %swap3A_427] : memref<2048x32xf32, #tpu.memory_space<vmem>>, vector<2048x32xf32>
    tpu.vector_store %arg10[%swap3A_426, %swap3A_427], %add3A_375 {strides = array<i32>} : memref<2048x32xf32, #tpu.memory_space<vmem>>, vector<2048x32xf32>,
    %swap3A_429 = arith.constant 0 : index
    %swap3A_430 = arith.constant 0 : index
    %swap3A_431 = vector.load %arg11[%swap3A_429, %swap3A_430] : memref<2048x32xf32, #tpu.memory_space<vmem>>, vector<2048x32xf32>
    tpu.vector_store %arg11[%swap3A_429, %swap3A_430], %add3A_409 {strides = array<i32>} : memref<2048x32xf32, #tpu.memory_space<vmem>>, vector<2048x32xf32>,
    return
  }
  func.func @transform_0(%arg0: i32) -> (i32, i32) {
    %c0_i32 = arith.constant 0 : i32
    %c0_i32_0 = arith.constant 0 : i32
    return %arg0, %c0_i32 : i32, i32
  }
  func.func @transform_1(%arg0: i32) -> (i32, i32) {
    %add3A = arith.constant 8 : i32
    %add3A_0 = arith.addi %arg0, %add3A : i32
    %c0_i32 = arith.constant 0 : i32
    %c0_i32_1 = arith.constant 0 : i32
    return %add3A_0, %c0_i32 : i32, i32
  }
  func.func @transform_2(%arg0: i32) -> (i32, i32) {
    %c0_i32 = arith.constant 0 : i32
    %c0_i32_0 = arith.constant 0 : i32
    return %arg0, %c0_i32 : i32, i32
  }
  func.func @transform_3(%arg0: i32) -> (i32, i32) {
    %add3A = arith.constant 8 : i32
    %add3A_0 = arith.addi %arg0, %add3A : i32
    %c0_i32 = arith.constant 0 : i32
    %c0_i32_1 = arith.constant 0 : i32
    return %add3A_0, %c0_i32 : i32, i32
  }
  func.func @transform_4(%arg0: i32) -> (i32, i32) {
    %c0_i32 = arith.constant 0 : i32
    %c0_i32_0 = arith.constant 0 : i32
    return %arg0, %c0_i32 : i32, i32
  }
  func.func @transform_5(%arg0: i32) -> (i32, i32) {
    %c0_i32 = arith.constant 0 : i32
    %c0_i32_0 = arith.constant 0 : i32
    return %arg0, %c0_i32 : i32, i32
  }
  func.func @transform_6(%arg0: i32) -> (i32, i32, i32) {
    %c0_i32 = arith.constant 0 : i32
    %c0_i32_0 = arith.constant 0 : i32
    %c0_i32_1 = arith.constant 0 : i32
    %c0_i32_2 = arith.constant 0 : i32
    return %c0_i32, %c0_i32_0, %c0_i32_1 : i32, i32, i32
  }
  func.func @transform_7(%arg0: i32) -> (i32, i32, i32) {
    %c0_i32 = arith.constant 0 : i32
    %c0_i32_0 = arith.constant 0 : i32
    %c0_i32_1 = arith.constant 0 : i32
    %c0_i32_2 = arith.constant 0 : i32
    return %c0_i32, %c0_i32_0, %c0_i32_1 : i32, i32, i32
  }
  func.func @transform_8(%arg0: i32) -> (i32, i32) {
    %c0_i32 = arith.constant 0 : i32
    %c0_i32_0 = arith.constant 0 : i32
    return %arg0, %c0_i32 : i32, i32
  }
  func.func @transform_9(%arg0: i32) -> (i32, i32) {
    %c0_i32 = arith.constant 0 : i32
    %c0_i32_0 = arith.constant 0 : i32
    return %arg0, %c0_i32 : i32, i32
  }
  func.func @transform_10(%arg0: i32) -> (i32, i32) {
    %c0_i32 = arith.constant 0 : i32
    %c0_i32_0 = arith.constant 0 : i32
    return %arg0, %c0_i32 : i32, i32
  }
}

</mosaic_0001>

<sc_bundles>
// kernel: kernel.5.cloned.1.call-start
scs
__scs_entry_jumppad:
0x0: {  	(pc) =	sbr.rel $0x88, $3  }
0x1: {  	(tag) =	ssettag $0x0;
	lr =	simm.s32 $0x1  }
0x2: {  	[smem:$0x3F8E] =	sst lr;
	_ =	strace $0xD0000000  }
0x3: {  	_ = 	snop  }
0x4: {  	_ = 	snop  }
0x5: {  	_ = 	snop  }
0x6: {  	_ = 	snop  }
0x7: {  	_ = 	snop  }
__scs_overlays_trampoline_lowered:
0x8: {  	[smem:$0x3F9D] =	sst s0  }
0x9: {  	[smem:$0x3F9E] =	sst s1  }
0xa: {  	[smem:$0x3F9F] =	sst s2  }
0xb: {  	[smem:$0x3FA0] =	sst s3  }
0xc: {  	[smem:$0x3FA1] =	sst s4  }
0xd: {  	[smem:$0x3FA2] =	sst s5  }
0xe: {  	[smem:$0x3FA3] =	sst s6  }
0xf: {  	[smem:$0x3FA4] =	sst s7  }
0x10: {  	[smem:$0x3FA5] =	sst s8  }
0x11: {  	[smem:$0x3FA6] =	sst s9;
	s0 =	simm.s32 @!p0 $0x0  }
0x12: {  	s1 =	sld [smem:$0x3F8C];
	s0 =	simm.s32 @p0 $0x1  }
0x13: {  	[smem:$0x3FA7] =	sst s0;
	s0 =	simm.s32 @!p1 $0x0  }
0x14: {  	s2 =	sld [smem:$0x3F8B];
	s0 =	simm.s32 @p1 $0x1  }
0x15: {  	[smem:$0x3FA8] =	sst s0;
	s0 =	simm.s32 @!p2 $0x0  }
0x16: {  	s3 =	sld [smem:$0x3FDB];
	s0 =	simm.s32 @p2 $0x1  }
0x17: {  	s4 =	simm.s32 $0x1BF5;
	[smem:$0x3FAA] =	sst s0  }
0x18: {  	s0 =	sld [smem:$0x3F8D];
	_ =	swait.ge [sflag:s4], $0x0  }
0x19: {  	s7 =	sld [smem:$0x3F8E]  }
0x1a: {  	s8 =	sadd.s32 $0xFFFFE003, lr  }
0x1b: {  	s9 =	sadd.s32 $0xFFFFFEF7, lr;
	s5 =	simm.s32 $0xFFFFFFFF;
	p2 =	slt.u32 s8, $0xFFFFF086  }
0x1c: {  	p1 =	slt.u32 s9, $0xF7A;
	s5 =	simm.s32 @!p2 $0x0  }
0x1d: {  	s5 =	simm.s32 @p1 $0x1;
	p0 =	seq.s32 s7, s2  }
0x1e: {  	s7 =	smul.u32 @!p0 $0xF7A, s2;
	p2 =	seq.s32 @!p0 s5, $0x0  }
0x1f: {  	s9 =	smul.u32 $0xF7A, s1;
	s8 =	simm.s32 @!p0 $0x1BF5;
	p2 =	por !p2, p0  }
0x20: {  	[sflag:s8] =	ssyncset.s32 @!p0 $0xFFFFF086;
	s6 =	sadd.s32 @!p0 s3, s7;
	s7 =	simm.s32 @!p0 $0x108  }
0x21: {  	s3 =	sadd.s32 s3, s9;
	s6 =	sadd.s32 @!p0 $0x88, s6;
	s7 =	simm.s32 @p2 $0x1082  }
0x22: {  	[simem:s7], [sflag:s8] =	dma.local @!p0 [hbm:s6], $0xF7A  }
0x23: {  	s9 =	sor.u32 $0xD0000000, s2;
	s6 =	simm.s32 $0x108;
	_ =	swait.ge @!p0 [sflag:s8], $0x0  }
0x24: {  	s3 =	sadd.s32 $0x88, s3;
	s6 =	simm.s32 @!p1 $0x1082;
	[sflag:s4] =	ssyncset.s32 $0xFFFFF086  }
0x25: {  	[simem:s6], [sflag:s4] =	dma.local [hbm:s3], $0xF7A  }
0x26: {  	[smem:$0x3F8E] =	sst s1;
	(tag) =	ssettag s2;
	_ =	strace s9  }
0x27: {  	s1 =	sld [smem:$0x3F9E]  }
0x28: {  	s2 =	sld [smem:$0x3F9F]  }
0x29: {  	s4 =	sld [smem:$0x3FA1]  }
0x2a: {  	p0 =	seq.s32 s5, $0x0;
	s5 =	sld [smem:$0x3FA2]  }
0x2b: {  	s6 =	sld [smem:$0x3FA3]  }
0x2c: {  	s7 =	sld [smem:$0x3FA4]  }
0x2d: {  	s3 =	simm.s32 $0x108;
	s8 =	sld [smem:$0x3FA5]  }
0x2e: {  	s3 =	simm.s32 @!p0 $0x1082;
	s9 =	sld [smem:$0x3FA6]  }
0x2f: {  	lr =	sadd.s32 s0, s3;
	s0 =	sld [smem:$0x3F9D]  }
0x30: {  	s3 =	sld [smem:$0x3FA0]  }
0x31: {  	[smem:$0x3FA9] =	sst s10  }
0x32: {  	s10 =	sld [smem:$0x3FA7];
	_ =	sdelay $0x3  }
0x33: {  	p0 =	seq.s32 s10, $0x1;
	s10 =	sld [smem:$0x3FA9];
	_ =	sdelay $0x3  }
0x34: {  	[smem:$0x3FA9] =	sst s10  }
0x35: {  	s10 =	sld [smem:$0x3FA8];
	_ =	sdelay $0x3  }
0x36: {  	p1 =	seq.s32 s10, $0x1;
	s10 =	sld [smem:$0x3FA9];
	_ =	sdelay $0x3  }
0x37: {  	[smem:$0x3FA9] =	sst s10  }
0x38: {  	s10 =	sld [smem:$0x3FAA]  }
0x39: {  	_ = 	snop;
	(pc) =	sbr.ind lr, $3  }
0x3a: {  	_ = 	snop  }
0x3b: {  	_ = 	snop  }
0x3c: {  	p2 =	seq.s32 s10, $0x1;
	s10 =	sld [smem:$0x3FA9]  }
0x3d: {  	_ =	shalt  }
0x3e: {  	_ =	shalt  }
0x3f: {  	_ =	shalt  }
0x40: {  	_ =	shalt  }
0x41: {  	_ =	shalt  }
0x42: {  	_ =	shalt  }
0x43: {  	_ =	shalt  }
0x44: {  	_ =	shalt  }
0x45: {  	_ =	shalt  }
0x46: {  	_ =	shalt  }
0x47: {  	_ =	shalt  }
0x48: {  	_ =	shalt  }
0x49: {  	_ =	shalt  }
0x4a: {  	_ =	shalt  }
0x4b: {  	_ =	shalt  }
0x4c: {  	_ =	shalt  }
0x4d: {  	_ =	shalt  }
0x4e: {  	_ =	shalt  }
0x4f: {  	_ =	shalt  }
0x50: {  	_ =	shalt  }
0x51: {  	_ =	shalt  }
0x52: {  	_ =	shalt  }
0x53: {  	_ =	shalt  }
0x54: {  	_ =	shalt  }
0x55: {  	_ =	shalt  }
0x56: {  	_ =	shalt  }
0x57: {  	_ =	shalt  }
0x58: {  	_ =	shalt  }
0x59: {  	_ =	shalt  }
0x5a: {  	_ =	shalt  }
0x5b: {  	_ =	shalt  }
0x5c: {  	_ =	shalt  }
0x5d: {  	_ =	shalt  }
0x5e: {  	_ =	shalt  }
0x5f: {  	_ =	shalt  }
0x60: {  	_ =	shalt  }
0x61: {  	_ =	shalt  }
0x62: {  	_ =	shalt  }
0x63: {  	_ =	shalt  }
0x64: {  	_ =	shalt  }
0x65: {  	_ =	shalt  }
0x66: {  	_ =	shalt  }
0x67: {  	_ =	shalt  }
0x68: {  	_ =	shalt  }
0x69: {  	_ =	shalt  }
0x6a: {  	_ =	shalt  }
0x6b: {  	_ =	shalt  }
0x6c: {  	_ =	shalt  }
0x6d: {  	_ =	shalt  }
0x6e: {  	_ =	shalt  }
0x6f: {  	_ =	shalt  }
0x70: {  	_ =	shalt  }
0x71: {  	_ =	shalt  }
0x72: {  	_ =	shalt  }
0x73: {  	_ =	shalt  }
0x74: {  	_ =	shalt  }
0x75: {  	_ =	shalt  }
0x76: {  	_ =	shalt  }
0x77: {  	_ =	shalt  }
0x78: {  	_ =	shalt  }
0x79: {  	_ =	shalt  }
0x7a: {  	_ =	shalt  }
0x7b: {  	_ =	shalt  }
0x7c: {  	_ =	shalt  }
0x7d: {  	_ =	shalt  }
0x7e: {  	_ =	shalt  }
0x7f: {  	_ =	shalt  }
0x80: {  	_ =	shalt  }
0x81: {  	_ =	shalt  }
0x82: {  	_ =	shalt  }
0x83: {  	_ =	shalt  }
0x84: {  	_ =	shalt  }
0x85: {  	_ =	shalt  }
0x86: {  	_ =	shalt  }
0x87: {  	_ =	shalt  }
.Lfunc_end0:
.L_simem_size_0:
called_computation_lowered:
.L_overlay_start_0:
0x88: {  	s2 =	sld [smem:$0x3FD9]  }
0x89: {  	s3 =	sld [smem:$0x3FFE];
	_ =	sdelay $0x1  }
0x8a: {  	s1 =	srdreg.scid  }
0x8b: {  	s0 =	sand.u32 $0x1, s1  }
0x8c: {  	s14 =	sshll.u32 s0, $0xA;
	s2 =	sadd.s32 s3, s2  }
0x8d: {  	s2 =	sadd.s32 s2, s14  }
0x8e: {  	[smem:$0x3FB5] =	sst s2  }
0x8f: {  	_ = 	snop  }
0x90: {  	s2 =	sld [smem:$0x3FD0];
	_ =	sdelay $0x2  }
0x91: {  	s4 =	simm.s32 $0xA;
	s5 =	simm.s32 $0x10;
	s15 =	sld [smem:$0x3FC4]  }
0x92: {  	[smem:s5], [sflag:s4] =	dma.local [hbm:s2], $0x1  }
0x93: {  	_ =	swait.eq [sflag:s4], $0x1  }
0x94: {  	s16 =	sld [smem:$0x10];
	[sflag:s4] =	ssyncset.done $0x0  }
0x95: {  	s17 =	sld [smem:$0x11];
	[sflag:s4] =	ssyncadd.s32 $0xFFFFFFFF  }
0x96: {  	s18 =	sld [smem:$0x12];
	(tm) =	ssettm $0x1  }
0x97: {  	s6 =	sld [smem:$0x3FFB];
	_ =	sdelay $0x3  }
0x98: {  	_ =	strace s6  }
0x99: {  	s6 =	sld [smem:$0x3FFC];
	_ =	sdelay $0x3  }
0x9a: {  	_ =	strace s6  }
0x9b: {  	s6 =	sld [smem:$0x3FFD];
	_ =	sdelay $0x3  }
0x9c: {  	_ =	strace s6  }
0x9d: {  	_ =	strace $0x8FFFFFFF  }
0x9e: {  	s19 =	sld [smem:$0x3FDB];
	_ =	sdelay $0x1  }
0x9f: {  	s7 =	simm.s32 $_scs_section_size  }
0xa0: {  	s8 =	simm.s32 $_size__tile_overlayer_lowered;
	s9 =	simm.s32 $_tile_overlayer_lowered  }
0xa1: {  	s22 =	simm.s32 $0x1BFF;
	s21 =	sshll.u32 s9, $0x1;
	s6 =	sadd.s32 s7, s19  }
0xa2: {  	s10 =	simm.s32 $0x0;
	s20 =	sshll.u32 s8, $0x1;
	s8 =	sadd.s32 s21, s6  }
0xa3: {  	[timem:s10], [sflag:s22] =	dma.local [hbm:s8], s20  }
0xa4: {  	_ =	swait.ge [sflag:s22], s20  }
0xa5: {  	s7 =	ssub.s32 $0x0, s20;
	[sflag:s22] =	ssyncset.done $0x0  }
0xa6: {  	[sflag:s22] =	ssyncadd.s32 s7;
	_ =	sdelay $0x1  }
0xa7: {  	s23 =	simm.s32 $0x1B8B  }
0xa8: {  	_ =	swait.ge [sflag:s23], $0x1  }
0xa9: {  	[sflag:s23] =	ssyncset.done $0x0  }
0xaa: {  	s25 =	simm.s32 $0x1B8E;
	s24 =	sld [smem:$0x3FFE];
	[sflag:s23] =	ssyncadd.s32 $0xFFFFFFFF  }
0xab: {  	s26 =	simm.s32 $execute0_lowered;
	[smem:$0x3FD2] =	sst s25  }
0xac: {  	s8 =	sshll.u32 s26, $0x1;
	_ =	strace $0x80000046;
	[dreg:$0x1] =	wrdreg $0xFFFFFFFF  }
0xad: {  	s28 =	simm.s32 $_size_execute0_lowered;
	s6 =	sadd.s32 s6, s8;
	[dreg:$0x0] =	wrdreg $0x0  }
0xae: {  	s8 =	sshll.u32 s28, $0x1;
	[dreg:$0x2] =	wrdreg s6  }
0xaf: {  	[dreg:$0x3] =	wrdreg s8  }
0xb0: {  	[dreg:$0x4] =	wrdreg $0xC0  }
0xb1: {  	_ =	task [dreg:s10], $0x5FFFF  }
0xb2: {  	[dreg:$0x1] =	wrdreg $0xFFFFFFFF  }
0xb3: {  	[dreg:$0x0] =	wrdreg $0x60  }
0xb4: {  	[dreg:$0x2] =	wrdreg s24  }
0xb5: {  	[dreg:$0x3] =	wrdreg s15  }
0xb6: {  	[dreg:$0x4] =	wrdreg s18  }
0xb7: {  	[dreg:$0x5] =	wrdreg s16  }
0xb8: {  	[dreg:$0x6] =	wrdreg s17  }
0xb9: {  	[dreg:$0x7] =	wrdreg $0x9  }
0xba: {  	_ =	task.clear_ibuf [dreg:s10], $0x8FFFF;
	_ =	strace $0x90000046  }
0xbb: {  	s29 =	simm.s32 $0x9;
	_ =	strace $0x80000048  }
0xbc: {  	_ =	swait.ge [sflag:s29], $0x1  }
0xbd: {  	[sflag:s29] =	ssyncadd.s32 $0xFFFFFFFF  }
0xbe: {  	_ =	strace $0x90000048  }
0xbf: {  	_ =	sfence  }
0xc0: {  	s30 =	sld [smem:$0x0];
	_ =	sdelay $0x2  }
0xc1: {  	s31 =	sshll.u32 s1, $0xD;
	s1 =	sshrl.u32 s1, $0x2  }
0xc2: {  	s3 =	sand.u32 $0x4000, s31;
	s1 =	sadd.s32 s1, s30  }
0xc3: {  	s0 =	sor.u32 s3, s0;
	s1 =	sshll.u32 s1, $0x11  }
0xc4: {  	s0 =	sor.u32 s1, s0  }
0xc5: {  	s0 =	sadd.s32 $0x8F2B, s0  }
0xc6: {  	[sflag:s0] =	ssyncadd.remote.s32 $0x1  }
0xc7: {  	_ =	sfence.sel $0xFFFF  }
0xc8: {  	[dreg:$0x0] =	wrdreg $0xFFFFFFFF;
	(pc) =	sbr.abs _section_cstart, $3  }
0xc9: {  	[dreg:$0x1] =	wrdreg $0xFFFFFFFF  }
0xca: {  	_ =	task.clear_ibuf [dreg:s10], $0x2FFFF;
	_ =	strace $0x9FFFFFFF  }
0xcb: {  	(tm) =	ssettm $0x7FFFFFFF  }
tec
execute0_lowered:
.L_overlay_start_1:
0x0: {  	(tag) =	ssettag $0x1  }
0x1: {  	s2 =	rddreg [dreg:$0x0]  }
0x2: {  	s1 =	rddreg [dreg:$0x1]  }
0x3: {  	s4 =	rddreg [dreg:$0x2]  }
0x4: {  	s6 =	rddreg [dreg:$0x3];
	s3 =	srdreg.scid  }
0x5: {  	s7 =	rddreg [dreg:$0x4];
	s5 =	sand.u32 $0x1, s3;
	s3 =	simm.s32 $0x0  }
0x6: {  	s22 =	simm.s32 $0x800;
	[smem:$0x7FF] =	sst s3  }
0x7: {  	s23 =	simm.s32 $0x1800;
	_ =	strace $0x80000047;
	[dreg:$0xb] =	wrdreg s22  }
0x8: {  	s24 =	simm.s32 $0x100;
	[dreg:$0xc] =	wrdreg s23  }
0x9: {  	s0 =	stileid.u32;
	s25 =	simm.s32 $0x2000;
	[dreg:$0xd] =	wrdreg s24  }
0xa: {  	s26 =	simm.s32 $0x180;
	s11 =	simm.s32 $0x4000;
	[dreg:$0xe] =	wrdreg s25  }
0xb: {  	s8 =	sshll.u32 s0, $0x1;
	s0 =	simm.s32 $0x2800;
	[dreg:$0xf] =	wrdreg s26  }
0xc: {  	s12 =	simm.s32 $0x380;
	s13 =	simm.s32 $0x4800;
	[dreg:$0x10] =	wrdreg s0  }
0xd: {  	s14 =	simm.s32 $0x400;
	s15 =	simm.s32 $0x5000;
	[dreg:$0x16] =	wrdreg s11  }
0xe: {  	s28 =	simm.s32 $0xF80;
	s29 =	simm.s32 $0xC800;
	[dreg:$0x17] =	wrdreg s12  }
0xf: {  	v0 =	vlaneseq.u32;
	s30 =	simm.s32 $0x1;
	s31 =	simm.s32 $0x2;
	[dreg:$0x18] =	wrdreg s13  }
0x10: {  	v0 =	vmul.u32 $0x10, v0;
	s8 =	sor.u32 s5, s8;
	s5 =	ssub.s32 $0x2, s5;
	[dreg:$0x19] =	wrdreg s14  }
0x11: {  	s9 =	sshll.u32 s8, $0x8;
	[dreg:$0x1a] =	wrdreg s15;
	s22 =	simm.s32 $0x6800  }
0x12: {  	s10 =	sshll.u32 s8, $0x7;
	v1 =	vor.u32 $0x100, v0;
	s23 =	simm.s32 $0x600;
	[smem:$0x7F9] =	sst s22  }
0x13: {  	s8 =	sshll.u32 s8, $0xC;
	v4 =	vor.u32 $0x400, v0;
	v5 =	vor.u32 $0x500, v0;
	v6 =	vor.u32 $0x600, v0;
	s24 =	simm.s32 $0x7000;
	[smem:$0x7FA] =	sst s23  }
0x14: {  	v7 =	vor.u32 $0x700, v0;
	v8 =	vor.u32 $0x800, v0;
	v9 =	vor.u32 $0x900, v0;
	s25 =	simm.s32 $0x680;
	s26 =	simm.s32 $0x7800;
	[smem:$0x7FB] =	sst s24  }
0x15: {  	v10 =	vor.u32 $0xA00, v0;
	v11 =	vor.u32 $0xB00, v0;
	v12 =	vor.u32 $0xC00, v0;
	s13 =	simm.s32 $0x8800;
	s14 =	simm.s32 $0x9000;
	[smem:$0x7FC] =	sst s25  }
0x16: {  	v14 =	vor.u32 $0xE00, v0;
	v15 =	vor.u32 $0xF00, v0;
	v16 =	vor.u32 $0x1000, v0;
	s15 =	simm.s32 $0xC80;
	s4 =	sadd.s32 s4, s9;
	[smem:$0x7FD] =	sst s26  }
0x17: {  	v17 =	vor.u32 $0x1100, v0;
	v18 =	vor.u32 $0x1200, v0;
	v19 =	vor.u32 $0x1300, v0;
	s16 =	sadd.s32 s6, s10;
	s17 =	sadd.s32 s8, s2;
	[dreg:$0x6] =	wrdreg s4  }
0x18: {  	v20 =	vor.u32 $0x1400, v0;
	v21 =	vor.u32 $0x1500, v0;
	v22 =	vor.u32 $0x1600, v0;
	s18 =	sadd.s32 s7, s10;
	s19 =	sadd.s32 s10, s2;
	[dreg:$0x7] =	wrdreg s16  }
0x19: {  	v23 =	vor.u32 $0x1700, v0;
	v24 =	vor.u32 $0x1800, v0;
	v25 =	vor.u32 $0x1900, v0;
	s6 =	simm.s32 $0x200;
	s7 =	simm.s32 $0x3000;
	[dreg:$0x8] =	wrdreg s18  }
0x1a: {  	v26 =	vor.u32 $0x1A00, v0;
	v27 =	vor.u32 $0x1B00, v0;
	v28 =	vor.u32 $0x1C00, v0;
	s8 =	simm.s32 $0x280;
	s9 =	simm.s32 $0x3800;
	[dreg:$0x11] =	wrdreg s6  }
0x1b: {  	v29 =	vor.u32 $0x1D00, v0;
	v30 =	vor.u32 $0x1E00, v0;
	v31 =	vor.u32 $0x1F00, v0;
	s10 =	simm.s32 $0x300;
	s22 =	simm.s32 $0xB000;
	[dreg:$0x12] =	wrdreg s7  }
0x1c: {  	v32 =	vor.u32 $0x2000, v0;
	v33 =	vor.u32 $0x2100, v0;
	v34 =	vor.u32 $0x2200, v0;
	s23 =	simm.s32 $0xE80;
	s24 =	simm.s32 $0xB800;
	[dreg:$0x13] =	wrdreg s8  }
0x1d: {  	v35 =	vor.u32 $0x2300, v0;
	v36 =	vor.u32 $0x2400, v0;
	v37 =	vor.u32 $0x2500, v0;
	s25 =	simm.s32 $0xF00;
	s26 =	simm.s32 $0xC000;
	[dreg:$0x14] =	wrdreg s9  }
0x1e: {  	v38 =	vor.u32 $0x2600, v0;
	v39 =	vor.u32 $0x2700, v0;
	s20 =	sadd.s32 $0x3D7A00, s17;
	s21 =	sadd.s32 $0x3F7A00, s19;
	[dreg:$0x15] =	wrdreg s10  }
0x1f: {  	v40 =	vor.u32 $0x2800, v0;
	v41 =	vor.u32 $0x2900, v0;
	v42 =	vor.u32 $0x2A00, v0;
	s16 =	simm.s32 $0x480;
	s17 =	simm.s32 $0x5800;
	[dreg:$0x9] =	wrdreg s20  }
0x20: {  	v43 =	vor.u32 $0x2B00, v0;
	v44 =	vor.u32 $0x2C00, v0;
	v45 =	vor.u32 $0x2D00, v0;
	s4 =	sadd.s32 $0x3A00, s2;
	s18 =	simm.s32 $0x500;
	[dreg:$0xa] =	wrdreg s21  }
0x21: {  	v46 =	vor.u32 $0x2E00, v0;
	v47 =	vor.u32 $0x2F00, v0;
	v48 =	vor.u32 $0x3000, v0;
	s19 =	simm.s32 $0x6000;
	s6 =	simm.s32 $0x3;
	[dreg:$0x1b] =	wrdreg s16  }
0x22: {  	v49 =	vor.u32 $0x3100, v0;
	v50 =	vor.u32 $0x3200, v0;
	v51 =	vor.u32 $0x3300, v0;
	s7 =	simm.s32 $0xC00;
	s8 =	simm.s32 $0x80;
	[dreg:$0x1c] =	wrdreg s17  }
0x23: {  	v52 =	vor.u32 $0x3400, v0;
	v53 =	vor.u32 $0x3500, v0;
	v54 =	vor.u32 $0x3600, v0;
	s9 =	simm.s32 $0x1000;
	s2 =	simm.s32 $0xD000;
	[dreg:$0x1d] =	wrdreg s18  }
0x24: {  	v55 =	vor.u32 $0x3700, v0;
	v56 =	vor.u32 $0x3800, v0;
	v57 =	vor.u32 $0x3900, v0;
	s20 =	sshrl.u32 s5, $0x1;
	[dreg:$0x1e] =	wrdreg s19;
	s21 =	simm.s32 $0x580  }
0x25: {  	v13 =	vor.u32 $0xD00, v0;
	v58 =	vor.u32 $0x3A00, v0;
	[tilespmem:$0x1FFD0] =	vst v1;
	v1 =	vor.u32 $0x200, v0;
	s16 =	simm.s32 $0x9800;
	s17 =	simm.s32 $0xD00;
	s18 =	simm.s32 $0xA000  }
0x26: {  	v59 =	vor.u32 $0x3B00, v0;
	v60 =	vor.u32 $0x3C00, v0;
	[tilespmem:$0x1FFE0] =	vst v1;
	v1 =	vor.u32 $0x300, v0;
	s19 =	simm.s32 $0xD80;
	s5 =	ssub.s32 s5, s20;
	[dreg:$0x1f] =	wrdreg s21  }
0x27: {  	v61 =	vor.u32 $0x3D00, v0;
	v62 =	vor.u32 $0x3E00, v0;
	v63 =	vor.u32 $0x3F00, v0;
	[tilespmem:$0x1FFF0] =	vst v1;
	s20 =	simm.s32 $0xA800;
	s21 =	simm.s32 $0xE00;
	s5 =	smax.u32 s5, $0x1  }
.LBB2_1:
0x28: {  	s0 =	rddreg [dreg:$0x6]  }
0x29: {  	[tilespmem:s3], [sflag:$0x3] =	stream.linear.gather [hbm4b:s0+s3], $0x800, $0x38;
	[tilespmem:$0xD400] =	vst v63  }
0x2a: {  	_ =	swait.ge [sflag:s6], $0x800  }
0x2b: {  	s11 =	rddreg [dreg:$0x7];
	[sflag:s6] =	ssyncset.done $0x0  }
0x2c: {  	s10 =	rddreg [dreg:$0xb];
	[sflag:s6] =	ssyncadd.s32 $0xFFFFF800  }
0x2d: {  	[tilespmem:s10], [sflag:$0x3] =	stream.linear.gather [hbm4b:s11+s3], $0x400, $0x38;
	[tilespmem:$0xD400] =	vst v63  }
0x2e: {  	_ =	swait.ge [sflag:s6], $0x400  }
0x2f: {  	[sflag:s6] =	ssyncset.done $0x0  }
0x30: {  	s12 =	rddreg [dreg:$0x8];
	[sflag:s6] =	ssyncadd.s32 $0xFFFFFC00  }
0x31: {  	[tilespmem:s7], [sflag:$0x3] =	stream.linear.gather [hbm4b:s12+s3], $0x400, $0x38;
	[tilespmem:$0xD400] =	vst v63  }
0x32: {  	_ =	swait.ge [sflag:s6], $0x400  }
0x33: {  	s10 =	rddreg [dreg:$0xc]  }
0x34: {  	[sflag:s6] =	ssyncset.done $0x0;
	s0 =	rddreg [dreg:$0xd]  }
0x35: {  	s11 =	rddreg [dreg:$0xf];
	[sflag:s6] =	ssyncadd.s32 $0xFFFFFC00  }
0x36: {  	[tilespmem:s9], [sflag:$0x1] =	stream.indirect.gather [hbm4b:s4+s8], $0x10, s3, s8, $0xb8;
	[tilespmem:$0xD400] =	vst v63  }
0x37: {  	s12 =	rddreg [dreg:$0x10]  }
0x38: {  	[tilespmem:s10], [sflag:$0x1] =	stream.indirect.gather [hbm4b:s4+s8], $0x10, s8, s8, $0xb8;
	[tilespmem:$0xD400] =	vst v63  }
0x39: {  	s10 =	rddreg [dreg:$0xe]  }
0x3a: {  	[tilespmem:s10], [sflag:$0x1] =	stream.indirect.gather [hbm4b:s4+s8], $0x10, s0, s8, $0xb8;
	[tilespmem:$0xD400] =	vst v63  }
0x3b: {  	s0 =	rddreg [dreg:$0x11]  }
0x3c: {  	s10 =	rddreg [dreg:$0x12]  }
0x3d: {  	[tilespmem:s12], [sflag:$0x1] =	stream.indirect.gather [hbm4b:s4+s8], $0x10, s11, s8, $0xb8;
	[tilespmem:$0xD400] =	vst v63  }
0x3e: {  	s11 =	rddreg [dreg:$0x13]  }
0x3f: {  	s12 =	rddreg [dreg:$0x14]  }
0x40: {  	[tilespmem:s10], [sflag:$0x1] =	stream.indirect.gather [hbm4b:s4+s8], $0x10, s0, s8, $0xb8;
	[tilespmem:$0xD400] =	vst v63  }
0x41: {  	s0 =	rddreg [dreg:$0x15]  }
0x42: {  	s10 =	rddreg [dreg:$0x16]  }
0x43: {  	[tilespmem:s12], [sflag:$0x1] =	stream.indirect.gather [hbm4b:s4+s8], $0x10, s11, s8, $0xb8;
	[tilespmem:$0xD400] =	vst v63  }
0x44: {  	s11 =	rddreg [dreg:$0x17]  }
0x45: {  	s12 =	rddreg [dreg:$0x18]  }
0x46: {  	[tilespmem:s10], [sflag:$0x1] =	stream.indirect.gather [hbm4b:s4+s8], $0x10, s0, s8, $0xb8;
	[tilespmem:$0xD400] =	vst v63  }
0x47: {  	s0 =	rddreg [dreg:$0x19]  }
0x48: {  	s10 =	rddreg [dreg:$0x1a]  }
0x49: {  	[tilespmem:s12], [sflag:$0x1] =	stream.indirect.gather [hbm4b:s4+s8], $0x10, s11, s8, $0xb8;
	[tilespmem:$0xD400] =	vst v63  }
0x4a: {  	s11 =	rddreg [dreg:$0x1b]  }
0x4b: {  	s12 =	rddreg [dreg:$0x1c]  }
0x4c: {  	[tilespmem:s10], [sflag:$0x1] =	stream.indirect.gather [hbm4b:s4+s8], $0x10, s0, s8, $0xb8;
	[tilespmem:$0xD400] =	vst v63  }
0x4d: {  	s0 =	rddreg [dreg:$0x1d]  }
0x4e: {  	s10 =	rddreg [dreg:$0x1e]  }
0x4f: {  	[tilespmem:s12], [sflag:$0x1] =	stream.indirect.gather [hbm4b:s4+s8], $0x10, s11, s8, $0xb8;
	[tilespmem:$0xD400] =	vst v63  }
0x50: {  	s11 =	rddreg [dreg:$0x1f]  }
0x51: {  	s12 =	sld [smem:$0x7F9]  }
0x52: {  	[tilespmem:s10], [sflag:$0x1] =	stream.indirect.gather [hbm4b:s4+s8], $0x10, s0, s8, $0xb8;
	[tilespmem:$0xD400] =	vst v63  }
0x53: {  	s0 =	sld [smem:$0x7FA]  }
0x54: {  	s10 =	sld [smem:$0x7FB]  }
0x55: {  	[tilespmem:s12], [sflag:$0x1] =	stream.indirect.gather [hbm4b:s4+s8], $0x10, s11, s8, $0xb8;
	[tilespmem:$0xD400] =	vst v63  }
0x56: {  	s11 =	sld [smem:$0x7FC]  }
0x57: {  	s12 =	sld [smem:$0x7FD]  }
0x58: {  	[tilespmem:s10], [sflag:$0x1] =	stream.indirect.gather [hbm4b:s4+s8], $0x10, s0, s8, $0xb8;
	[tilespmem:$0xD400] =	vst v63  }
0x59: {  	_ = 	snop  }
0x5a: {  	[tilespmem:s12], [sflag:$0x1] =	stream.indirect.gather [hbm4b:s4+s8], $0x10, s11, s8, $0xb8;
	[tilespmem:$0xD400] =	vst v63  }
0x5b: {  	s11 =	simm.s32 $0x700;
	s12 =	simm.s32 $0x8000  }
0x5c: {  	[tilespmem:s12], [sflag:$0x1] =	stream.indirect.gather [hbm4b:s4+s8], $0x10, s11, s8, $0xb8;
	[tilespmem:$0xD400] =	vst v63  }
0x5d: {  	s10 =	simm.s32 $0x780  }
0x5e: {  	[tilespmem:s13], [sflag:$0x1] =	stream.indirect.gather [hbm4b:s4+s8], $0x10, s10, s8, $0xb8;
	[tilespmem:$0xD400] =	vst v63  }
0x5f: {  	_ = 	snop  }
0x60: {  	[tilespmem:s14], [sflag:$0x2] =	stream.indirect.gather [hbm4b:s1+s8], $0x10, s7, s8, $0xb8;
	[tilespmem:$0xD400] =	vst v63  }
0x61: {  	_ = 	snop  }
0x62: {  	[tilespmem:s16], [sflag:$0x2] =	stream.indirect.gather [hbm4b:s1+s8], $0x10, s15, s8, $0xb8;
	[tilespmem:$0xD400] =	vst v63  }
0x63: {  	_ = 	snop  }
0x64: {  	[tilespmem:s18], [sflag:$0x2] =	stream.indirect.gather [hbm4b:s1+s8], $0x10, s17, s8, $0xb8;
	[tilespmem:$0xD400] =	vst v63  }
0x65: {  	_ = 	snop  }
0x66: {  	[tilespmem:s20], [sflag:$0x2] =	stream.indirect.gather [hbm4b:s1+s8], $0x10, s19, s8, $0xb8;
	[tilespmem:$0xD400] =	vst v63  }
0x67: {  	_ = 	snop  }
0x68: {  	[tilespmem:s22], [sflag:$0x2] =	stream.indirect.gather [hbm4b:s1+s8], $0x10, s21, s8, $0xb8;
	[tilespmem:$0xD400] =	vst v63  }
0x69: {  	_ = 	snop  }
0x6a: {  	[tilespmem:s24], [sflag:$0x2] =	stream.indirect.gather [hbm4b:s1+s8], $0x10, s23, s8, $0xb8;
	[tilespmem:$0xD400] =	vst v63  }
0x6b: {  	_ = 	snop  }
0x6c: {  	[tilespmem:s26], [sflag:$0x2] =	stream.indirect.gather [hbm4b:s1+s8], $0x10, s25, s8, $0xb8;
	[tilespmem:$0xD400] =	vst v63  }
0x6d: {  	_ = 	snop  }
0x6e: {  	[tilespmem:s29], [sflag:$0x2] =	stream.indirect.gather [hbm4b:s1+s8], $0x10, s28, s8, $0xb8;
	[tilespmem:$0xD400] =	vst v63  }
0x6f: {  	_ =	swait.ge [sflag:s30], $0x800  }
0x70: {  	[sflag:s30] =	ssyncset.done $0x0  }
0x71: {  	[sflag:s30] =	ssyncadd.s32 $0xFFFFF800  }
0x72: {  	_ =	swait.ge [sflag:s30], $0x800  }
0x73: {  	[sflag:s30] =	ssyncset.done $0x0  }
0x74: {  	[sflag:s30] =	ssyncadd.s32 $0xFFFFF800  }
0x75: {  	_ =	swait.ge [sflag:s30], $0x800  }
0x76: {  	[sflag:s30] =	ssyncset.done $0x0  }
0x77: {  	[sflag:s30] =	ssyncadd.s32 $0xFFFFF800  }
0x78: {  	_ =	swait.ge [sflag:s30], $0x800  }
0x79: {  	[sflag:s30] =	ssyncset.done $0x0  }
0x7a: {  	[sflag:s30] =	ssyncadd.s32 $0xFFFFF800  }
0x7b: {  	_ =	swait.ge [sflag:s30], $0x800  }
0x7c: {  	[sflag:s30] =	ssyncset.done $0x0  }
0x7d: {  	[sflag:s30] =	ssyncadd.s32 $0xFFFFF800  }
0x7e: {  	_ =	swait.ge [sflag:s30], $0x800  }
0x7f: {  	[sflag:s30] =	ssyncset.done $0x0  }
0x80: {  	[sflag:s30] =	ssyncadd.s32 $0xFFFFF800  }
0x81: {  	_ =	swait.ge [sflag:s30], $0x800  }
0x82: {  	[sflag:s30] =	ssyncset.done $0x0  }
0x83: {  	[sflag:s30] =	ssyncadd.s32 $0xFFFFF800  }
0x84: {  	_ =	swait.ge [sflag:s30], $0x800  }
0x85: {  	[sflag:s30] =	ssyncset.done $0x0  }
0x86: {  	[sflag:s30] =	ssyncadd.s32 $0xFFFFF800  }
0x87: {  	_ =	swait.ge [sflag:s30], $0x800  }
0x88: {  	[sflag:s30] =	ssyncset.done $0x0  }
0x89: {  	[sflag:s30] =	ssyncadd.s32 $0xFFFFF800  }
0x8a: {  	_ =	swait.ge [sflag:s30], $0x800  }
0x8b: {  	[sflag:s30] =	ssyncset.done $0x0  }
0x8c: {  	[sflag:s30] =	ssyncadd.s32 $0xFFFFF800  }
0x8d: {  	_ =	swait.ge [sflag:s30], $0x800  }
0x8e: {  	[sflag:s30] =	ssyncset.done $0x0  }
0x8f: {  	[sflag:s30] =	ssyncadd.s32 $0xFFFFF800  }
0x90: {  	_ =	swait.ge [sflag:s30], $0x800  }
0x91: {  	[sflag:s30] =	ssyncset.done $0x0  }
0x92: {  	[sflag:s30] =	ssyncadd.s32 $0xFFFFF800  }
0x93: {  	_ =	swait.ge [sflag:s30], $0x800  }
0x94: {  	[sflag:s30] =	ssyncset.done $0x0  }
0x95: {  	[sflag:s30] =	ssyncadd.s32 $0xFFFFF800  }
0x96: {  	_ =	swait.ge [sflag:s30], $0x800  }
0x97: {  	[sflag:s30] =	ssyncset.done $0x0  }
0x98: {  	[sflag:s30] =	ssyncadd.s32 $0xFFFFF800  }
0x99: {  	_ =	swait.ge [sflag:s30], $0x800  }
0x9a: {  	[sflag:s30] =	ssyncset.done $0x0  }
0x9b: {  	[sflag:s30] =	ssyncadd.s32 $0xFFFFF800  }
0x9c: {  	_ =	swait.ge [sflag:s30], $0x800  }
0x9d: {  	[sflag:s30] =	ssyncset.done $0x0  }
0x9e: {  	[sflag:s30] =	ssyncadd.s32 $0xFFFFF800  }
0x9f: {  	_ =	swait.ge [sflag:s31], $0x800  }
0xa0: {  	[sflag:s31] =	ssyncset.done $0x0  }
0xa1: {  	[sflag:s31] =	ssyncadd.s32 $0xFFFFF800  }
0xa2: {  	_ =	swait.ge [sflag:s31], $0x800  }
0xa3: {  	[sflag:s31] =	ssyncset.done $0x0  }
0xa4: {  	[sflag:s31] =	ssyncadd.s32 $0xFFFFF800  }
0xa5: {  	_ =	swait.ge [sflag:s31], $0x800  }
0xa6: {  	[sflag:s31] =	ssyncset.done $0x0  }
0xa7: {  	[sflag:s31] =	ssyncadd.s32 $0xFFFFF800  }
0xa8: {  	_ =	swait.ge [sflag:s31], $0x800  }
0xa9: {  	[sflag:s31] =	ssyncset.done $0x0  }
0xaa: {  	[sflag:s31] =	ssyncadd.s32 $0xFFFFF800  }
0xab: {  	_ =	swait.ge [sflag:s31], $0x800  }
0xac: {  	[sflag:s31] =	ssyncset.done $0x0  }
0xad: {  	[sflag:s31] =	ssyncadd.s32 $0xFFFFF800  }
0xae: {  	_ =	swait.ge [sflag:s31], $0x800  }
0xaf: {  	[sflag:s31] =	ssyncset.done $0x0  }
0xb0: {  	[sflag:s31] =	ssyncadd.s32 $0xFFFFF800  }
0xb1: {  	_ =	swait.ge [sflag:s31], $0x800  }
0xb2: {  	[sflag:s31] =	ssyncset.done $0x0  }
0xb3: {  	[sflag:s31] =	ssyncadd.s32 $0xFFFFF800  }
0xb4: {  	_ =	swait.ge [sflag:s31], $0x800  }
0xb5: {  	[sflag:s31] =	ssyncset.done $0x0  }
0xb6: {  	[sflag:s31] =	ssyncadd.s32 $0xFFFFF800  }
0xb7: {  	v1 =	vld [tilespmem:$0x800];
	_ =	sdelay $0x4  }
0xb8: {  	v1 =	vand.u32 $0xF, v1  }
0xb9: {  	v2 =	vld [tilespmem:$0x810];
	v1 =	vor.u32 v0, v1  }
0xba: {  	v3 =	vld [tilespmem:$0x1FFD0];
	_ =	sdelay $0x3  }
0xbb: {  	v2 =	vand.u32 $0xF, v2;
	v1 =	vld.idx.msk [tilespmem:v1+s14+$0x0], $0xffff  }
0xbc: {  	v2 =	vor.u32 v3, v2  }
0xbd: {  	v3 =	vld [tilespmem:$0x820];
	_ =	sdelay $0x2  }
0xbe: {  	[tilespmem:$0xD000] =	vst v1  }
0xbf: {  	v1 =	vld.idx.msk [tilespmem:v2+s14+$0x0], $0xffff  }
0xc0: {  	v2 =	vand.u32 $0xF, v3;
	v3 =	vld [tilespmem:$0x1FFE0];
	_ =	sdelay $0x4  }
0xc1: {  	v2 =	vor.u32 v3, v2  }
0xc2: {  	v3 =	vld [tilespmem:$0x830];
	_ =	sdelay $0x2  }
0xc3: {  	[tilespmem:$0xD010] =	vst v1  }
0xc4: {  	v1 =	vld.idx.msk [tilespmem:v2+s14+$0x0], $0xffff  }
0xc5: {  	v2 =	vand.u32 $0xF, v3;
	v3 =	vld [tilespmem:$0x1FFF0];
	_ =	sdelay $0x4  }
0xc6: {  	v2 =	vor.u32 v3, v2;
	v3 =	vld [tilespmem:$0x840];
	_ =	sdelay $0x3  }
0xc7: {  	[tilespmem:$0xD020] =	vst v1  }
0xc8: {  	v1 =	vld.idx.msk [tilespmem:v2+s14+$0x0], $0xffff;
	v2 =	vand.u32 $0xF, v3  }
0xc9: {  	v3 =	vld [tilespmem:$0x850];
	v2 =	vor.u32 v4, v2;
	_ =	sdelay $0x3  }
0xca: {  	[tilespmem:$0xD030] =	vst v1  }
0xcb: {  	v1 =	vld.idx.msk [tilespmem:v2+s14+$0x0], $0xffff;
	v2 =	vand.u32 $0xF, v3  }
0xcc: {  	v3 =	vld [tilespmem:$0x860];
	v2 =	vor.u32 v5, v2;
	_ =	sdelay $0x3  }
0xcd: {  	[tilespmem:$0xD040] =	vst v1  }
0xce: {  	v1 =	vld.idx.msk [tilespmem:v2+s14+$0x0], $0xffff;
	v2 =	vand.u32 $0xF, v3  }
0xcf: {  	v3 =	vld [tilespmem:$0x870];
	v2 =	vor.u32 v6, v2;
	_ =	sdelay $0x3  }
0xd0: {  	[tilespmem:$0xD050] =	vst v1  }
0xd1: {  	v1 =	vld.idx.msk [tilespmem:v2+s14+$0x0], $0xffff;
	v2 =	vand.u32 $0xF, v3  }
0xd2: {  	v3 =	vld [tilespmem:$0x880];
	v2 =	vor.u32 v7, v2;
	_ =	sdelay $0x3  }
0xd3: {  	[tilespmem:$0xD060] =	vst v1  }
0xd4: {  	v1 =	vld.idx.msk [tilespmem:v2+s14+$0x0], $0xffff;
	v2 =	vand.u32 $0xF, v3  }
0xd5: {  	v3 =	vld [tilespmem:$0x890];
	v2 =	vor.u32 v8, v2;
	_ =	sdelay $0x3  }
0xd6: {  	[tilespmem:$0xD070] =	vst v1  }
0xd7: {  	v1 =	vld.idx.msk [tilespmem:v2+s14+$0x0], $0xffff;
	v2 =	vand.u32 $0xF, v3  }
0xd8: {  	v3 =	vld [tilespmem:$0x8A0];
	v2 =	vor.u32 v9, v2;
	_ =	sdelay $0x3  }
0xd9: {  	[tilespmem:$0xD080] =	vst v1  }
0xda: {  	v1 =	vld.idx.msk [tilespmem:v2+s14+$0x0], $0xffff;
	v2 =	vand.u32 $0xF, v3  }
0xdb: {  	v3 =	vld [tilespmem:$0x8B0];
	v2 =	vor.u32 v10, v2;
	_ =	sdelay $0x3  }
0xdc: {  	[tilespmem:$0xD090] =	vst v1  }
0xdd: {  	v1 =	vld.idx.msk [tilespmem:v2+s14+$0x0], $0xffff;
	v2 =	vand.u32 $0xF, v3  }
0xde: {  	v3 =	vld [tilespmem:$0x8C0];
	v2 =	vor.u32 v11, v2;
	_ =	sdelay $0x3  }
0xdf: {  	[tilespmem:$0xD0A0] =	vst v1  }
0xe0: {  	v1 =	vld.idx.msk [tilespmem:v2+s14+$0x0], $0xffff;
	v2 =	vand.u32 $0xF, v3  }
0xe1: {  	v3 =	vld [tilespmem:$0x8D0];
	v2 =	vor.u32 v12, v2;
	_ =	sdelay $0x3  }
0xe2: {  	[tilespmem:$0xD0B0] =	vst v1  }
0xe3: {  	v1 =	vld.idx.msk [tilespmem:v2+s14+$0x0], $0xffff;
	v2 =	vand.u32 $0xF, v3  }
0xe4: {  	v3 =	vld [tilespmem:$0x8E0];
	v2 =	vor.u32 v13, v2;
	_ =	sdelay $0x3  }
0xe5: {  	[tilespmem:$0xD0C0] =	vst v1  }
0xe6: {  	v1 =	vld.idx.msk [tilespmem:v2+s14+$0x0], $0xffff;
	v2 =	vand.u32 $0xF, v3  }
0xe7: {  	v3 =	vld [tilespmem:$0x8F0];
	v2 =	vor.u32 v14, v2;
	_ =	sdelay $0x3  }
0xe8: {  	[tilespmem:$0xD0D0] =	vst v1  }
0xe9: {  	v1 =	vld.idx.msk [tilespmem:v2+s14+$0x0], $0xffff;
	v2 =	vand.u32 $0xF, v3  }
0xea: {  	v3 =	vld [tilespmem:$0x900];
	v2 =	vor.u32 v15, v2;
	_ =	sdelay $0x3  }
0xeb: {  	[tilespmem:$0xD0E0] =	vst v1  }
0xec: {  	v1 =	vld.idx.msk [tilespmem:v2+s14+$0x0], $0xffff;
	v2 =	vand.u32 $0xF, v3  }
0xed: {  	v3 =	vld [tilespmem:$0x910];
	v2 =	vor.u32 v16, v2;
	_ =	sdelay $0x3  }
0xee: {  	[tilespmem:$0xD0F0] =	vst v1  }
0xef: {  	v1 =	vld.idx.msk [tilespmem:v2+s14+$0x0], $0xffff;
	v2 =	vand.u32 $0xF, v3  }
0xf0: {  	v3 =	vld [tilespmem:$0x920];
	v2 =	vor.u32 v17, v2;
	_ =	sdelay $0x3  }
0xf1: {  	[tilespmem:$0xD100] =	vst v1  }
0xf2: {  	v1 =	vld.idx.msk [tilespmem:v2+s14+$0x0], $0xffff;
	v2 =	vand.u32 $0xF, v3  }
0xf3: {  	v3 =	vld [tilespmem:$0x930];
	v2 =	vor.u32 v18, v2;
	_ =	sdelay $0x3  }
0xf4: {  	[tilespmem:$0xD110] =	vst v1  }
0xf5: {  	v1 =	vld.idx.msk [tilespmem:v2+s14+$0x0], $0xffff;
	v2 =	vand.u32 $0xF, v3  }
0xf6: {  	v3 =	vld [tilespmem:$0x940];
	v2 =	vor.u32 v19, v2;
	_ =	sdelay $0x3  }
0xf7: {  	[tilespmem:$0xD120] =	vst v1  }
0xf8: {  	v1 =	vld.idx.msk [tilespmem:v2+s14+$0x0], $0xffff;
	v2 =	vand.u32 $0xF, v3  }
0xf9: {  	v3 =	vld [tilespmem:$0x950];
	v2 =	vor.u32 v20, v2;
	_ =	sdelay $0x3  }
0xfa: {  	[tilespmem:$0xD130] =	vst v1  }
0xfb: {  	v1 =	vld.idx.msk [tilespmem:v2+s14+$0x0], $0xffff;
	v2 =	vand.u32 $0xF, v3  }
0xfc: {  	v3 =	vld [tilespmem:$0x960];
	v2 =	vor.u32 v21, v2;
	_ =	sdelay $0x3  }
0xfd: {  	[tilespmem:$0xD140] =	vst v1  }
0xfe: {  	v1 =	vld.idx.msk [tilespmem:v2+s14+$0x0], $0xffff;
	v2 =	vand.u32 $0xF, v3  }
0xff: {  	v3 =	vld [tilespmem:$0x970];
	v2 =	vor.u32 v22, v2;
	_ =	sdelay $0x3  }
0x100: {  	[tilespmem:$0xD150] =	vst v1  }
0x101: {  	v1 =	vld.idx.msk [tilespmem:v2+s14+$0x0], $0xffff;
	v2 =	vand.u32 $0xF, v3  }
0x102: {  	v3 =	vld [tilespmem:$0x980];
	v2 =	vor.u32 v23, v2;
	_ =	sdelay $0x3  }
0x103: {  	[tilespmem:$0xD160] =	vst v1  }
0x104: {  	v1 =	vld.idx.msk [tilespmem:v2+s14+$0x0], $0xffff;
	v2 =	vand.u32 $0xF, v3  }
0x105: {  	v3 =	vld [tilespmem:$0x990];
	v2 =	vor.u32 v24, v2;
	_ =	sdelay $0x3  }
0x106: {  	[tilespmem:$0xD170] =	vst v1  }
0x107: {  	v1 =	vld.idx.msk [tilespmem:v2+s14+$0x0], $0xffff;
	v2 =	vand.u32 $0xF, v3  }
0x108: {  	v3 =	vld [tilespmem:$0x9A0];
	v2 =	vor.u32 v25, v2;
	_ =	sdelay $0x3  }
0x109: {  	[tilespmem:$0xD180] =	vst v1  }
0x10a: {  	v1 =	vld.idx.msk [tilespmem:v2+s14+$0x0], $0xffff;
	v2 =	vand.u32 $0xF, v3  }
0x10b: {  	v3 =	vld [tilespmem:$0x9B0];
	v2 =	vor.u32 v26, v2;
	_ =	sdelay $0x3  }
0x10c: {  	[tilespmem:$0xD190] =	vst v1  }
0x10d: {  	v1 =	vld.idx.msk [tilespmem:v2+s14+$0x0], $0xffff;
	v2 =	vand.u32 $0xF, v3  }
0x10e: {  	v3 =	vld [tilespmem:$0x9C0];
	v2 =	vor.u32 v27, v2;
	_ =	sdelay $0x3  }
0x10f: {  	[tilespmem:$0xD1A0] =	vst v1  }
0x110: {  	v1 =	vld.idx.msk [tilespmem:v2+s14+$0x0], $0xffff;
	v2 =	vand.u32 $0xF, v3  }
0x111: {  	v3 =	vld [tilespmem:$0x9D0];
	v2 =	vor.u32 v28, v2;
	_ =	sdelay $0x3  }
0x112: {  	[tilespmem:$0xD1B0] =	vst v1  }
0x113: {  	v1 =	vld.idx.msk [tilespmem:v2+s14+$0x0], $0xffff;
	v2 =	vand.u32 $0xF, v3  }
0x114: {  	v3 =	vld [tilespmem:$0x9E0];
	v2 =	vor.u32 v29, v2;
	_ =	sdelay $0x3  }
0x115: {  	[tilespmem:$0xD1C0] =	vst v1  }
0x116: {  	v1 =	vld.idx.msk [tilespmem:v2+s14+$0x0], $0xffff;
	v2 =	vand.u32 $0xF, v3  }
0x117: {  	v3 =	vld [tilespmem:$0x9F0];
	v2 =	vor.u32 v30, v2;
	_ =	sdelay $0x3  }
0x118: {  	[tilespmem:$0xD1D0] =	vst v1  }
0x119: {  	v1 =	vld.idx.msk [tilespmem:v2+s14+$0x0], $0xffff;
	v2 =	vand.u32 $0xF, v3  }
0x11a: {  	v3 =	vld [tilespmem:$0xA00];
	v2 =	vor.u32 v31, v2;
	_ =	sdelay $0x3  }
0x11b: {  	[tilespmem:$0xD1E0] =	vst v1  }
0x11c: {  	v1 =	vld.idx.msk [tilespmem:v2+s14+$0x0], $0xffff;
	v2 =	vand.u32 $0xF, v3  }
0x11d: {  	v3 =	vld [tilespmem:$0xA10];
	v2 =	vor.u32 v32, v2;
	_ =	sdelay $0x3  }
0x11e: {  	[tilespmem:$0xD1F0] =	vst v1  }
0x11f: {  	v1 =	vld.idx.msk [tilespmem:v2+s14+$0x0], $0xffff;
	v2 =	vand.u32 $0xF, v3  }
0x120: {  	v3 =	vld [tilespmem:$0xA20];
	v2 =	vor.u32 v33, v2;
	_ =	sdelay $0x3  }
0x121: {  	[tilespmem:$0xD200] =	vst v1  }
0x122: {  	v1 =	vld.idx.msk [tilespmem:v2+s14+$0x0], $0xffff;
	v2 =	vand.u32 $0xF, v3  }
0x123: {  	v3 =	vld [tilespmem:$0xA30];
	v2 =	vor.u32 v34, v2;
	_ =	sdelay $0x3  }
0x124: {  	[tilespmem:$0xD210] =	vst v1  }
0x125: {  	v1 =	vld.idx.msk [tilespmem:v2+s14+$0x0], $0xffff;
	v2 =	vand.u32 $0xF, v3  }
0x126: {  	v3 =	vld [tilespmem:$0xA40];
	v2 =	vor.u32 v35, v2;
	_ =	sdelay $0x3  }
0x127: {  	[tilespmem:$0xD220] =	vst v1  }
0x128: {  	v1 =	vld.idx.msk [tilespmem:v2+s14+$0x0], $0xffff;
	v2 =	vand.u32 $0xF, v3  }
0x129: {  	v3 =	vld [tilespmem:$0xA50];
	v2 =	vor.u32 v36, v2;
	_ =	sdelay $0x3  }
0x12a: {  	[tilespmem:$0xD230] =	vst v1  }
0x12b: {  	v1 =	vld.idx.msk [tilespmem:v2+s14+$0x0], $0xffff;
	v2 =	vand.u32 $0xF, v3  }
0x12c: {  	v3 =	vld [tilespmem:$0xA60];
	v2 =	vor.u32 v37, v2;
	_ =	sdelay $0x3  }
0x12d: {  	[tilespmem:$0xD240] =	vst v1  }
0x12e: {  	v1 =	vld.idx.msk [tilespmem:v2+s14+$0x0], $0xffff;
	v2 =	vand.u32 $0xF, v3  }
0x12f: {  	v3 =	vld [tilespmem:$0xA70];
	v2 =	vor.u32 v38, v2;
	_ =	sdelay $0x3  }
0x130: {  	[tilespmem:$0xD250] =	vst v1  }
0x131: {  	v1 =	vld.idx.msk [tilespmem:v2+s14+$0x0], $0xffff;
	v2 =	vand.u32 $0xF, v3  }
0x132: {  	v3 =	vld [tilespmem:$0xA80];
	v2 =	vor.u32 v39, v2;
	_ =	sdelay $0x3  }
0x133: {  	[tilespmem:$0xD260] =	vst v1  }
0x134: {  	v1 =	vld.idx.msk [tilespmem:v2+s14+$0x0], $0xffff;
	v2 =	vand.u32 $0xF, v3  }
0x135: {  	v3 =	vld [tilespmem:$0xA90];
	v2 =	vor.u32 v40, v2;
	_ =	sdelay $0x3  }
0x136: {  	[tilespmem:$0xD270] =	vst v1  }
0x137: {  	v1 =	vld.idx.msk [tilespmem:v2+s14+$0x0], $0xffff;
	v2 =	vand.u32 $0xF, v3  }
0x138: {  	v3 =	vld [tilespmem:$0xAA0];
	v2 =	vor.u32 v41, v2;
	_ =	sdelay $0x3  }
0x139: {  	[tilespmem:$0xD280] =	vst v1  }
0x13a: {  	v1 =	vld.idx.msk [tilespmem:v2+s14+$0x0], $0xffff;
	v2 =	vand.u32 $0xF, v3  }
0x13b: {  	v3 =	vld [tilespmem:$0xAB0];
	v2 =	vor.u32 v42, v2;
	_ =	sdelay $0x3  }
0x13c: {  	[tilespmem:$0xD290] =	vst v1  }
0x13d: {  	v1 =	vld.idx.msk [tilespmem:v2+s14+$0x0], $0xffff;
	v2 =	vand.u32 $0xF, v3  }
0x13e: {  	v3 =	vld [tilespmem:$0xAC0];
	v2 =	vor.u32 v43, v2;
	_ =	sdelay $0x3  }
0x13f: {  	[tilespmem:$0xD2A0] =	vst v1  }
0x140: {  	v1 =	vld.idx.msk [tilespmem:v2+s14+$0x0], $0xffff;
	v2 =	vand.u32 $0xF, v3  }
0x141: {  	v3 =	vld [tilespmem:$0xAD0];
	v2 =	vor.u32 v44, v2;
	_ =	sdelay $0x3  }
0x142: {  	[tilespmem:$0xD2B0] =	vst v1  }
0x143: {  	v1 =	vld.idx.msk [tilespmem:v2+s14+$0x0], $0xffff;
	v2 =	vand.u32 $0xF, v3  }
0x144: {  	v3 =	vld [tilespmem:$0xAE0];
	v2 =	vor.u32 v45, v2;
	_ =	sdelay $0x3  }
0x145: {  	[tilespmem:$0xD2C0] =	vst v1  }
0x146: {  	v1 =	vld.idx.msk [tilespmem:v2+s14+$0x0], $0xffff;
	v2 =	vand.u32 $0xF, v3  }
0x147: {  	v3 =	vld [tilespmem:$0xAF0];
	v2 =	vor.u32 v46, v2;
	_ =	sdelay $0x3  }
0x148: {  	[tilespmem:$0xD2D0] =	vst v1  }
0x149: {  	v1 =	vld.idx.msk [tilespmem:v2+s14+$0x0], $0xffff;
	v2 =	vand.u32 $0xF, v3  }
0x14a: {  	v3 =	vld [tilespmem:$0xB00];
	v2 =	vor.u32 v47, v2;
	_ =	sdelay $0x3  }
0x14b: {  	[tilespmem:$0xD2E0] =	vst v1  }
0x14c: {  	v1 =	vld.idx.msk [tilespmem:v2+s14+$0x0], $0xffff;
	v2 =	vand.u32 $0xF, v3  }
0x14d: {  	v3 =	vld [tilespmem:$0xB10];
	v2 =	vor.u32 v48, v2;
	_ =	sdelay $0x3  }
0x14e: {  	[tilespmem:$0xD2F0] =	vst v1  }
0x14f: {  	v1 =	vld.idx.msk [tilespmem:v2+s14+$0x0], $0xffff;
	v2 =	vand.u32 $0xF, v3  }
0x150: {  	v3 =	vld [tilespmem:$0xB20];
	v2 =	vor.u32 v49, v2;
	_ =	sdelay $0x3  }
0x151: {  	[tilespmem:$0xD300] =	vst v1  }
0x152: {  	v1 =	vld.idx.msk [tilespmem:v2+s14+$0x0], $0xffff;
	v2 =	vand.u32 $0xF, v3  }
0x153: {  	v3 =	vld [tilespmem:$0xB30];
	v2 =	vor.u32 v50, v2;
	_ =	sdelay $0x3  }
0x154: {  	[tilespmem:$0xD310] =	vst v1  }
0x155: {  	v1 =	vld.idx.msk [tilespmem:v2+s14+$0x0], $0xffff;
	v2 =	vand.u32 $0xF, v3  }
0x156: {  	v3 =	vld [tilespmem:$0xB40];
	v2 =	vor.u32 v51, v2;
	_ =	sdelay $0x3  }
0x157: {  	[tilespmem:$0xD320] =	vst v1  }
0x158: {  	v1 =	vld.idx.msk [tilespmem:v2+s14+$0x0], $0xffff;
	v2 =	vand.u32 $0xF, v3  }
0x159: {  	v3 =	vld [tilespmem:$0xB50];
	v2 =	vor.u32 v52, v2;
	_ =	sdelay $0x3  }
0x15a: {  	[tilespmem:$0xD330] =	vst v1  }
0x15b: {  	v1 =	vld.idx.msk [tilespmem:v2+s14+$0x0], $0xffff;
	v2 =	vand.u32 $0xF, v3  }
0x15c: {  	v3 =	vld [tilespmem:$0xB60];
	v2 =	vor.u32 v53, v2;
	_ =	sdelay $0x3  }
0x15d: {  	[tilespmem:$0xD340] =	vst v1  }
0x15e: {  	v1 =	vld.idx.msk [tilespmem:v2+s14+$0x0], $0xffff;
	v2 =	vand.u32 $0xF, v3  }
0x15f: {  	v3 =	vld [tilespmem:$0xB70];
	v2 =	vor.u32 v54, v2;
	_ =	sdelay $0x3  }
0x160: {  	[tilespmem:$0xD350] =	vst v1  }
0x161: {  	v1 =	vld.idx.msk [tilespmem:v2+s14+$0x0], $0xffff;
	v2 =	vand.u32 $0xF, v3  }
0x162: {  	v3 =	vld [tilespmem:$0xB80];
	v2 =	vor.u32 v55, v2;
	_ =	sdelay $0x3  }
0x163: {  	[tilespmem:$0xD360] =	vst v1  }
0x164: {  	v1 =	vld.idx.msk [tilespmem:v2+s14+$0x0], $0xffff;
	v2 =	vand.u32 $0xF, v3  }
0x165: {  	v3 =	vld [tilespmem:$0xB90];
	v2 =	vor.u32 v56, v2;
	_ =	sdelay $0x3  }
0x166: {  	[tilespmem:$0xD370] =	vst v1  }
0x167: {  	v1 =	vld.idx.msk [tilespmem:v2+s14+$0x0], $0xffff;
	v2 =	vand.u32 $0xF, v3  }
0x168: {  	v3 =	vld [tilespmem:$0xBA0];
	v2 =	vor.u32 v57, v2;
	_ =	sdelay $0x3  }
0x169: {  	[tilespmem:$0xD380] =	vst v1  }
0x16a: {  	v1 =	vld.idx.msk [tilespmem:v2+s14+$0x0], $0xffff;
	v2 =	vand.u32 $0xF, v3  }
0x16b: {  	v3 =	vld [tilespmem:$0xBB0];
	v2 =	vor.u32 v58, v2;
	_ =	sdelay $0x3  }
0x16c: {  	[tilespmem:$0xD390] =	vst v1  }
0x16d: {  	v1 =	vld.idx.msk [tilespmem:v2+s14+$0x0], $0xffff;
	v2 =	vand.u32 $0xF, v3  }
0x16e: {  	v3 =	vld [tilespmem:$0xBC0];
	v2 =	vor.u32 v59, v2;
	_ =	sdelay $0x3  }
0x16f: {  	[tilespmem:$0xD3A0] =	vst v1  }
0x170: {  	v1 =	vld.idx.msk [tilespmem:v2+s14+$0x0], $0xffff;
	v2 =	vand.u32 $0xF, v3  }
0x171: {  	v3 =	vld [tilespmem:$0xBD0];
	v2 =	vor.u32 v60, v2;
	_ =	sdelay $0x3  }
0x172: {  	[tilespmem:$0xD3B0] =	vst v1  }
0x173: {  	v1 =	vld.idx.msk [tilespmem:v2+s14+$0x0], $0xffff;
	v2 =	vand.u32 $0xF, v3  }
0x174: {  	v3 =	vld [tilespmem:$0xBE0];
	v2 =	vor.u32 v61, v2;
	_ =	sdelay $0x3  }
0x175: {  	[tilespmem:$0xD3C0] =	vst v1  }
0x176: {  	v1 =	vld.idx.msk [tilespmem:v2+s14+$0x0], $0xffff;
	v2 =	vand.u32 $0xF, v3  }
0x177: {  	v3 =	vld [tilespmem:$0xBF0];
	v2 =	vor.u32 v62, v2;
	_ =	sdelay $0x3  }
0x178: {  	[tilespmem:$0xD3D0] =	vst v1  }
0x179: {  	v1 =	vld.idx.msk [tilespmem:v2+s14+$0x0], $0xffff;
	v2 =	vand.u32 $0xF, v3  }
0x17a: {  	v2 =	vor.u32 v63, v2;
	_ =	sdelay $0x3  }
0x17b: {  	[tilespmem:$0xD3E0] =	vst v1  }
0x17c: {  	v1 =	vld.idx.msk [tilespmem:v2+s14+$0x0], $0xffff;
	_ =	sdelay $0x4  }
0x17d: {  	s11 =	rddreg [dreg:$0x9];
	[tilespmem:$0xD3F0] =	vst v1  }
0x17e: {  	[hbm4b:s11+s3] =	stream.linear.scatter [tilespmem:s9], [sflag:$0x3], $0x8000, $0x38;
	[tilespmem:$0xD400] =	vst v63  }
0x17f: {  	_ =	swait.ge [sflag:s6], $0x8000  }
0x180: {  	p0 =	sne.s32 s5, $0x1;
	[sflag:s6] =	ssyncset.done $0x0  }
.Ltmp0:
0x181: {  	s12 =	rddreg [dreg:$0xa];
	[sflag:s6] =	ssyncadd.s32 $0xFFFF8000;
	(pc) =	sbr.rel @p0 .LBB2_1-.Ltmp0, $4  }
0x182: {  	[hbm4b:s12+s3] =	stream.linear.scatter [tilespmem:s2], [sflag:$0x3], $0x400, $0x38;
	[tilespmem:$0xD400] =	vst v63  }
0x183: {  	_ =	swait.ge [sflag:s6], $0x400  }
0x184: {  	[sflag:s6] =	ssyncset.done $0x0  }
0x185: {  	s5 =	sadd.s32 $0xFFFFFFFF, s5;
	[sflag:s6] =	ssyncadd.s32 $0xFFFFFC00  }
0x186: {  	_ =	sfence.sel $0x180000  }
0x187: {  	[bflag:$0x0] =	sbarrier.arrive $0xFFFF  }
0x188: {  	_ =	strace $0x90000047  }
0x189: {  	s0 =	stileid.u32;
	[bflag:$0x2] =	sbarrier.arrive $0xFFFF  }
0x18a: {  	p0 =	sne.s32 s0, $0x0;
	s0 =	rddreg [dreg:$0x5]  }
0x18b: {  	s0 =	sadd.s32 @!p0 $0x100000, s0  }
0x18c: {  	[sflag:s0] =	ssyncadd.tile.s32 @!p0 $0x1;
	_ =	shalt  }
.Lfunc_end2:
_tile_overlayer_lowered:
.L_overlay_start_2:
0x18d: {  	(tag) =	ssettag $0x2  }
0x18e: {  	s0 =	rddreg [dreg:$0x0];
	s2 =	stileid.u32  }
0x18f: {  	s1 =	rddreg [dreg:$0x1];
	p0 =	sne.s32 s2, $0x0  }
0x190: {  	s3 =	rddreg [dreg:$0x2];
	[bflag:$0x3] =	sbarrier.arrive $0xFFFF;
	s2 =	simm.s32 @!p0 $0x1C03  }
0x191: {  	[timem:s3], [sflag:s2] =	dma.local @!p0 [hbm:s0], s1  }
0x192: {  	s0 =	simm.s32 @!p0 $0x3  }
0x193: {  	_ =	swait.ge @!p0 [sflag:s0], s1  }
0x194: {  	s1 =	ssub.s32 @!p0 $0x0, s1;
	[sflag:s0] =	ssyncset.done @!p0 $0x0  }
0x195: {  	[sflag:s0] =	ssyncadd.s32 @!p0 s1  }
0x196: {  	[bflag:$0x3] =	sbarrier.arrive $0xFFFF  }
0x197: {  	_ =	shalt  }

</sc_bundles>
